<compile_context>
chip_gen: v7x
topology: tpu7x:2x2x1
jax: 0.10.2.dev20260603
libtpu: 0.0.44.dev20260713+nightly
codegen_flags: <defaults>
</compile_context>

<pallas_src>
import functools

import jax
import jax.numpy as jnp
from jax import lax
from jax.experimental import pallas as pl
from jax.experimental.pallas import tpu as pltpu
from jax.experimental.pallas import tpu_sc as plsc

D = 32
L_KW = 20
NNEG = 4
LANES = 16
NC, NS = 2, 16
NW = NC * NS
CH = 128
NIT = 1 + NNEG


def _splat(v):
    return jnp.full((LANES,), v, jnp.int32)


def _fm_diffs_sc(utab, itab, ktab, uid, iid, kw_flat, qs, negid):
    B = uid.shape[0]
    nkw = ktab.shape[0]
    per_w = B // NW
    n_chunks = per_w // CH
    mesh = plsc.VectorSubcoreMesh(core_axis_name="c", subcore_axis_name="s")

    @functools.partial(
        pl.kernel,
        mesh=mesh,
        out_type=jax.ShapeDtypeStruct((NNEG, B), jnp.float32),
        compiler_params=pltpu.CompilerParams(
            needs_layout_passes=False, use_tc_tiling_on_sc=False),
        scratch_types=[
            pltpu.VMEM((CH,), jnp.int32),
            pltpu.VMEM((NIT * CH,), jnp.int32),
            pltpu.VMEM((CH,), jnp.int32),
            pltpu.VMEM((CH * L_KW,), jnp.int32),
            pltpu.VMEM((CH * L_KW,), jnp.int32),
            pltpu.VMEM((CH, D), jnp.float32),
            pltpu.VMEM((NIT * CH, D), jnp.float32),
            pltpu.VMEM((CH * L_KW, D), jnp.float32),
            pltpu.VMEM((NNEG, CH), jnp.float32),
            pltpu.SemaphoreType.DMA,
        ],
    )
    def k(utab_h, itab_h, ktab_h, uid_h, iid_h, kw_h, qs_h, neg_h, out_h,
          uid_v, itid_v, qs_v, kwraw_v, kwc_v, urows, itnegrows,
          kwrows, out_v, sem):
        wid = lax.axis_index("s") * NC + lax.axis_index("c")
        iota = lax.iota(jnp.int32, LANES)

        def chunk_body(c, carry):
            base = wid * per_w + c * CH
            descs = [
                pltpu.async_copy(uid_h.at[pl.ds(base, CH)], uid_v, sem),
                pltpu.async_copy(iid_h.at[pl.ds(base, CH)],
                                 itid_v.at[pl.ds(0, CH)], sem),
                pltpu.async_copy(qs_h.at[pl.ds(base, CH)], qs_v, sem),
                pltpu.async_copy(kw_h.at[pl.ds(base * L_KW, CH * L_KW)],
                                 kwraw_v, sem),
            ]
            for n in range(NNEG):
                descs.append(pltpu.async_copy(
                    neg_h.at[n, pl.ds(base, CH)],
                    itid_v.at[pl.ds((1 + n) * CH, CH)], sem))
            for dsc in descs:
                dsc.wait()

            def clamp_body(j, carry2):
                ids = kwraw_v[pl.ds(j * LANES, LANES)]
                kwc_v[pl.ds(j * LANES, LANES)] = jnp.where(ids < nkw, ids, 0)
                return carry2
            lax.fori_loop(0, CH * L_KW // LANES, clamp_body, 0)

            gds = [
                pltpu.async_copy(utab_h.at[uid_v], urows, sem),
                pltpu.async_copy(itab_h.at[itid_v], itnegrows, sem),
                pltpu.async_copy(ktab_h.at[kwc_v], kwrows, sem),
            ]
            for dsc in gds:
                dsc.wait()

            def group_body(g, carry2):
                s_loc = g * LANES + iota
                s20 = s_loc * L_KW
                zero = jnp.zeros((LANES,), jnp.float32)

                def l_body(l, acc):
                    idx = s20 + l
                    ids16 = plsc.load_gather(kwraw_v, [idx])
                    m = ids16 < nkw
                    new = []
                    for d in range(D):
                        v = plsc.load_gather(kwrows, [idx, _splat(d)])
                        new.append(acc[d] + jnp.where(m, v, 0.0))
                    return tuple(new)

                acc = lax.fori_loop(0, L_KW, l_body, (zero,) * D)
                qs16 = plsc.load_gather(qs_v, [s_loc])
                qsf = jnp.clip(qs16, 1, L_KW).astype(jnp.float32)
                inv = 1.0 / qsf
                q = [a * inv for a in acc]

                a = zero
                b = [zero] * NNEG
                for d in range(D):
                    dcol = _splat(d)
                    ud = plsc.load_gather(urows, [s_loc, dcol])
                    itd = plsc.load_gather(itnegrows, [s_loc, dcol])
                    sd = ud + q[d]
                    a = a + sd * itd
                    for n in range(NNEG):
                        nd = plsc.load_gather(
                            itnegrows, [_splat((1 + n) * CH) + s_loc, dcol])
                        b[n] = b[n] + sd * nd
                for n in range(NNEG):
                    plsc.store_scatter(out_v, [_splat(n), s_loc], a - b[n])
                return carry2

            lax.fori_loop(0, CH // LANES, group_body, 0)

            wds = [pltpu.async_copy(out_v.at[n], out_h.at[n, pl.ds(base, CH)],
                                    sem) for n in range(NNEG)]
            for dsc in wds:
                dsc.wait()
            return carry

        lax.fori_loop(0, n_chunks, chunk_body, 0)

    return k(utab, itab, ktab, uid, iid, kw_flat, qs, negid)


def _loss_tc(diffs):
    nb = diffs.shape[0] * diffs.shape[1]

    def body(x_ref, o_ref):
        x = x_ref[...]
        sp = jnp.maximum(-x, 0.0) + jnp.log1p(jnp.exp(-jnp.abs(x)))
        o_ref[...] = jnp.sum(sp, keepdims=True) * (1.0 / nb)

    return pl.pallas_call(
        body,
        out_shape=jax.ShapeDtypeStruct((1, 1), jnp.float32),
    )(diffs)


def kernel(user_table, item_table, keyword_table, user_ids, item_ids,
           keyword_ids, query_sizes, negative_item_ids):
    uid = user_ids.astype(jnp.int32)
    iid = item_ids.astype(jnp.int32)
    kw_flat = keyword_ids.astype(jnp.int32).reshape(-1)
    qs = query_sizes.astype(jnp.int32)
    neg = negative_item_ids.astype(jnp.int32)
    diffs = _fm_diffs_sc(user_table, item_table, keyword_table,
                         uid, iid, kw_flat, qs, neg)
    return _loss_tc(diffs)[0, 0]

# --- scband reference (transcript-rebuilt; emitter-appended) ---
"""Pipeline reference for scband-factorization-machine-66460323938527 (READ-ONLY COPY).

The authoritative reference and input builder live on the scoring server;
editing this copy changes nothing except your own understanding.
"""

import jax, jax.numpy as jnp
import numpy as np

NUM_USER = 1000000
NUM_ITEM = 1000000
NUM_KEYWORD = 100000
EMBED_DIM = 32
B = 16384
L = 20
NUM_NEG = 4


def _score(u, i, q):
    # FM pairwise interaction score over three fields: u.i + u.q + i.q
    return jnp.sum(u * i + u * q + i * q, axis=-1)


def _logsigmoid(x):
    return -jax.nn.softplus(-x)


def setup_inputs(seed: int = 0) -> dict:
    key = jax.random.key(seed)
    ks = jax.random.split(key, 8)
    user_ids = jax.random.randint(ks[0], (B,), 0, NUM_USER, dtype=jnp.int64) if jax.config.jax_enable_x64 else jax.random.randint(ks[0], (B,), 0, NUM_USER)
    item_ids = jax.random.randint(ks[1], (B,), 0, NUM_ITEM)
    keyword_ids = jax.random.randint(ks[2], (B, L), 0, NUM_KEYWORD + 2)
    query_sizes = jax.random.randint(ks[3], (B,), 1, L + 1)
    negative_item_ids = jax.random.randint(ks[4], (NUM_NEG, B), 0, NUM_ITEM)
    user_table = jax.random.normal(ks[5], (NUM_USER, EMBED_DIM), dtype=jnp.float32) * (1.0 / EMBED_DIM)
    item_table = jax.random.normal(ks[6], (NUM_ITEM, EMBED_DIM), dtype=jnp.float32) * (1.0 / EMBED_DIM)
    keyword_table = jax.random.normal(ks[7], (NUM_KEYWORD, EMBED_DIM), dtype=jnp.float32) * (1.0 / EMBED_DIM)
    return {
        "user_table": user_table,
        "item_table": item_table,
        "keyword_table": keyword_table,
        "user_ids": user_ids,
        "item_ids": item_ids,
        "keyword_ids": keyword_ids,
        "query_sizes": query_sizes,
        "negative_item_ids": negative_item_ids,
    }


def reference(user_table, item_table, keyword_table, user_ids, item_ids,
              keyword_ids, query_sizes, negative_item_ids):
    # embedding gathers
    u = jnp.take(user_table, user_ids, axis=0)            # [B, D]
    it = jnp.take(item_table, item_ids, axis=0)           # [B, D]
    # extended keyword table with 2 extra zero (padding) rows
    ext = jnp.concatenate([keyword_table, jnp.zeros((2, EMBED_DIM), dtype=keyword_table.dtype)], axis=0)
    kw = jnp.take(ext, keyword_ids, axis=0)               # [B, L, D]
    qs = jnp.clip(query_sizes, 1, L).astype(kw.dtype)
    q = jnp.sum(kw, axis=1) / qs[:, None]                 # mean aggregation [B, D]

    pos = _score(u, it, q)                                # [B]
    loss = jnp.float32(0.0)
    for n in range(NUM_NEG):
        neg_it = jnp.take(item_table, negative_item_ids[n], axis=0)
        neg = _score(u, neg_it, q)
        loss = loss + (-jnp.mean(_logsigmoid(pos - neg)))  # BPR loss
    loss = loss / NUM_NEG
    return loss

if __name__ == "__main__":
    import jax
    _d = setup_inputs()
    print(jax.jit(kernel)(*tuple(_d.values())))

</pallas_src>

<mosaic_0001>
#map = affine_map<(d0, d1) -> (0, 0)>
#map1 = affine_map<(d0, d1) -> (0)>
module attributes {stable_mosaic.version = 14 : i64} {
  func.func @k(%arg0: i32, %arg1: i32, %arg2: memref<1000000x32xf32, #tpu.memory_space<hbm>>, %arg3: memref<1000000x32xf32, #tpu.memory_space<hbm>>, %arg4: memref<100000x32xf32, #tpu.memory_space<hbm>>, %arg5: memref<16384xi32, #tpu.memory_space<hbm>>, %arg6: memref<16384xi32, #tpu.memory_space<hbm>>, %arg7: memref<327680xi32, #tpu.memory_space<hbm>>, %arg8: memref<16384xi32, #tpu.memory_space<hbm>>, %arg9: memref<4x16384xi32, #tpu.memory_space<hbm>>, %arg10: memref<4x16384xf32, #tpu.memory_space<hbm>>, %arg11: memref<128xi32, #tpu.memory_space<vmem>>, %arg12: memref<640xi32, #tpu.memory_space<vmem>>, %arg13: memref<128xi32, #tpu.memory_space<vmem>>, %arg14: memref<2560xi32, #tpu.memory_space<vmem>>, %arg15: memref<2560xi32, #tpu.memory_space<vmem>>, %arg16: memref<128x32xf32, #tpu.memory_space<vmem>>, %arg17: memref<640x32xf32, #tpu.memory_space<vmem>>, %arg18: memref<2560x32xf32, #tpu.memory_space<vmem>>, %arg19: memref<4x128xf32, #tpu.memory_space<vmem>>, %arg20: memref<!tpu.dma_semaphore, #tpu.memory_space<semaphore_mem>>) attributes {dimension_semantics = [#tpu.dimension_semantics<core_parallel>, #tpu.dimension_semantics<subcore_parallel>], iteration_bounds = array<i64: 2, 16>, scalar_prefetch = 0 : i64, scratch_operands = 10 : i64, tpu.core_type = #tpu.core_type<sc_vector_subcore>, window_params = [{transform_indices = #map}, {transform_indices = #map}, {transform_indices = #map}, {transform_indices = #map1}, {transform_indices = #map1}, {transform_indices = #map1}, {transform_indices = #map1}, {transform_indices = #map}, {transform_indices = #map}]} {
    %mul3A = arith.constant 2 : i32
    %mul3A_0 = arith.muli %arg1, %mul3A : i32
    %add3A = arith.addi %mul3A_0, %arg0 : i32
    %iota3A = tpu.iota {dimensions = array<i32: 0>} : vector<16xi32>
    %scan3A = arith.constant 0 : i32
    %scan3A_1 = arith.constant 0 : i32
    %scan3A_2 = arith.constant 4 : i32
    %scan3A_3 = arith.addi %scan3A_1, %scan3A_2 : i32
    %scan3A_4 = arith.constant 1 : i32
    scf.for %scan3A_6 = %scan3A_1 to %scan3A_3 step %scan3A_4  : i32 {
      %mul3A_7 = arith.constant 512 : i32
      %mul3A_8 = arith.muli %add3A, %mul3A_7 : i32
      %mul3A_9 = arith.constant 128 : i32
      %mul3A_10 = arith.muli %scan3A_6, %mul3A_9 : i32
      %add3A_11 = arith.addi %mul3A_8, %mul3A_10 : i32
      %dma_start3A = tpu.memref_slice %arg5[%add3A_11] : memref<16384xi32, #tpu.memory_space<hbm>> -> memref<128xi32, #tpu.memory_space<hbm>>
      %dma_start3A_12 = tpu.memref_slice %arg5[%add3A_11] : memref<16384xi32, #tpu.memory_space<hbm>> -> memref<128xi32, #tpu.memory_space<hbm>>
      tpu.enqueue_dma source(%dma_start3A_12 : memref<128xi32, #tpu.memory_space<hbm>>) target(%arg11 : memref<128xi32, #tpu.memory_space<vmem>>) target_semaphore(%arg20 : memref<!tpu.dma_semaphore, #tpu.memory_space<semaphore_mem>>)
      %dma_start3A_13 = arith.constant 0 : i32
      %dma_start3A_14 = tpu.memref_slice %arg12[%dma_start3A_13] : memref<640xi32, #tpu.memory_space<vmem>> -> memref<128xi32, #tpu.memory_space<vmem>>
      %dma_start3A_15 = tpu.memref_slice %arg6[%add3A_11] : memref<16384xi32, #tpu.memory_space<hbm>> -> memref<128xi32, #tpu.memory_space<hbm>>
      %dma_start3A_16 = arith.constant 0 : i32
      %dma_start3A_17 = tpu.memref_slice %arg12[%dma_start3A_16] : memref<640xi32, #tpu.memory_space<vmem>> -> memref<128xi32, #tpu.memory_space<vmem>>
      %dma_start3A_18 = tpu.memref_slice %arg6[%add3A_11] : memref<16384xi32, #tpu.memory_space<hbm>> -> memref<128xi32, #tpu.memory_space<hbm>>
      tpu.enqueue_dma source(%dma_start3A_18 : memref<128xi32, #tpu.memory_space<hbm>>) target(%dma_start3A_17 : memref<128xi32, #tpu.memory_space<vmem>>) target_semaphore(%arg20 : memref<!tpu.dma_semaphore, #tpu.memory_space<semaphore_mem>>)
      %dma_start3A_19 = tpu.memref_slice %arg8[%add3A_11] : memref<16384xi32, #tpu.memory_space<hbm>> -> memref<128xi32, #tpu.memory_space<hbm>>
      %dma_start3A_20 = tpu.memref_slice %arg8[%add3A_11] : memref<16384xi32, #tpu.memory_space<hbm>> -> memref<128xi32, #tpu.memory_space<hbm>>
      tpu.enqueue_dma source(%dma_start3A_20 : memref<128xi32, #tpu.memory_space<hbm>>) target(%arg13 : memref<128xi32, #tpu.memory_space<vmem>>) target_semaphore(%arg20 : memref<!tpu.dma_semaphore, #tpu.memory_space<semaphore_mem>>)
      %mul3A_21 = arith.constant 20 : i32
      %mul3A_22 = arith.muli %add3A_11, %mul3A_21 : i32
      %dma_start3A_23 = tpu.memref_slice %arg7[%mul3A_22] : memref<327680xi32, #tpu.memory_space<hbm>> -> memref<2560xi32, #tpu.memory_space<hbm>>
      %dma_start3A_24 = tpu.memref_slice %arg7[%mul3A_22] : memref<327680xi32, #tpu.memory_space<hbm>> -> memref<2560xi32, #tpu.memory_space<hbm>>
      tpu.enqueue_dma source(%dma_start3A_24 : memref<2560xi32, #tpu.memory_space<hbm>>) target(%arg14 : memref<2560xi32, #tpu.memory_space<vmem>>) target_semaphore(%arg20 : memref<!tpu.dma_semaphore, #tpu.memory_space<semaphore_mem>>)
      %dma_start3A_25 = arith.constant 0 : i32
      %dma_start3A_26 = arith.constant 128 : i32
      %dma_start3A_27 = tpu.memref_slice %arg12[%dma_start3A_26] : memref<640xi32, #tpu.memory_space<vmem>> -> memref<128xi32, #tpu.memory_space<vmem>>
      %dma_start3A_28 = tpu.memref_slice %arg9[%dma_start3A_25, %add3A_11] : memref<4x16384xi32, #tpu.memory_space<hbm>> -> memref<1x128xi32, #tpu.memory_space<hbm>>
      %dma_start3A_29 = tpu.memref_squeeze %dma_start3A_28 : memref<1x128xi32, #tpu.memory_space<hbm>> -> memref<128xi32, #tpu.memory_space<hbm>>
      %dma_start3A_30 = arith.constant 128 : i32
      %dma_start3A_31 = tpu.memref_slice %arg12[%dma_start3A_30] : memref<640xi32, #tpu.memory_space<vmem>> -> memref<128xi32, #tpu.memory_space<vmem>>
      %dma_start3A_32 = tpu.memref_slice %arg9[%dma_start3A_25, %add3A_11] : memref<4x16384xi32, #tpu.memory_space<hbm>> -> memref<1x128xi32, #tpu.memory_space<hbm>>
      %dma_start3A_33 = tpu.memref_squeeze %dma_start3A_32 : memref<1x128xi32, #tpu.memory_space<hbm>> -> memref<128xi32, #tpu.memory_space<hbm>>
      tpu.enqueue_dma source(%dma_start3A_33 : memref<128xi32, #tpu.memory_space<hbm>>) target(%dma_start3A_31 : memref<128xi32, #tpu.memory_space<vmem>>) target_semaphore(%arg20 : memref<!tpu.dma_semaphore, #tpu.memory_space<semaphore_mem>>)
      %dma_start3A_34 = arith.constant 1 : i32
      %dma_start3A_35 = arith.constant 256 : i32
      %dma_start3A_36 = tpu.memref_slice %arg12[%dma_start3A_35] : memref<640xi32, #tpu.memory_space<vmem>> -> memref<128xi32, #tpu.memory_space<vmem>>
      %dma_start3A_37 = tpu.memref_slice %arg9[%dma_start3A_34, %add3A_11] : memref<4x16384xi32, #tpu.memory_space<hbm>> -> memref<1x128xi32, #tpu.memory_space<hbm>>
      %dma_start3A_38 = tpu.memref_squeeze %dma_start3A_37 : memref<1x128xi32, #tpu.memory_space<hbm>> -> memref<128xi32, #tpu.memory_space<hbm>>
      %dma_start3A_39 = arith.constant 256 : i32
      %dma_start3A_40 = tpu.memref_slice %arg12[%dma_start3A_39] : memref<640xi32, #tpu.memory_space<vmem>> -> memref<128xi32, #tpu.memory_space<vmem>>
      %dma_start3A_41 = tpu.memref_slice %arg9[%dma_start3A_34, %add3A_11] : memref<4x16384xi32, #tpu.memory_space<hbm>> -> memref<1x128xi32, #tpu.memory_space<hbm>>
      %dma_start3A_42 = tpu.memref_squeeze %dma_start3A_41 : memref<1x128xi32, #tpu.memory_space<hbm>> -> memref<128xi32, #tpu.memory_space<hbm>>
      tpu.enqueue_dma source(%dma_start3A_42 : memref<128xi32, #tpu.memory_space<hbm>>) target(%dma_start3A_40 : memref<128xi32, #tpu.memory_space<vmem>>) target_semaphore(%arg20 : memref<!tpu.dma_semaphore, #tpu.memory_space<semaphore_mem>>)
      %dma_start3A_43 = arith.constant 2 : i32
      %dma_start3A_44 = arith.constant 384 : i32
      %dma_start3A_45 = tpu.memref_slice %arg12[%dma_start3A_44] : memref<640xi32, #tpu.memory_space<vmem>> -> memref<128xi32, #tpu.memory_space<vmem>>
      %dma_start3A_46 = tpu.memref_slice %arg9[%dma_start3A_43, %add3A_11] : memref<4x16384xi32, #tpu.memory_space<hbm>> -> memref<1x128xi32, #tpu.memory_space<hbm>>
      %dma_start3A_47 = tpu.memref_squeeze %dma_start3A_46 : memref<1x128xi32, #tpu.memory_space<hbm>> -> memref<128xi32, #tpu.memory_space<hbm>>
      %dma_start3A_48 = arith.constant 384 : i32
      %dma_start3A_49 = tpu.memref_slice %arg12[%dma_start3A_48] : memref<640xi32, #tpu.memory_space<vmem>> -> memref<128xi32, #tpu.memory_space<vmem>>
      %dma_start3A_50 = tpu.memref_slice %arg9[%dma_start3A_43, %add3A_11] : memref<4x16384xi32, #tpu.memory_space<hbm>> -> memref<1x128xi32, #tpu.memory_space<hbm>>
      %dma_start3A_51 = tpu.memref_squeeze %dma_start3A_50 : memref<1x128xi32, #tpu.memory_space<hbm>> -> memref<128xi32, #tpu.memory_space<hbm>>
      tpu.enqueue_dma source(%dma_start3A_51 : memref<128xi32, #tpu.memory_space<hbm>>) target(%dma_start3A_49 : memref<128xi32, #tpu.memory_space<vmem>>) target_semaphore(%arg20 : memref<!tpu.dma_semaphore, #tpu.memory_space<semaphore_mem>>)
      %dma_start3A_52 = arith.constant 3 : i32
      %dma_start3A_53 = arith.constant 512 : i32
      %dma_start3A_54 = tpu.memref_slice %arg12[%dma_start3A_53] : memref<640xi32, #tpu.memory_space<vmem>> -> memref<128xi32, #tpu.memory_space<vmem>>
      %dma_start3A_55 = tpu.memref_slice %arg9[%dma_start3A_52, %add3A_11] : memref<4x16384xi32, #tpu.memory_space<hbm>> -> memref<1x128xi32, #tpu.memory_space<hbm>>
      %dma_start3A_56 = tpu.memref_squeeze %dma_start3A_55 : memref<1x128xi32, #tpu.memory_space<hbm>> -> memref<128xi32, #tpu.memory_space<hbm>>
      %dma_start3A_57 = arith.constant 512 : i32
      %dma_start3A_58 = tpu.memref_slice %arg12[%dma_start3A_57] : memref<640xi32, #tpu.memory_space<vmem>> -> memref<128xi32, #tpu.memory_space<vmem>>
      %dma_start3A_59 = tpu.memref_slice %arg9[%dma_start3A_52, %add3A_11] : memref<4x16384xi32, #tpu.memory_space<hbm>> -> memref<1x128xi32, #tpu.memory_space<hbm>>
      %dma_start3A_60 = tpu.memref_squeeze %dma_start3A_59 : memref<1x128xi32, #tpu.memory_space<hbm>> -> memref<128xi32, #tpu.memory_space<hbm>>
      tpu.enqueue_dma source(%dma_start3A_60 : memref<128xi32, #tpu.memory_space<hbm>>) target(%dma_start3A_58 : memref<128xi32, #tpu.memory_space<vmem>>) target_semaphore(%arg20 : memref<!tpu.dma_semaphore, #tpu.memory_space<semaphore_mem>>)
      %dma_wait3A = tpu.memref_slice %arg5[%add3A_11] : memref<16384xi32, #tpu.memory_space<hbm>> -> memref<128xi32, #tpu.memory_space<hbm>>
      %dma_wait3A_61 = tpu.memref_slice %arg5[%add3A_11] : memref<16384xi32, #tpu.memory_space<hbm>> -> memref<128xi32, #tpu.memory_space<hbm>>
      tpu.wait_dma2 semaphore(%arg20 : memref<!tpu.dma_semaphore, #tpu.memory_space<semaphore_mem>>) src(%dma_wait3A_61 : memref<128xi32, #tpu.memory_space<hbm>>) dst(%arg11 : memref<128xi32, #tpu.memory_space<vmem>>)
      %dma_wait3A_62 = arith.constant 0 : i32
      %dma_wait3A_63 = tpu.memref_slice %arg12[%dma_wait3A_62] : memref<640xi32, #tpu.memory_space<vmem>> -> memref<128xi32, #tpu.memory_space<vmem>>
      %dma_wait3A_64 = tpu.memref_slice %arg6[%add3A_11] : memref<16384xi32, #tpu.memory_space<hbm>> -> memref<128xi32, #tpu.memory_space<hbm>>
      %dma_wait3A_65 = arith.constant 0 : i32
      %dma_wait3A_66 = tpu.memref_slice %arg12[%dma_wait3A_65] : memref<640xi32, #tpu.memory_space<vmem>> -> memref<128xi32, #tpu.memory_space<vmem>>
      %dma_wait3A_67 = tpu.memref_slice %arg6[%add3A_11] : memref<16384xi32, #tpu.memory_space<hbm>> -> memref<128xi32, #tpu.memory_space<hbm>>
      tpu.wait_dma2 semaphore(%arg20 : memref<!tpu.dma_semaphore, #tpu.memory_space<semaphore_mem>>) src(%dma_wait3A_67 : memref<128xi32, #tpu.memory_space<hbm>>) dst(%dma_wait3A_66 : memref<128xi32, #tpu.memory_space<vmem>>)
      %dma_wait3A_68 = tpu.memref_slice %arg8[%add3A_11] : memref<16384xi32, #tpu.memory_space<hbm>> -> memref<128xi32, #tpu.memory_space<hbm>>
      %dma_wait3A_69 = tpu.memref_slice %arg8[%add3A_11] : memref<16384xi32, #tpu.memory_space<hbm>> -> memref<128xi32, #tpu.memory_space<hbm>>
      tpu.wait_dma2 semaphore(%arg20 : memref<!tpu.dma_semaphore, #tpu.memory_space<semaphore_mem>>) src(%dma_wait3A_69 : memref<128xi32, #tpu.memory_space<hbm>>) dst(%arg13 : memref<128xi32, #tpu.memory_space<vmem>>)
      %dma_wait3A_70 = tpu.memref_slice %arg7[%mul3A_22] : memref<327680xi32, #tpu.memory_space<hbm>> -> memref<2560xi32, #tpu.memory_space<hbm>>
      %dma_wait3A_71 = tpu.memref_slice %arg7[%mul3A_22] : memref<327680xi32, #tpu.memory_space<hbm>> -> memref<2560xi32, #tpu.memory_space<hbm>>
      tpu.wait_dma2 semaphore(%arg20 : memref<!tpu.dma_semaphore, #tpu.memory_space<semaphore_mem>>) src(%dma_wait3A_71 : memref<2560xi32, #tpu.memory_space<hbm>>) dst(%arg14 : memref<2560xi32, #tpu.memory_space<vmem>>)
      %dma_wait3A_72 = arith.constant 0 : i32
      %dma_wait3A_73 = arith.constant 128 : i32
      %dma_wait3A_74 = tpu.memref_slice %arg12[%dma_wait3A_73] : memref<640xi32, #tpu.memory_space<vmem>> -> memref<128xi32, #tpu.memory_space<vmem>>
      %dma_wait3A_75 = tpu.memref_slice %arg9[%dma_wait3A_72, %add3A_11] : memref<4x16384xi32, #tpu.memory_space<hbm>> -> memref<1x128xi32, #tpu.memory_space<hbm>>
      %dma_wait3A_76 = tpu.memref_squeeze %dma_wait3A_75 : memref<1x128xi32, #tpu.memory_space<hbm>> -> memref<128xi32, #tpu.memory_space<hbm>>
      %dma_wait3A_77 = arith.constant 128 : i32
      %dma_wait3A_78 = tpu.memref_slice %arg12[%dma_wait3A_77] : memref<640xi32, #tpu.memory_space<vmem>> -> memref<128xi32, #tpu.memory_space<vmem>>
      %dma_wait3A_79 = tpu.memref_slice %arg9[%dma_wait3A_72, %add3A_11] : memref<4x16384xi32, #tpu.memory_space<hbm>> -> memref<1x128xi32, #tpu.memory_space<hbm>>
      %dma_wait3A_80 = tpu.memref_squeeze %dma_wait3A_79 : memref<1x128xi32, #tpu.memory_space<hbm>> -> memref<128xi32, #tpu.memory_space<hbm>>
      tpu.wait_dma2 semaphore(%arg20 : memref<!tpu.dma_semaphore, #tpu.memory_space<semaphore_mem>>) src(%dma_wait3A_80 : memref<128xi32, #tpu.memory_space<hbm>>) dst(%dma_wait3A_78 : memref<128xi32, #tpu.memory_space<vmem>>)
      %dma_wait3A_81 = arith.constant 1 : i32
      %dma_wait3A_82 = arith.constant 256 : i32
      %dma_wait3A_83 = tpu.memref_slice %arg12[%dma_wait3A_82] : memref<640xi32, #tpu.memory_space<vmem>> -> memref<128xi32, #tpu.memory_space<vmem>>
      %dma_wait3A_84 = tpu.memref_slice %arg9[%dma_wait3A_81, %add3A_11] : memref<4x16384xi32, #tpu.memory_space<hbm>> -> memref<1x128xi32, #tpu.memory_space<hbm>>
      %dma_wait3A_85 = tpu.memref_squeeze %dma_wait3A_84 : memref<1x128xi32, #tpu.memory_space<hbm>> -> memref<128xi32, #tpu.memory_space<hbm>>
      %dma_wait3A_86 = arith.constant 256 : i32
      %dma_wait3A_87 = tpu.memref_slice %arg12[%dma_wait3A_86] : memref<640xi32, #tpu.memory_space<vmem>> -> memref<128xi32, #tpu.memory_space<vmem>>
      %dma_wait3A_88 = tpu.memref_slice %arg9[%dma_wait3A_81, %add3A_11] : memref<4x16384xi32, #tpu.memory_space<hbm>> -> memref<1x128xi32, #tpu.memory_space<hbm>>
      %dma_wait3A_89 = tpu.memref_squeeze %dma_wait3A_88 : memref<1x128xi32, #tpu.memory_space<hbm>> -> memref<128xi32, #tpu.memory_space<hbm>>
      tpu.wait_dma2 semaphore(%arg20 : memref<!tpu.dma_semaphore, #tpu.memory_space<semaphore_mem>>) src(%dma_wait3A_89 : memref<128xi32, #tpu.memory_space<hbm>>) dst(%dma_wait3A_87 : memref<128xi32, #tpu.memory_space<vmem>>)
      %dma_wait3A_90 = arith.constant 2 : i32
      %dma_wait3A_91 = arith.constant 384 : i32
      %dma_wait3A_92 = tpu.memref_slice %arg12[%dma_wait3A_91] : memref<640xi32, #tpu.memory_space<vmem>> -> memref<128xi32, #tpu.memory_space<vmem>>
      %dma_wait3A_93 = tpu.memref_slice %arg9[%dma_wait3A_90, %add3A_11] : memref<4x16384xi32, #tpu.memory_space<hbm>> -> memref<1x128xi32, #tpu.memory_space<hbm>>
      %dma_wait3A_94 = tpu.memref_squeeze %dma_wait3A_93 : memref<1x128xi32, #tpu.memory_space<hbm>> -> memref<128xi32, #tpu.memory_space<hbm>>
      %dma_wait3A_95 = arith.constant 384 : i32
      %dma_wait3A_96 = tpu.memref_slice %arg12[%dma_wait3A_95] : memref<640xi32, #tpu.memory_space<vmem>> -> memref<128xi32, #tpu.memory_space<vmem>>
      %dma_wait3A_97 = tpu.memref_slice %arg9[%dma_wait3A_90, %add3A_11] : memref<4x16384xi32, #tpu.memory_space<hbm>> -> memref<1x128xi32, #tpu.memory_space<hbm>>
      %dma_wait3A_98 = tpu.memref_squeeze %dma_wait3A_97 : memref<1x128xi32, #tpu.memory_space<hbm>> -> memref<128xi32, #tpu.memory_space<hbm>>
      tpu.wait_dma2 semaphore(%arg20 : memref<!tpu.dma_semaphore, #tpu.memory_space<semaphore_mem>>) src(%dma_wait3A_98 : memref<128xi32, #tpu.memory_space<hbm>>) dst(%dma_wait3A_96 : memref<128xi32, #tpu.memory_space<vmem>>)
      %dma_wait3A_99 = arith.constant 3 : i32
      %dma_wait3A_100 = arith.constant 512 : i32
      %dma_wait3A_101 = tpu.memref_slice %arg12[%dma_wait3A_100] : memref<640xi32, #tpu.memory_space<vmem>> -> memref<128xi32, #tpu.memory_space<vmem>>
      %dma_wait3A_102 = tpu.memref_slice %arg9[%dma_wait3A_99, %add3A_11] : memref<4x16384xi32, #tpu.memory_space<hbm>> -> memref<1x128xi32, #tpu.memory_space<hbm>>
      %dma_wait3A_103 = tpu.memref_squeeze %dma_wait3A_102 : memref<1x128xi32, #tpu.memory_space<hbm>> -> memref<128xi32, #tpu.memory_space<hbm>>
      %dma_wait3A_104 = arith.constant 512 : i32
      %dma_wait3A_105 = tpu.memref_slice %arg12[%dma_wait3A_104] : memref<640xi32, #tpu.memory_space<vmem>> -> memref<128xi32, #tpu.memory_space<vmem>>
      %dma_wait3A_106 = tpu.memref_slice %arg9[%dma_wait3A_99, %add3A_11] : memref<4x16384xi32, #tpu.memory_space<hbm>> -> memref<1x128xi32, #tpu.memory_space<hbm>>
      %dma_wait3A_107 = tpu.memref_squeeze %dma_wait3A_106 : memref<1x128xi32, #tpu.memory_space<hbm>> -> memref<128xi32, #tpu.memory_space<hbm>>
      tpu.wait_dma2 semaphore(%arg20 : memref<!tpu.dma_semaphore, #tpu.memory_space<semaphore_mem>>) src(%dma_wait3A_107 : memref<128xi32, #tpu.memory_space<hbm>>) dst(%dma_wait3A_105 : memref<128xi32, #tpu.memory_space<vmem>>)
      %scan3A_108 = arith.constant 0 : i32
      %scan3A_109 = arith.constant 0 : i32
      %scan3A_110 = arith.constant 160 : i32
      %scan3A_111 = arith.addi %scan3A_109, %scan3A_110 : i32
      %scan3A_112 = arith.constant 1 : i32
      scf.for %scan3A_234 = %scan3A_109 to %scan3A_111 step %scan3A_112  : i32 {
        %mul3A_235 = arith.constant 16 : i32
        %mul3A_236 = arith.muli %scan3A_234, %mul3A_235 : i32
        %get3A = arith.index_cast %mul3A_236 : i32 to index
        %get3A_237 = tpu.vector_load %arg14[%get3A] {strides = array<i32>} : memref<2560xi32, #tpu.memory_space<vmem>>, vector<16xi32>,
        %lt3A = arith.constant 100000 : i32
        %lt3A_238 = vector.broadcast %lt3A : i32 to vector<16xi32>
        %lt3A_239 = arith.cmpi slt, %get3A_237, %lt3A_238 : vector<16xi32>
        %jit3A = arith.constant 0 : i32
        %broadcast_in_dim3A = vector.broadcast %jit3A : i32 to vector<16xi32>
        %select_n3A = arith.select %lt3A_239, %get3A_237, %broadcast_in_dim3A : vector<16xi1>, vector<16xi32>
        %mul3A_240 = arith.constant 16 : i32
        %mul3A_241 = arith.muli %scan3A_234, %mul3A_240 : i32
        %swap3A = arith.index_cast %mul3A_241 : i32 to index
        %swap3A_242 = tpu.vector_load %arg15[%swap3A] {strides = array<i32>} : memref<2560xi32, #tpu.memory_space<vmem>>, vector<16xi32>,
        tpu.vector_store %arg15[%swap3A], %select_n3A {strides = array<i32>} : memref<2560xi32, #tpu.memory_space<vmem>>, vector<16xi32>,
      }
      %scan3A_113 = arith.constant 160 : i32
      %dma_start3A_114 = arith.constant 0 : i32
      %dma_start3A_115 = arith.constant 0 : i32
      %dma_start3A_116 = tpu.memref_slice %arg2[%dma_start3A_114, %dma_start3A_115] : memref<1000000x32xf32, #tpu.memory_space<hbm>> -> memref<1000000x32xf32, #tpu.memory_space<hbm>>
      tpu.enqueue_indirect_dma source(%dma_start3A_116 : memref<1000000x32xf32, #tpu.memory_space<hbm>>) target(%arg16 : memref<128x32xf32, #tpu.memory_space<vmem>>) offsets(%arg11 : memref<128xi32, #tpu.memory_space<vmem>>) semaphore(%arg20 : memref<!tpu.dma_semaphore, #tpu.memory_space<semaphore_mem>>)
      %dma_start3A_117 = arith.constant 0 : i32
      %dma_start3A_118 = arith.constant 0 : i32
      %dma_start3A_119 = tpu.memref_slice %arg3[%dma_start3A_117, %dma_start3A_118] : memref<1000000x32xf32, #tpu.memory_space<hbm>> -> memref<1000000x32xf32, #tpu.memory_space<hbm>>
      tpu.enqueue_indirect_dma source(%dma_start3A_119 : memref<1000000x32xf32, #tpu.memory_space<hbm>>) target(%arg17 : memref<640x32xf32, #tpu.memory_space<vmem>>) offsets(%arg12 : memref<640xi32, #tpu.memory_space<vmem>>) semaphore(%arg20 : memref<!tpu.dma_semaphore, #tpu.memory_space<semaphore_mem>>)
      %dma_start3A_120 = arith.constant 0 : i32
      %dma_start3A_121 = arith.constant 0 : i32
      %dma_start3A_122 = tpu.memref_slice %arg4[%dma_start3A_120, %dma_start3A_121] : memref<100000x32xf32, #tpu.memory_space<hbm>> -> memref<100000x32xf32, #tpu.memory_space<hbm>>
      tpu.enqueue_indirect_dma source(%dma_start3A_122 : memref<100000x32xf32, #tpu.memory_space<hbm>>) target(%arg18 : memref<2560x32xf32, #tpu.memory_space<vmem>>) offsets(%arg15 : memref<2560xi32, #tpu.memory_space<vmem>>) semaphore(%arg20 : memref<!tpu.dma_semaphore, #tpu.memory_space<semaphore_mem>>)
      %dma_wait3A_123 = arith.constant 0 : i32
      %dma_wait3A_124 = arith.constant 0 : i32
      %dma_wait3A_125 = tpu.memref_slice %arg2[%dma_wait3A_123, %dma_wait3A_124] : memref<1000000x32xf32, #tpu.memory_space<hbm>> -> memref<1000000x32xf32, #tpu.memory_space<hbm>>
      tpu.wait_indirect_dma semaphore(%arg20 : memref<!tpu.dma_semaphore, #tpu.memory_space<semaphore_mem>>) src(%dma_wait3A_125 : memref<1000000x32xf32, #tpu.memory_space<hbm>>) dst(%arg16 : memref<128x32xf32, #tpu.memory_space<vmem>>)
      %dma_wait3A_126 = arith.constant 0 : i32
      %dma_wait3A_127 = arith.constant 0 : i32
      %dma_wait3A_128 = tpu.memref_slice %arg3[%dma_wait3A_126, %dma_wait3A_127] : memref<1000000x32xf32, #tpu.memory_space<hbm>> -> memref<1000000x32xf32, #tpu.memory_space<hbm>>
      tpu.wait_indirect_dma semaphore(%arg20 : memref<!tpu.dma_semaphore, #tpu.memory_space<semaphore_mem>>) src(%dma_wait3A_128 : memref<1000000x32xf32, #tpu.memory_space<hbm>>) dst(%arg17 : memref<640x32xf32, #tpu.memory_space<vmem>>)
      %dma_wait3A_129 = arith.constant 0 : i32
      %dma_wait3A_130 = arith.constant 0 : i32
      %dma_wait3A_131 = tpu.memref_slice %arg4[%dma_wait3A_129, %dma_wait3A_130] : memref<100000x32xf32, #tpu.memory_space<hbm>> -> memref<100000x32xf32, #tpu.memory_space<hbm>>
      tpu.wait_indirect_dma semaphore(%arg20 : memref<!tpu.dma_semaphore, #tpu.memory_space<semaphore_mem>>) src(%dma_wait3A_131 : memref<100000x32xf32, #tpu.memory_space<hbm>>) dst(%arg18 : memref<2560x32xf32, #tpu.memory_space<vmem>>)
      %scan3A_132 = arith.constant 0 : i32
      %scan3A_133 = arith.constant 0 : i32
      %scan3A_134 = arith.constant 8 : i32
      %scan3A_135 = arith.addi %scan3A_133, %scan3A_134 : i32
      %scan3A_136 = arith.constant 1 : i32
      scf.for %scan3A_234 = %scan3A_133 to %scan3A_135 step %scan3A_136  : i32 {
        %mul3A_235 = arith.constant 16 : i32
        %mul3A_236 = arith.muli %scan3A_234, %mul3A_235 : i32
        %add3A_237 = vector.broadcast %mul3A_236 : i32 to vector<16xi32>
        %add3A_238 = arith.addi %add3A_237, %iota3A : vector<16xi32>
        %mul3A_239 = arith.constant 20 : i32
        %mul3A_240 = vector.broadcast %mul3A_239 : i32 to vector<16xi32>
        %mul3A_241 = arith.muli %add3A_238, %mul3A_240 : vector<16xi32>
        %broadcast_in_dim3A = arith.constant 0.000000e+00 : f32
        %broadcast_in_dim3A_242 = vector.broadcast %broadcast_in_dim3A : f32 to vector<16xf32>
        %scan3A_243 = arith.constant 0 : i32
        %scan3A_244 = arith.constant 20 : i32
        %scan3A_245 = arith.addi %scan3A_243, %scan3A_244 : i32
        %scan3A_246 = arith.constant 1 : i32
        %scan3A_247:32 = scf.for %scan3A_1289 = %scan3A_243 to %scan3A_245 step %scan3A_246 iter_args(%scan3A_1290 = %broadcast_in_dim3A_242, %scan3A_1291 = %broadcast_in_dim3A_242, %scan3A_1292 = %broadcast_in_dim3A_242, %scan3A_1293 = %broadcast_in_dim3A_242, %scan3A_1294 = %broadcast_in_dim3A_242, %scan3A_1295 = %broadcast_in_dim3A_242, %scan3A_1296 = %broadcast_in_dim3A_242, %scan3A_1297 = %broadcast_in_dim3A_242, %scan3A_1298 = %broadcast_in_dim3A_242, %scan3A_1299 = %broadcast_in_dim3A_242, %scan3A_1300 = %broadcast_in_dim3A_242, %scan3A_1301 = %broadcast_in_dim3A_242, %scan3A_1302 = %broadcast_in_dim3A_242, %scan3A_1303 = %broadcast_in_dim3A_242, %scan3A_1304 = %broadcast_in_dim3A_242, %scan3A_1305 = %broadcast_in_dim3A_242, %scan3A_1306 = %broadcast_in_dim3A_242, %scan3A_1307 = %broadcast_in_dim3A_242, %scan3A_1308 = %broadcast_in_dim3A_242, %scan3A_1309 = %broadcast_in_dim3A_242, %scan3A_1310 = %broadcast_in_dim3A_242, %scan3A_1311 = %broadcast_in_dim3A_242, %scan3A_1312 = %broadcast_in_dim3A_242, %scan3A_1313 = %broadcast_in_dim3A_242, %scan3A_1314 = %broadcast_in_dim3A_242, %scan3A_1315 = %broadcast_in_dim3A_242, %scan3A_1316 = %broadcast_in_dim3A_242, %scan3A_1317 = %broadcast_in_dim3A_242, %scan3A_1318 = %broadcast_in_dim3A_242, %scan3A_1319 = %broadcast_in_dim3A_242, %scan3A_1320 = %broadcast_in_dim3A_242, %scan3A_1321 = %broadcast_in_dim3A_242) -> (vector<16xf32>, vector<16xf32>, vector<16xf32>, vector<16xf32>, vector<16xf32>, vector<16xf32>, vector<16xf32>, vector<16xf32>, vector<16xf32>, vector<16xf32>, vector<16xf32>, vector<16xf32>, vector<16xf32>, vector<16xf32>, vector<16xf32>, vector<16xf32>, vector<16xf32>, vector<16xf32>, vector<16xf32>, vector<16xf32>, vector<16xf32>, vector<16xf32>, vector<16xf32>, vector<16xf32>, vector<16xf32>, vector<16xf32>, vector<16xf32>, vector<16xf32>, vector<16xf32>, vector<16xf32>, vector<16xf32>, vector<16xf32>)  : i32 {
          %add3A_1322 = vector.broadcast %scan3A_1289 : i32 to vector<16xi32>
          %add3A_1323 = arith.addi %mul3A_241, %add3A_1322 : vector<16xi32>
          %gather3A_1324 = tpu.vector_load_idx %arg14[%add3A_1323] : memref<2560xi32, #tpu.memory_space<vmem>>[vector<16xi32>], vector<16xi32>,
          %lt3A = arith.constant 100000 : i32
          %lt3A_1325 = vector.broadcast %lt3A : i32 to vector<16xi32>
          %lt3A_1326 = arith.cmpi slt, %gather3A_1324, %lt3A_1325 : vector<16xi32>
          %broadcast_in_dim3A_1327 = arith.constant 0 : i32
          %broadcast_in_dim3A_1328 = vector.broadcast %broadcast_in_dim3A_1327 : i32 to vector<16xi32>
          %gather3A_1329 = tpu.vector_load_idx %arg18[%add3A_1323, %broadcast_in_dim3A_1328] : memref<2560x32xf32, #tpu.memory_space<vmem>>[vector<16xi32>, vector<16xi32>], vector<16xf32>,
          %jit3A_1330 = arith.constant 0.000000e+00 : f32
          %broadcast_in_dim3A_1331 = vector.broadcast %jit3A_1330 : f32 to vector<16xf32>
          %select_n3A = arith.select %lt3A_1326, %gather3A_1329, %broadcast_in_dim3A_1331 : vector<16xi1>, vector<16xf32>
          %add3A_1332 = arith.addf %scan3A_1290, %select_n3A : vector<16xf32>
          %broadcast_in_dim3A_1333 = arith.constant 1 : i32
          %broadcast_in_dim3A_1334 = vector.broadcast %broadcast_in_dim3A_1333 : i32 to vector<16xi32>
          %gather3A_1335 = tpu.vector_load_idx %arg18[%add3A_1323, %broadcast_in_dim3A_1334] : memref<2560x32xf32, #tpu.memory_space<vmem>>[vector<16xi32>, vector<16xi32>], vector<16xf32>,
          %jit3A_1336 = arith.constant 0.000000e+00 : f32
          %broadcast_in_dim3A_1337 = vector.broadcast %jit3A_1336 : f32 to vector<16xf32>
          %select_n3A_1338 = arith.select %lt3A_1326, %gather3A_1335, %broadcast_in_dim3A_1337 : vector<16xi1>, vector<16xf32>
          %add3A_1339 = arith.addf %scan3A_1291, %select_n3A_1338 : vector<16xf32>
          %broadcast_in_dim3A_1340 = arith.constant 2 : i32
          %broadcast_in_dim3A_1341 = vector.broadcast %broadcast_in_dim3A_1340 : i32 to vector<16xi32>
          %gather3A_1342 = tpu.vector_load_idx %arg18[%add3A_1323, %broadcast_in_dim3A_1341] : memref<2560x32xf32, #tpu.memory_space<vmem>>[vector<16xi32>, vector<16xi32>], vector<16xf32>,
          %jit3A_1343 = arith.constant 0.000000e+00 : f32
          %broadcast_in_dim3A_1344 = vector.broadcast %jit3A_1343 : f32 to vector<16xf32>
          %select_n3A_1345 = arith.select %lt3A_1326, %gather3A_1342, %broadcast_in_dim3A_1344 : vector<16xi1>, vector<16xf32>
          %add3A_1346 = arith.addf %scan3A_1292, %select_n3A_1345 : vector<16xf32>
          %broadcast_in_dim3A_1347 = arith.constant 3 : i32
          %broadcast_in_dim3A_1348 = vector.broadcast %broadcast_in_dim3A_1347 : i32 to vector<16xi32>
          %gather3A_1349 = tpu.vector_load_idx %arg18[%add3A_1323, %broadcast_in_dim3A_1348] : memref<2560x32xf32, #tpu.memory_space<vmem>>[vector<16xi32>, vector<16xi32>], vector<16xf32>,
          %jit3A_1350 = arith.constant 0.000000e+00 : f32
          %broadcast_in_dim3A_1351 = vector.broadcast %jit3A_1350 : f32 to vector<16xf32>
          %select_n3A_1352 = arith.select %lt3A_1326, %gather3A_1349, %broadcast_in_dim3A_1351 : vector<16xi1>, vector<16xf32>
          %add3A_1353 = arith.addf %scan3A_1293, %select_n3A_1352 : vector<16xf32>
          %broadcast_in_dim3A_1354 = arith.constant 4 : i32
          %broadcast_in_dim3A_1355 = vector.broadcast %broadcast_in_dim3A_1354 : i32 to vector<16xi32>
          %gather3A_1356 = tpu.vector_load_idx %arg18[%add3A_1323, %broadcast_in_dim3A_1355] : memref<2560x32xf32, #tpu.memory_space<vmem>>[vector<16xi32>, vector<16xi32>], vector<16xf32>,
          %jit3A_1357 = arith.constant 0.000000e+00 : f32
          %broadcast_in_dim3A_1358 = vector.broadcast %jit3A_1357 : f32 to vector<16xf32>
          %select_n3A_1359 = arith.select %lt3A_1326, %gather3A_1356, %broadcast_in_dim3A_1358 : vector<16xi1>, vector<16xf32>
          %add3A_1360 = arith.addf %scan3A_1294, %select_n3A_1359 : vector<16xf32>
          %broadcast_in_dim3A_1361 = arith.constant 5 : i32
          %broadcast_in_dim3A_1362 = vector.broadcast %broadcast_in_dim3A_1361 : i32 to vector<16xi32>
          %gather3A_1363 = tpu.vector_load_idx %arg18[%add3A_1323, %broadcast_in_dim3A_1362] : memref<2560x32xf32, #tpu.memory_space<vmem>>[vector<16xi32>, vector<16xi32>], vector<16xf32>,
          %jit3A_1364 = arith.constant 0.000000e+00 : f32
          %broadcast_in_dim3A_1365 = vector.broadcast %jit3A_1364 : f32 to vector<16xf32>
          %select_n3A_1366 = arith.select %lt3A_1326, %gather3A_1363, %broadcast_in_dim3A_1365 : vector<16xi1>, vector<16xf32>
          %add3A_1367 = arith.addf %scan3A_1295, %select_n3A_1366 : vector<16xf32>
          %broadcast_in_dim3A_1368 = arith.constant 6 : i32
          %broadcast_in_dim3A_1369 = vector.broadcast %broadcast_in_dim3A_1368 : i32 to vector<16xi32>
          %gather3A_1370 = tpu.vector_load_idx %arg18[%add3A_1323, %broadcast_in_dim3A_1369] : memref<2560x32xf32, #tpu.memory_space<vmem>>[vector<16xi32>, vector<16xi32>], vector<16xf32>,
          %jit3A_1371 = arith.constant 0.000000e+00 : f32
          %broadcast_in_dim3A_1372 = vector.broadcast %jit3A_1371 : f32 to vector<16xf32>
          %select_n3A_1373 = arith.select %lt3A_1326, %gather3A_1370, %broadcast_in_dim3A_1372 : vector<16xi1>, vector<16xf32>
          %add3A_1374 = arith.addf %scan3A_1296, %select_n3A_1373 : vector<16xf32>
          %broadcast_in_dim3A_1375 = arith.constant 7 : i32
          %broadcast_in_dim3A_1376 = vector.broadcast %broadcast_in_dim3A_1375 : i32 to vector<16xi32>
          %gather3A_1377 = tpu.vector_load_idx %arg18[%add3A_1323, %broadcast_in_dim3A_1376] : memref<2560x32xf32, #tpu.memory_space<vmem>>[vector<16xi32>, vector<16xi32>], vector<16xf32>,
          %jit3A_1378 = arith.constant 0.000000e+00 : f32
          %broadcast_in_dim3A_1379 = vector.broadcast %jit3A_1378 : f32 to vector<16xf32>
          %select_n3A_1380 = arith.select %lt3A_1326, %gather3A_1377, %broadcast_in_dim3A_1379 : vector<16xi1>, vector<16xf32>
          %add3A_1381 = arith.addf %scan3A_1297, %select_n3A_1380 : vector<16xf32>
          %broadcast_in_dim3A_1382 = arith.constant 8 : i32
          %broadcast_in_dim3A_1383 = vector.broadcast %broadcast_in_dim3A_1382 : i32 to vector<16xi32>
          %gather3A_1384 = tpu.vector_load_idx %arg18[%add3A_1323, %broadcast_in_dim3A_1383] : memref<2560x32xf32, #tpu.memory_space<vmem>>[vector<16xi32>, vector<16xi32>], vector<16xf32>,
          %jit3A_1385 = arith.constant 0.000000e+00 : f32
          %broadcast_in_dim3A_1386 = vector.broadcast %jit3A_1385 : f32 to vector<16xf32>
          %select_n3A_1387 = arith.select %lt3A_1326, %gather3A_1384, %broadcast_in_dim3A_1386 : vector<16xi1>, vector<16xf32>
          %add3A_1388 = arith.addf %scan3A_1298, %select_n3A_1387 : vector<16xf32>
          %broadcast_in_dim3A_1389 = arith.constant 9 : i32
          %broadcast_in_dim3A_1390 = vector.broadcast %broadcast_in_dim3A_1389 : i32 to vector<16xi32>
          %gather3A_1391 = tpu.vector_load_idx %arg18[%add3A_1323, %broadcast_in_dim3A_1390] : memref<2560x32xf32, #tpu.memory_space<vmem>>[vector<16xi32>, vector<16xi32>], vector<16xf32>,
          %jit3A_1392 = arith.constant 0.000000e+00 : f32
          %broadcast_in_dim3A_1393 = vector.broadcast %jit3A_1392 : f32 to vector<16xf32>
          %select_n3A_1394 = arith.select %lt3A_1326, %gather3A_1391, %broadcast_in_dim3A_1393 : vector<16xi1>, vector<16xf32>
          %add3A_1395 = arith.addf %scan3A_1299, %select_n3A_1394 : vector<16xf32>
          %broadcast_in_dim3A_1396 = arith.constant 10 : i32
          %broadcast_in_dim3A_1397 = vector.broadcast %broadcast_in_dim3A_1396 : i32 to vector<16xi32>
          %gather3A_1398 = tpu.vector_load_idx %arg18[%add3A_1323, %broadcast_in_dim3A_1397] : memref<2560x32xf32, #tpu.memory_space<vmem>>[vector<16xi32>, vector<16xi32>], vector<16xf32>,
          %jit3A_1399 = arith.constant 0.000000e+00 : f32
          %broadcast_in_dim3A_1400 = vector.broadcast %jit3A_1399 : f32 to vector<16xf32>
          %select_n3A_1401 = arith.select %lt3A_1326, %gather3A_1398, %broadcast_in_dim3A_1400 : vector<16xi1>, vector<16xf32>
          %add3A_1402 = arith.addf %scan3A_1300, %select_n3A_1401 : vector<16xf32>
          %broadcast_in_dim3A_1403 = arith.constant 11 : i32
          %broadcast_in_dim3A_1404 = vector.broadcast %broadcast_in_dim3A_1403 : i32 to vector<16xi32>
          %gather3A_1405 = tpu.vector_load_idx %arg18[%add3A_1323, %broadcast_in_dim3A_1404] : memref<2560x32xf32, #tpu.memory_space<vmem>>[vector<16xi32>, vector<16xi32>], vector<16xf32>,
          %jit3A_1406 = arith.constant 0.000000e+00 : f32
          %broadcast_in_dim3A_1407 = vector.broadcast %jit3A_1406 : f32 to vector<16xf32>
          %select_n3A_1408 = arith.select %lt3A_1326, %gather3A_1405, %broadcast_in_dim3A_1407 : vector<16xi1>, vector<16xf32>
          %add3A_1409 = arith.addf %scan3A_1301, %select_n3A_1408 : vector<16xf32>
          %broadcast_in_dim3A_1410 = arith.constant 12 : i32
          %broadcast_in_dim3A_1411 = vector.broadcast %broadcast_in_dim3A_1410 : i32 to vector<16xi32>
          %gather3A_1412 = tpu.vector_load_idx %arg18[%add3A_1323, %broadcast_in_dim3A_1411] : memref<2560x32xf32, #tpu.memory_space<vmem>>[vector<16xi32>, vector<16xi32>], vector<16xf32>,
          %jit3A_1413 = arith.constant 0.000000e+00 : f32
          %broadcast_in_dim3A_1414 = vector.broadcast %jit3A_1413 : f32 to vector<16xf32>
          %select_n3A_1415 = arith.select %lt3A_1326, %gather3A_1412, %broadcast_in_dim3A_1414 : vector<16xi1>, vector<16xf32>
          %add3A_1416 = arith.addf %scan3A_1302, %select_n3A_1415 : vector<16xf32>
          %broadcast_in_dim3A_1417 = arith.constant 13 : i32
          %broadcast_in_dim3A_1418 = vector.broadcast %broadcast_in_dim3A_1417 : i32 to vector<16xi32>
          %gather3A_1419 = tpu.vector_load_idx %arg18[%add3A_1323, %broadcast_in_dim3A_1418] : memref<2560x32xf32, #tpu.memory_space<vmem>>[vector<16xi32>, vector<16xi32>], vector<16xf32>,
          %jit3A_1420 = arith.constant 0.000000e+00 : f32
          %broadcast_in_dim3A_1421 = vector.broadcast %jit3A_1420 : f32 to vector<16xf32>
          %select_n3A_1422 = arith.select %lt3A_1326, %gather3A_1419, %broadcast_in_dim3A_1421 : vector<16xi1>, vector<16xf32>
          %add3A_1423 = arith.addf %scan3A_1303, %select_n3A_1422 : vector<16xf32>
          %broadcast_in_dim3A_1424 = arith.constant 14 : i32
          %broadcast_in_dim3A_1425 = vector.broadcast %broadcast_in_dim3A_1424 : i32 to vector<16xi32>
          %gather3A_1426 = tpu.vector_load_idx %arg18[%add3A_1323, %broadcast_in_dim3A_1425] : memref<2560x32xf32, #tpu.memory_space<vmem>>[vector<16xi32>, vector<16xi32>], vector<16xf32>,
          %jit3A_1427 = arith.constant 0.000000e+00 : f32
          %broadcast_in_dim3A_1428 = vector.broadcast %jit3A_1427 : f32 to vector<16xf32>
          %select_n3A_1429 = arith.select %lt3A_1326, %gather3A_1426, %broadcast_in_dim3A_1428 : vector<16xi1>, vector<16xf32>
          %add3A_1430 = arith.addf %scan3A_1304, %select_n3A_1429 : vector<16xf32>
          %broadcast_in_dim3A_1431 = arith.constant 15 : i32
          %broadcast_in_dim3A_1432 = vector.broadcast %broadcast_in_dim3A_1431 : i32 to vector<16xi32>
          %gather3A_1433 = tpu.vector_load_idx %arg18[%add3A_1323, %broadcast_in_dim3A_1432] : memref<2560x32xf32, #tpu.memory_space<vmem>>[vector<16xi32>, vector<16xi32>], vector<16xf32>,
          %jit3A_1434 = arith.constant 0.000000e+00 : f32
          %broadcast_in_dim3A_1435 = vector.broadcast %jit3A_1434 : f32 to vector<16xf32>
          %select_n3A_1436 = arith.select %lt3A_1326, %gather3A_1433, %broadcast_in_dim3A_1435 : vector<16xi1>, vector<16xf32>
          %add3A_1437 = arith.addf %scan3A_1305, %select_n3A_1436 : vector<16xf32>
          %broadcast_in_dim3A_1438 = arith.constant 16 : i32
          %broadcast_in_dim3A_1439 = vector.broadcast %broadcast_in_dim3A_1438 : i32 to vector<16xi32>
          %gather3A_1440 = tpu.vector_load_idx %arg18[%add3A_1323, %broadcast_in_dim3A_1439] : memref<2560x32xf32, #tpu.memory_space<vmem>>[vector<16xi32>, vector<16xi32>], vector<16xf32>,
          %jit3A_1441 = arith.constant 0.000000e+00 : f32
          %broadcast_in_dim3A_1442 = vector.broadcast %jit3A_1441 : f32 to vector<16xf32>
          %select_n3A_1443 = arith.select %lt3A_1326, %gather3A_1440, %broadcast_in_dim3A_1442 : vector<16xi1>, vector<16xf32>
          %add3A_1444 = arith.addf %scan3A_1306, %select_n3A_1443 : vector<16xf32>
          %broadcast_in_dim3A_1445 = arith.constant 17 : i32
          %broadcast_in_dim3A_1446 = vector.broadcast %broadcast_in_dim3A_1445 : i32 to vector<16xi32>
          %gather3A_1447 = tpu.vector_load_idx %arg18[%add3A_1323, %broadcast_in_dim3A_1446] : memref<2560x32xf32, #tpu.memory_space<vmem>>[vector<16xi32>, vector<16xi32>], vector<16xf32>,
          %jit3A_1448 = arith.constant 0.000000e+00 : f32
          %broadcast_in_dim3A_1449 = vector.broadcast %jit3A_1448 : f32 to vector<16xf32>
          %select_n3A_1450 = arith.select %lt3A_1326, %gather3A_1447, %broadcast_in_dim3A_1449 : vector<16xi1>, vector<16xf32>
          %add3A_1451 = arith.addf %scan3A_1307, %select_n3A_1450 : vector<16xf32>
          %broadcast_in_dim3A_1452 = arith.constant 18 : i32
          %broadcast_in_dim3A_1453 = vector.broadcast %broadcast_in_dim3A_1452 : i32 to vector<16xi32>
          %gather3A_1454 = tpu.vector_load_idx %arg18[%add3A_1323, %broadcast_in_dim3A_1453] : memref<2560x32xf32, #tpu.memory_space<vmem>>[vector<16xi32>, vector<16xi32>], vector<16xf32>,
          %jit3A_1455 = arith.constant 0.000000e+00 : f32
          %broadcast_in_dim3A_1456 = vector.broadcast %jit3A_1455 : f32 to vector<16xf32>
          %select_n3A_1457 = arith.select %lt3A_1326, %gather3A_1454, %broadcast_in_dim3A_1456 : vector<16xi1>, vector<16xf32>
          %add3A_1458 = arith.addf %scan3A_1308, %select_n3A_1457 : vector<16xf32>
          %broadcast_in_dim3A_1459 = arith.constant 19 : i32
          %broadcast_in_dim3A_1460 = vector.broadcast %broadcast_in_dim3A_1459 : i32 to vector<16xi32>
          %gather3A_1461 = tpu.vector_load_idx %arg18[%add3A_1323, %broadcast_in_dim3A_1460] : memref<2560x32xf32, #tpu.memory_space<vmem>>[vector<16xi32>, vector<16xi32>], vector<16xf32>,
          %jit3A_1462 = arith.constant 0.000000e+00 : f32
          %broadcast_in_dim3A_1463 = vector.broadcast %jit3A_1462 : f32 to vector<16xf32>
          %select_n3A_1464 = arith.select %lt3A_1326, %gather3A_1461, %broadcast_in_dim3A_1463 : vector<16xi1>, vector<16xf32>
          %add3A_1465 = arith.addf %scan3A_1309, %select_n3A_1464 : vector<16xf32>
          %broadcast_in_dim3A_1466 = arith.constant 20 : i32
          %broadcast_in_dim3A_1467 = vector.broadcast %broadcast_in_dim3A_1466 : i32 to vector<16xi32>
          %gather3A_1468 = tpu.vector_load_idx %arg18[%add3A_1323, %broadcast_in_dim3A_1467] : memref<2560x32xf32, #tpu.memory_space<vmem>>[vector<16xi32>, vector<16xi32>], vector<16xf32>,
          %jit3A_1469 = arith.constant 0.000000e+00 : f32
          %broadcast_in_dim3A_1470 = vector.broadcast %jit3A_1469 : f32 to vector<16xf32>
          %select_n3A_1471 = arith.select %lt3A_1326, %gather3A_1468, %broadcast_in_dim3A_1470 : vector<16xi1>, vector<16xf32>
          %add3A_1472 = arith.addf %scan3A_1310, %select_n3A_1471 : vector<16xf32>
          %broadcast_in_dim3A_1473 = arith.constant 21 : i32
          %broadcast_in_dim3A_1474 = vector.broadcast %broadcast_in_dim3A_1473 : i32 to vector<16xi32>
          %gather3A_1475 = tpu.vector_load_idx %arg18[%add3A_1323, %broadcast_in_dim3A_1474] : memref<2560x32xf32, #tpu.memory_space<vmem>>[vector<16xi32>, vector<16xi32>], vector<16xf32>,
          %jit3A_1476 = arith.constant 0.000000e+00 : f32
          %broadcast_in_dim3A_1477 = vector.broadcast %jit3A_1476 : f32 to vector<16xf32>
          %select_n3A_1478 = arith.select %lt3A_1326, %gather3A_1475, %broadcast_in_dim3A_1477 : vector<16xi1>, vector<16xf32>
          %add3A_1479 = arith.addf %scan3A_1311, %select_n3A_1478 : vector<16xf32>
          %broadcast_in_dim3A_1480 = arith.constant 22 : i32
          %broadcast_in_dim3A_1481 = vector.broadcast %broadcast_in_dim3A_1480 : i32 to vector<16xi32>
          %gather3A_1482 = tpu.vector_load_idx %arg18[%add3A_1323, %broadcast_in_dim3A_1481] : memref<2560x32xf32, #tpu.memory_space<vmem>>[vector<16xi32>, vector<16xi32>], vector<16xf32>,
          %jit3A_1483 = arith.constant 0.000000e+00 : f32
          %broadcast_in_dim3A_1484 = vector.broadcast %jit3A_1483 : f32 to vector<16xf32>
          %select_n3A_1485 = arith.select %lt3A_1326, %gather3A_1482, %broadcast_in_dim3A_1484 : vector<16xi1>, vector<16xf32>
          %add3A_1486 = arith.addf %scan3A_1312, %select_n3A_1485 : vector<16xf32>
          %broadcast_in_dim3A_1487 = arith.constant 23 : i32
          %broadcast_in_dim3A_1488 = vector.broadcast %broadcast_in_dim3A_1487 : i32 to vector<16xi32>
          %gather3A_1489 = tpu.vector_load_idx %arg18[%add3A_1323, %broadcast_in_dim3A_1488] : memref<2560x32xf32, #tpu.memory_space<vmem>>[vector<16xi32>, vector<16xi32>], vector<16xf32>,
          %jit3A_1490 = arith.constant 0.000000e+00 : f32
          %broadcast_in_dim3A_1491 = vector.broadcast %jit3A_1490 : f32 to vector<16xf32>
          %select_n3A_1492 = arith.select %lt3A_1326, %gather3A_1489, %broadcast_in_dim3A_1491 : vector<16xi1>, vector<16xf32>
          %add3A_1493 = arith.addf %scan3A_1313, %select_n3A_1492 : vector<16xf32>
          %broadcast_in_dim3A_1494 = arith.constant 24 : i32
          %broadcast_in_dim3A_1495 = vector.broadcast %broadcast_in_dim3A_1494 : i32 to vector<16xi32>
          %gather3A_1496 = tpu.vector_load_idx %arg18[%add3A_1323, %broadcast_in_dim3A_1495] : memref<2560x32xf32, #tpu.memory_space<vmem>>[vector<16xi32>, vector<16xi32>], vector<16xf32>,
          %jit3A_1497 = arith.constant 0.000000e+00 : f32
          %broadcast_in_dim3A_1498 = vector.broadcast %jit3A_1497 : f32 to vector<16xf32>
          %select_n3A_1499 = arith.select %lt3A_1326, %gather3A_1496, %broadcast_in_dim3A_1498 : vector<16xi1>, vector<16xf32>
          %add3A_1500 = arith.addf %scan3A_1314, %select_n3A_1499 : vector<16xf32>
          %broadcast_in_dim3A_1501 = arith.constant 25 : i32
          %broadcast_in_dim3A_1502 = vector.broadcast %broadcast_in_dim3A_1501 : i32 to vector<16xi32>
          %gather3A_1503 = tpu.vector_load_idx %arg18[%add3A_1323, %broadcast_in_dim3A_1502] : memref<2560x32xf32, #tpu.memory_space<vmem>>[vector<16xi32>, vector<16xi32>], vector<16xf32>,
          %jit3A_1504 = arith.constant 0.000000e+00 : f32
          %broadcast_in_dim3A_1505 = vector.broadcast %jit3A_1504 : f32 to vector<16xf32>
          %select_n3A_1506 = arith.select %lt3A_1326, %gather3A_1503, %broadcast_in_dim3A_1505 : vector<16xi1>, vector<16xf32>
          %add3A_1507 = arith.addf %scan3A_1315, %select_n3A_1506 : vector<16xf32>
          %broadcast_in_dim3A_1508 = arith.constant 26 : i32
          %broadcast_in_dim3A_1509 = vector.broadcast %broadcast_in_dim3A_1508 : i32 to vector<16xi32>
          %gather3A_1510 = tpu.vector_load_idx %arg18[%add3A_1323, %broadcast_in_dim3A_1509] : memref<2560x32xf32, #tpu.memory_space<vmem>>[vector<16xi32>, vector<16xi32>], vector<16xf32>,
          %jit3A_1511 = arith.constant 0.000000e+00 : f32
          %broadcast_in_dim3A_1512 = vector.broadcast %jit3A_1511 : f32 to vector<16xf32>
          %select_n3A_1513 = arith.select %lt3A_1326, %gather3A_1510, %broadcast_in_dim3A_1512 : vector<16xi1>, vector<16xf32>
          %add3A_1514 = arith.addf %scan3A_1316, %select_n3A_1513 : vector<16xf32>
          %broadcast_in_dim3A_1515 = arith.constant 27 : i32
          %broadcast_in_dim3A_1516 = vector.broadcast %broadcast_in_dim3A_1515 : i32 to vector<16xi32>
          %gather3A_1517 = tpu.vector_load_idx %arg18[%add3A_1323, %broadcast_in_dim3A_1516] : memref<2560x32xf32, #tpu.memory_space<vmem>>[vector<16xi32>, vector<16xi32>], vector<16xf32>,
          %jit3A_1518 = arith.constant 0.000000e+00 : f32
          %broadcast_in_dim3A_1519 = vector.broadcast %jit3A_1518 : f32 to vector<16xf32>
          %select_n3A_1520 = arith.select %lt3A_1326, %gather3A_1517, %broadcast_in_dim3A_1519 : vector<16xi1>, vector<16xf32>
          %add3A_1521 = arith.addf %scan3A_1317, %select_n3A_1520 : vector<16xf32>
          %broadcast_in_dim3A_1522 = arith.constant 28 : i32
          %broadcast_in_dim3A_1523 = vector.broadcast %broadcast_in_dim3A_1522 : i32 to vector<16xi32>
          %gather3A_1524 = tpu.vector_load_idx %arg18[%add3A_1323, %broadcast_in_dim3A_1523] : memref<2560x32xf32, #tpu.memory_space<vmem>>[vector<16xi32>, vector<16xi32>], vector<16xf32>,
          %jit3A_1525 = arith.constant 0.000000e+00 : f32
          %broadcast_in_dim3A_1526 = vector.broadcast %jit3A_1525 : f32 to vector<16xf32>
          %select_n3A_1527 = arith.select %lt3A_1326, %gather3A_1524, %broadcast_in_dim3A_1526 : vector<16xi1>, vector<16xf32>
          %add3A_1528 = arith.addf %scan3A_1318, %select_n3A_1527 : vector<16xf32>
          %broadcast_in_dim3A_1529 = arith.constant 29 : i32
          %broadcast_in_dim3A_1530 = vector.broadcast %broadcast_in_dim3A_1529 : i32 to vector<16xi32>
          %gather3A_1531 = tpu.vector_load_idx %arg18[%add3A_1323, %broadcast_in_dim3A_1530] : memref<2560x32xf32, #tpu.memory_space<vmem>>[vector<16xi32>, vector<16xi32>], vector<16xf32>,
          %jit3A_1532 = arith.constant 0.000000e+00 : f32
          %broadcast_in_dim3A_1533 = vector.broadcast %jit3A_1532 : f32 to vector<16xf32>
          %select_n3A_1534 = arith.select %lt3A_1326, %gather3A_1531, %broadcast_in_dim3A_1533 : vector<16xi1>, vector<16xf32>
          %add3A_1535 = arith.addf %scan3A_1319, %select_n3A_1534 : vector<16xf32>
          %broadcast_in_dim3A_1536 = arith.constant 30 : i32
          %broadcast_in_dim3A_1537 = vector.broadcast %broadcast_in_dim3A_1536 : i32 to vector<16xi32>
          %gather3A_1538 = tpu.vector_load_idx %arg18[%add3A_1323, %broadcast_in_dim3A_1537] : memref<2560x32xf32, #tpu.memory_space<vmem>>[vector<16xi32>, vector<16xi32>], vector<16xf32>,
          %jit3A_1539 = arith.constant 0.000000e+00 : f32
          %broadcast_in_dim3A_1540 = vector.broadcast %jit3A_1539 : f32 to vector<16xf32>
          %select_n3A_1541 = arith.select %lt3A_1326, %gather3A_1538, %broadcast_in_dim3A_1540 : vector<16xi1>, vector<16xf32>
          %add3A_1542 = arith.addf %scan3A_1320, %select_n3A_1541 : vector<16xf32>
          %broadcast_in_dim3A_1543 = arith.constant 31 : i32
          %broadcast_in_dim3A_1544 = vector.broadcast %broadcast_in_dim3A_1543 : i32 to vector<16xi32>
          %gather3A_1545 = tpu.vector_load_idx %arg18[%add3A_1323, %broadcast_in_dim3A_1544] : memref<2560x32xf32, #tpu.memory_space<vmem>>[vector<16xi32>, vector<16xi32>], vector<16xf32>,
          %jit3A_1546 = arith.constant 0.000000e+00 : f32
          %broadcast_in_dim3A_1547 = vector.broadcast %jit3A_1546 : f32 to vector<16xf32>
          %select_n3A_1548 = arith.select %lt3A_1326, %gather3A_1545, %broadcast_in_dim3A_1547 : vector<16xi1>, vector<16xf32>
          %add3A_1549 = arith.addf %scan3A_1321, %select_n3A_1548 : vector<16xf32>
          scf.yield %add3A_1332, %add3A_1339, %add3A_1346, %add3A_1353, %add3A_1360, %add3A_1367, %add3A_1374, %add3A_1381, %add3A_1388, %add3A_1395, %add3A_1402, %add3A_1409, %add3A_1416, %add3A_1423, %add3A_1430, %add3A_1437, %add3A_1444, %add3A_1451, %add3A_1458, %add3A_1465, %add3A_1472, %add3A_1479, %add3A_1486, %add3A_1493, %add3A_1500, %add3A_1507, %add3A_1514, %add3A_1521, %add3A_1528, %add3A_1535, %add3A_1542, %add3A_1549 : vector<16xf32>, vector<16xf32>, vector<16xf32>, vector<16xf32>, vector<16xf32>, vector<16xf32>, vector<16xf32>, vector<16xf32>, vector<16xf32>, vector<16xf32>, vector<16xf32>, vector<16xf32>, vector<16xf32>, vector<16xf32>, vector<16xf32>, vector<16xf32>, vector<16xf32>, vector<16xf32>, vector<16xf32>, vector<16xf32>, vector<16xf32>, vector<16xf32>, vector<16xf32>, vector<16xf32>, vector<16xf32>, vector<16xf32>, vector<16xf32>, vector<16xf32>, vector<16xf32>, vector<16xf32>, vector<16xf32>, vector<16xf32>
        }
        %scan3A_248 = arith.constant 20 : i32
        %gather3A = tpu.vector_load_idx %arg13[%add3A_238] : memref<128xi32, #tpu.memory_space<vmem>>[vector<16xi32>], vector<16xi32>,
        %jit3A = arith.constant 1 : i32
        %jit3A_249 = arith.constant 20 : i32
        %max3A = vector.broadcast %jit3A : i32 to vector<16xi32>
        %max3A_250 = arith.maxsi %max3A, %gather3A : vector<16xi32>
        %min3A = vector.broadcast %jit3A_249 : i32 to vector<16xi32>
        %min3A_251 = arith.minsi %min3A, %max3A_250 : vector<16xi32>
        %convert_element_type3A = arith.sitofp %min3A_251 : vector<16xi32> to vector<16xf32>
        %div3A = arith.constant 1.000000e+00 : f32
        %div3A_252 = vector.broadcast %div3A : f32 to vector<16xf32>
        %div3A_253 = arith.divf %div3A_252, %convert_element_type3A : vector<16xf32>
        %mul3A_254 = arith.mulf %scan3A_247#0, %div3A_253 : vector<16xf32>
        %mul3A_255 = arith.mulf %scan3A_247#1, %div3A_253 : vector<16xf32>
        %mul3A_256 = arith.mulf %scan3A_247#2, %div3A_253 : vector<16xf32>
        %mul3A_257 = arith.mulf %scan3A_247#3, %div3A_253 : vector<16xf32>
        %mul3A_258 = arith.mulf %scan3A_247#4, %div3A_253 : vector<16xf32>
        %mul3A_259 = arith.mulf %scan3A_247#5, %div3A_253 : vector<16xf32>
        %mul3A_260 = arith.mulf %scan3A_247#6, %div3A_253 : vector<16xf32>
        %mul3A_261 = arith.mulf %scan3A_247#7, %div3A_253 : vector<16xf32>
        %mul3A_262 = arith.mulf %scan3A_247#8, %div3A_253 : vector<16xf32>
        %mul3A_263 = arith.mulf %scan3A_247#9, %div3A_253 : vector<16xf32>
        %mul3A_264 = arith.mulf %scan3A_247#10, %div3A_253 : vector<16xf32>
        %mul3A_265 = arith.mulf %scan3A_247#11, %div3A_253 : vector<16xf32>
        %mul3A_266 = arith.mulf %scan3A_247#12, %div3A_253 : vector<16xf32>
        %mul3A_267 = arith.mulf %scan3A_247#13, %div3A_253 : vector<16xf32>
        %mul3A_268 = arith.mulf %scan3A_247#14, %div3A_253 : vector<16xf32>
        %mul3A_269 = arith.mulf %scan3A_247#15, %div3A_253 : vector<16xf32>
        %mul3A_270 = arith.mulf %scan3A_247#16, %div3A_253 : vector<16xf32>
        %mul3A_271 = arith.mulf %scan3A_247#17, %div3A_253 : vector<16xf32>
        %mul3A_272 = arith.mulf %scan3A_247#18, %div3A_253 : vector<16xf32>
        %mul3A_273 = arith.mulf %scan3A_247#19, %div3A_253 : vector<16xf32>
        %mul3A_274 = arith.mulf %scan3A_247#20, %div3A_253 : vector<16xf32>
        %mul3A_275 = arith.mulf %scan3A_247#21, %div3A_253 : vector<16xf32>
        %mul3A_276 = arith.mulf %scan3A_247#22, %div3A_253 : vector<16xf32>
        %mul3A_277 = arith.mulf %scan3A_247#23, %div3A_253 : vector<16xf32>
        %mul3A_278 = arith.mulf %scan3A_247#24, %div3A_253 : vector<16xf32>
        %mul3A_279 = arith.mulf %scan3A_247#25, %div3A_253 : vector<16xf32>
        %mul3A_280 = arith.mulf %scan3A_247#26, %div3A_253 : vector<16xf32>
        %mul3A_281 = arith.mulf %scan3A_247#27, %div3A_253 : vector<16xf32>
        %mul3A_282 = arith.mulf %scan3A_247#28, %div3A_253 : vector<16xf32>
        %mul3A_283 = arith.mulf %scan3A_247#29, %div3A_253 : vector<16xf32>
        %mul3A_284 = arith.mulf %scan3A_247#30, %div3A_253 : vector<16xf32>
        %mul3A_285 = arith.mulf %scan3A_247#31, %div3A_253 : vector<16xf32>
        %broadcast_in_dim3A_286 = arith.constant 0 : i32
        %broadcast_in_dim3A_287 = vector.broadcast %broadcast_in_dim3A_286 : i32 to vector<16xi32>
        %gather3A_288 = tpu.vector_load_idx %arg16[%add3A_238, %broadcast_in_dim3A_287] : memref<128x32xf32, #tpu.memory_space<vmem>>[vector<16xi32>, vector<16xi32>], vector<16xf32>,
        %gather3A_289 = tpu.vector_load_idx %arg17[%add3A_238, %broadcast_in_dim3A_287] : memref<640x32xf32, #tpu.memory_space<vmem>>[vector<16xi32>, vector<16xi32>], vector<16xf32>,
        %add3A_290 = arith.addf %gather3A_288, %mul3A_254 : vector<16xf32>
        %mul3A_291 = arith.mulf %add3A_290, %gather3A_289 : vector<16xf32>
        %add3A_292 = arith.addf %broadcast_in_dim3A_242, %mul3A_291 : vector<16xf32>
        %broadcast_in_dim3A_293 = arith.constant 128 : i32
        %broadcast_in_dim3A_294 = vector.broadcast %broadcast_in_dim3A_293 : i32 to vector<16xi32>
        %add3A_295 = arith.addi %broadcast_in_dim3A_294, %add3A_238 : vector<16xi32>
        %gather3A_296 = tpu.vector_load_idx %arg17[%add3A_295, %broadcast_in_dim3A_287] : memref<640x32xf32, #tpu.memory_space<vmem>>[vector<16xi32>, vector<16xi32>], vector<16xf32>,
        %mul3A_297 = arith.mulf %add3A_290, %gather3A_296 : vector<16xf32>
        %add3A_298 = arith.addf %broadcast_in_dim3A_242, %mul3A_297 : vector<16xf32>
        %broadcast_in_dim3A_299 = arith.constant 256 : i32
        %broadcast_in_dim3A_300 = vector.broadcast %broadcast_in_dim3A_299 : i32 to vector<16xi32>
        %add3A_301 = arith.addi %broadcast_in_dim3A_300, %add3A_238 : vector<16xi32>
        %gather3A_302 = tpu.vector_load_idx %arg17[%add3A_301, %broadcast_in_dim3A_287] : memref<640x32xf32, #tpu.memory_space<vmem>>[vector<16xi32>, vector<16xi32>], vector<16xf32>,
        %mul3A_303 = arith.mulf %add3A_290, %gather3A_302 : vector<16xf32>
        %add3A_304 = arith.addf %broadcast_in_dim3A_242, %mul3A_303 : vector<16xf32>
        %broadcast_in_dim3A_305 = arith.constant 384 : i32
        %broadcast_in_dim3A_306 = vector.broadcast %broadcast_in_dim3A_305 : i32 to vector<16xi32>
        %add3A_307 = arith.addi %broadcast_in_dim3A_306, %add3A_238 : vector<16xi32>
        %gather3A_308 = tpu.vector_load_idx %arg17[%add3A_307, %broadcast_in_dim3A_287] : memref<640x32xf32, #tpu.memory_space<vmem>>[vector<16xi32>, vector<16xi32>], vector<16xf32>,
        %mul3A_309 = arith.mulf %add3A_290, %gather3A_308 : vector<16xf32>
        %add3A_310 = arith.addf %broadcast_in_dim3A_242, %mul3A_309 : vector<16xf32>
        %broadcast_in_dim3A_311 = arith.constant 512 : i32
        %broadcast_in_dim3A_312 = vector.broadcast %broadcast_in_dim3A_311 : i32 to vector<16xi32>
        %add3A_313 = arith.addi %broadcast_in_dim3A_312, %add3A_238 : vector<16xi32>
        %gather3A_314 = tpu.vector_load_idx %arg17[%add3A_313, %broadcast_in_dim3A_287] : memref<640x32xf32, #tpu.memory_space<vmem>>[vector<16xi32>, vector<16xi32>], vector<16xf32>,
        %mul3A_315 = arith.mulf %add3A_290, %gather3A_314 : vector<16xf32>
        %add3A_316 = arith.addf %broadcast_in_dim3A_242, %mul3A_315 : vector<16xf32>
        %broadcast_in_dim3A_317 = arith.constant 1 : i32
        %broadcast_in_dim3A_318 = vector.broadcast %broadcast_in_dim3A_317 : i32 to vector<16xi32>
        %gather3A_319 = tpu.vector_load_idx %arg16[%add3A_238, %broadcast_in_dim3A_318] : memref<128x32xf32, #tpu.memory_space<vmem>>[vector<16xi32>, vector<16xi32>], vector<16xf32>,
        %gather3A_320 = tpu.vector_load_idx %arg17[%add3A_238, %broadcast_in_dim3A_318] : memref<640x32xf32, #tpu.memory_space<vmem>>[vector<16xi32>, vector<16xi32>], vector<16xf32>,
        %add3A_321 = arith.addf %gather3A_319, %mul3A_255 : vector<16xf32>
        %mul3A_322 = arith.mulf %add3A_321, %gather3A_320 : vector<16xf32>
        %add3A_323 = arith.addf %add3A_292, %mul3A_322 : vector<16xf32>
        %broadcast_in_dim3A_324 = arith.constant 128 : i32
        %broadcast_in_dim3A_325 = vector.broadcast %broadcast_in_dim3A_324 : i32 to vector<16xi32>
        %add3A_326 = arith.addi %broadcast_in_dim3A_325, %add3A_238 : vector<16xi32>
        %gather3A_327 = tpu.vector_load_idx %arg17[%add3A_326, %broadcast_in_dim3A_318] : memref<640x32xf32, #tpu.memory_space<vmem>>[vector<16xi32>, vector<16xi32>], vector<16xf32>,
        %mul3A_328 = arith.mulf %add3A_321, %gather3A_327 : vector<16xf32>
        %add3A_329 = arith.addf %add3A_298, %mul3A_328 : vector<16xf32>
        %broadcast_in_dim3A_330 = arith.constant 256 : i32
        %broadcast_in_dim3A_331 = vector.broadcast %broadcast_in_dim3A_330 : i32 to vector<16xi32>
        %add3A_332 = arith.addi %broadcast_in_dim3A_331, %add3A_238 : vector<16xi32>
        %gather3A_333 = tpu.vector_load_idx %arg17[%add3A_332, %broadcast_in_dim3A_318] : memref<640x32xf32, #tpu.memory_space<vmem>>[vector<16xi32>, vector<16xi32>], vector<16xf32>,
        %mul3A_334 = arith.mulf %add3A_321, %gather3A_333 : vector<16xf32>
        %add3A_335 = arith.addf %add3A_304, %mul3A_334 : vector<16xf32>
        %broadcast_in_dim3A_336 = arith.constant 384 : i32
        %broadcast_in_dim3A_337 = vector.broadcast %broadcast_in_dim3A_336 : i32 to vector<16xi32>
        %add3A_338 = arith.addi %broadcast_in_dim3A_337, %add3A_238 : vector<16xi32>
        %gather3A_339 = tpu.vector_load_idx %arg17[%add3A_338, %broadcast_in_dim3A_318] : memref<640x32xf32, #tpu.memory_space<vmem>>[vector<16xi32>, vector<16xi32>], vector<16xf32>,
        %mul3A_340 = arith.mulf %add3A_321, %gather3A_339 : vector<16xf32>
        %add3A_341 = arith.addf %add3A_310, %mul3A_340 : vector<16xf32>
        %broadcast_in_dim3A_342 = arith.constant 512 : i32
        %broadcast_in_dim3A_343 = vector.broadcast %broadcast_in_dim3A_342 : i32 to vector<16xi32>
        %add3A_344 = arith.addi %broadcast_in_dim3A_343, %add3A_238 : vector<16xi32>
        %gather3A_345 = tpu.vector_load_idx %arg17[%add3A_344, %broadcast_in_dim3A_318] : memref<640x32xf32, #tpu.memory_space<vmem>>[vector<16xi32>, vector<16xi32>], vector<16xf32>,
        %mul3A_346 = arith.mulf %add3A_321, %gather3A_345 : vector<16xf32>
        %add3A_347 = arith.addf %add3A_316, %mul3A_346 : vector<16xf32>
        %broadcast_in_dim3A_348 = arith.constant 2 : i32
        %broadcast_in_dim3A_349 = vector.broadcast %broadcast_in_dim3A_348 : i32 to vector<16xi32>
        %gather3A_350 = tpu.vector_load_idx %arg16[%add3A_238, %broadcast_in_dim3A_349] : memref<128x32xf32, #tpu.memory_space<vmem>>[vector<16xi32>, vector<16xi32>], vector<16xf32>,
        %gather3A_351 = tpu.vector_load_idx %arg17[%add3A_238, %broadcast_in_dim3A_349] : memref<640x32xf32, #tpu.memory_space<vmem>>[vector<16xi32>, vector<16xi32>], vector<16xf32>,
        %add3A_352 = arith.addf %gather3A_350, %mul3A_256 : vector<16xf32>
        %mul3A_353 = arith.mulf %add3A_352, %gather3A_351 : vector<16xf32>
        %add3A_354 = arith.addf %add3A_323, %mul3A_353 : vector<16xf32>
        %broadcast_in_dim3A_355 = arith.constant 128 : i32
        %broadcast_in_dim3A_356 = vector.broadcast %broadcast_in_dim3A_355 : i32 to vector<16xi32>
        %add3A_357 = arith.addi %broadcast_in_dim3A_356, %add3A_238 : vector<16xi32>
        %gather3A_358 = tpu.vector_load_idx %arg17[%add3A_357, %broadcast_in_dim3A_349] : memref<640x32xf32, #tpu.memory_space<vmem>>[vector<16xi32>, vector<16xi32>], vector<16xf32>,
        %mul3A_359 = arith.mulf %add3A_352, %gather3A_358 : vector<16xf32>
        %add3A_360 = arith.addf %add3A_329, %mul3A_359 : vector<16xf32>
        %broadcast_in_dim3A_361 = arith.constant 256 : i32
        %broadcast_in_dim3A_362 = vector.broadcast %broadcast_in_dim3A_361 : i32 to vector<16xi32>
        %add3A_363 = arith.addi %broadcast_in_dim3A_362, %add3A_238 : vector<16xi32>
        %gather3A_364 = tpu.vector_load_idx %arg17[%add3A_363, %broadcast_in_dim3A_349] : memref<640x32xf32, #tpu.memory_space<vmem>>[vector<16xi32>, vector<16xi32>], vector<16xf32>,
        %mul3A_365 = arith.mulf %add3A_352, %gather3A_364 : vector<16xf32>
        %add3A_366 = arith.addf %add3A_335, %mul3A_365 : vector<16xf32>
        %broadcast_in_dim3A_367 = arith.constant 384 : i32
        %broadcast_in_dim3A_368 = vector.broadcast %broadcast_in_dim3A_367 : i32 to vector<16xi32>
        %add3A_369 = arith.addi %broadcast_in_dim3A_368, %add3A_238 : vector<16xi32>
        %gather3A_370 = tpu.vector_load_idx %arg17[%add3A_369, %broadcast_in_dim3A_349] : memref<640x32xf32, #tpu.memory_space<vmem>>[vector<16xi32>, vector<16xi32>], vector<16xf32>,
        %mul3A_371 = arith.mulf %add3A_352, %gather3A_370 : vector<16xf32>
        %add3A_372 = arith.addf %add3A_341, %mul3A_371 : vector<16xf32>
        %broadcast_in_dim3A_373 = arith.constant 512 : i32
        %broadcast_in_dim3A_374 = vector.broadcast %broadcast_in_dim3A_373 : i32 to vector<16xi32>
        %add3A_375 = arith.addi %broadcast_in_dim3A_374, %add3A_238 : vector<16xi32>
        %gather3A_376 = tpu.vector_load_idx %arg17[%add3A_375, %broadcast_in_dim3A_349] : memref<640x32xf32, #tpu.memory_space<vmem>>[vector<16xi32>, vector<16xi32>], vector<16xf32>,
        %mul3A_377 = arith.mulf %add3A_352, %gather3A_376 : vector<16xf32>
        %add3A_378 = arith.addf %add3A_347, %mul3A_377 : vector<16xf32>
        %broadcast_in_dim3A_379 = arith.constant 3 : i32
        %broadcast_in_dim3A_380 = vector.broadcast %broadcast_in_dim3A_379 : i32 to vector<16xi32>
        %gather3A_381 = tpu.vector_load_idx %arg16[%add3A_238, %broadcast_in_dim3A_380] : memref<128x32xf32, #tpu.memory_space<vmem>>[vector<16xi32>, vector<16xi32>], vector<16xf32>,
        %gather3A_382 = tpu.vector_load_idx %arg17[%add3A_238, %broadcast_in_dim3A_380] : memref<640x32xf32, #tpu.memory_space<vmem>>[vector<16xi32>, vector<16xi32>], vector<16xf32>,
        %add3A_383 = arith.addf %gather3A_381, %mul3A_257 : vector<16xf32>
        %mul3A_384 = arith.mulf %add3A_383, %gather3A_382 : vector<16xf32>
        %add3A_385 = arith.addf %add3A_354, %mul3A_384 : vector<16xf32>
        %broadcast_in_dim3A_386 = arith.constant 128 : i32
        %broadcast_in_dim3A_387 = vector.broadcast %broadcast_in_dim3A_386 : i32 to vector<16xi32>
        %add3A_388 = arith.addi %broadcast_in_dim3A_387, %add3A_238 : vector<16xi32>
        %gather3A_389 = tpu.vector_load_idx %arg17[%add3A_388, %broadcast_in_dim3A_380] : memref<640x32xf32, #tpu.memory_space<vmem>>[vector<16xi32>, vector<16xi32>], vector<16xf32>,
        %mul3A_390 = arith.mulf %add3A_383, %gather3A_389 : vector<16xf32>
        %add3A_391 = arith.addf %add3A_360, %mul3A_390 : vector<16xf32>
        %broadcast_in_dim3A_392 = arith.constant 256 : i32
        %broadcast_in_dim3A_393 = vector.broadcast %broadcast_in_dim3A_392 : i32 to vector<16xi32>
        %add3A_394 = arith.addi %broadcast_in_dim3A_393, %add3A_238 : vector<16xi32>
        %gather3A_395 = tpu.vector_load_idx %arg17[%add3A_394, %broadcast_in_dim3A_380] : memref<640x32xf32, #tpu.memory_space<vmem>>[vector<16xi32>, vector<16xi32>], vector<16xf32>,
        %mul3A_396 = arith.mulf %add3A_383, %gather3A_395 : vector<16xf32>
        %add3A_397 = arith.addf %add3A_366, %mul3A_396 : vector<16xf32>
        %broadcast_in_dim3A_398 = arith.constant 384 : i32
        %broadcast_in_dim3A_399 = vector.broadcast %broadcast_in_dim3A_398 : i32 to vector<16xi32>
        %add3A_400 = arith.addi %broadcast_in_dim3A_399, %add3A_238 : vector<16xi32>
        %gather3A_401 = tpu.vector_load_idx %arg17[%add3A_400, %broadcast_in_dim3A_380] : memref<640x32xf32, #tpu.memory_space<vmem>>[vector<16xi32>, vector<16xi32>], vector<16xf32>,
        %mul3A_402 = arith.mulf %add3A_383, %gather3A_401 : vector<16xf32>
        %add3A_403 = arith.addf %add3A_372, %mul3A_402 : vector<16xf32>
        %broadcast_in_dim3A_404 = arith.constant 512 : i32
        %broadcast_in_dim3A_405 = vector.broadcast %broadcast_in_dim3A_404 : i32 to vector<16xi32>
        %add3A_406 = arith.addi %broadcast_in_dim3A_405, %add3A_238 : vector<16xi32>
        %gather3A_407 = tpu.vector_load_idx %arg17[%add3A_406, %broadcast_in_dim3A_380] : memref<640x32xf32, #tpu.memory_space<vmem>>[vector<16xi32>, vector<16xi32>], vector<16xf32>,
        %mul3A_408 = arith.mulf %add3A_383, %gather3A_407 : vector<16xf32>
        %add3A_409 = arith.addf %add3A_378, %mul3A_408 : vector<16xf32>
        %broadcast_in_dim3A_410 = arith.constant 4 : i32
        %broadcast_in_dim3A_411 = vector.broadcast %broadcast_in_dim3A_410 : i32 to vector<16xi32>
        %gather3A_412 = tpu.vector_load_idx %arg16[%add3A_238, %broadcast_in_dim3A_411] : memref<128x32xf32, #tpu.memory_space<vmem>>[vector<16xi32>, vector<16xi32>], vector<16xf32>,
        %gather3A_413 = tpu.vector_load_idx %arg17[%add3A_238, %broadcast_in_dim3A_411] : memref<640x32xf32, #tpu.memory_space<vmem>>[vector<16xi32>, vector<16xi32>], vector<16xf32>,
        %add3A_414 = arith.addf %gather3A_412, %mul3A_258 : vector<16xf32>
        %mul3A_415 = arith.mulf %add3A_414, %gather3A_413 : vector<16xf32>
        %add3A_416 = arith.addf %add3A_385, %mul3A_415 : vector<16xf32>
        %broadcast_in_dim3A_417 = arith.constant 128 : i32
        %broadcast_in_dim3A_418 = vector.broadcast %broadcast_in_dim3A_417 : i32 to vector<16xi32>
        %add3A_419 = arith.addi %broadcast_in_dim3A_418, %add3A_238 : vector<16xi32>
        %gather3A_420 = tpu.vector_load_idx %arg17[%add3A_419, %broadcast_in_dim3A_411] : memref<640x32xf32, #tpu.memory_space<vmem>>[vector<16xi32>, vector<16xi32>], vector<16xf32>,
        %mul3A_421 = arith.mulf %add3A_414, %gather3A_420 : vector<16xf32>
        %add3A_422 = arith.addf %add3A_391, %mul3A_421 : vector<16xf32>
        %broadcast_in_dim3A_423 = arith.constant 256 : i32
        %broadcast_in_dim3A_424 = vector.broadcast %broadcast_in_dim3A_423 : i32 to vector<16xi32>
        %add3A_425 = arith.addi %broadcast_in_dim3A_424, %add3A_238 : vector<16xi32>
        %gather3A_426 = tpu.vector_load_idx %arg17[%add3A_425, %broadcast_in_dim3A_411] : memref<640x32xf32, #tpu.memory_space<vmem>>[vector<16xi32>, vector<16xi32>], vector<16xf32>,
        %mul3A_427 = arith.mulf %add3A_414, %gather3A_426 : vector<16xf32>
        %add3A_428 = arith.addf %add3A_397, %mul3A_427 : vector<16xf32>
        %broadcast_in_dim3A_429 = arith.constant 384 : i32
        %broadcast_in_dim3A_430 = vector.broadcast %broadcast_in_dim3A_429 : i32 to vector<16xi32>
        %add3A_431 = arith.addi %broadcast_in_dim3A_430, %add3A_238 : vector<16xi32>
        %gather3A_432 = tpu.vector_load_idx %arg17[%add3A_431, %broadcast_in_dim3A_411] : memref<640x32xf32, #tpu.memory_space<vmem>>[vector<16xi32>, vector<16xi32>], vector<16xf32>,
        %mul3A_433 = arith.mulf %add3A_414, %gather3A_432 : vector<16xf32>
        %add3A_434 = arith.addf %add3A_403, %mul3A_433 : vector<16xf32>
        %broadcast_in_dim3A_435 = arith.constant 512 : i32
        %broadcast_in_dim3A_436 = vector.broadcast %broadcast_in_dim3A_435 : i32 to vector<16xi32>
        %add3A_437 = arith.addi %broadcast_in_dim3A_436, %add3A_238 : vector<16xi32>
        %gather3A_438 = tpu.vector_load_idx %arg17[%add3A_437, %broadcast_in_dim3A_411] : memref<640x32xf32, #tpu.memory_space<vmem>>[vector<16xi32>, vector<16xi32>], vector<16xf32>,
        %mul3A_439 = arith.mulf %add3A_414, %gather3A_438 : vector<16xf32>
        %add3A_440 = arith.addf %add3A_409, %mul3A_439 : vector<16xf32>
        %broadcast_in_dim3A_441 = arith.constant 5 : i32
        %broadcast_in_dim3A_442 = vector.broadcast %broadcast_in_dim3A_441 : i32 to vector<16xi32>
        %gather3A_443 = tpu.vector_load_idx %arg16[%add3A_238, %broadcast_in_dim3A_442] : memref<128x32xf32, #tpu.memory_space<vmem>>[vector<16xi32>, vector<16xi32>], vector<16xf32>,
        %gather3A_444 = tpu.vector_load_idx %arg17[%add3A_238, %broadcast_in_dim3A_442] : memref<640x32xf32, #tpu.memory_space<vmem>>[vector<16xi32>, vector<16xi32>], vector<16xf32>,
        %add3A_445 = arith.addf %gather3A_443, %mul3A_259 : vector<16xf32>
        %mul3A_446 = arith.mulf %add3A_445, %gather3A_444 : vector<16xf32>
        %add3A_447 = arith.addf %add3A_416, %mul3A_446 : vector<16xf32>
        %broadcast_in_dim3A_448 = arith.constant 128 : i32
        %broadcast_in_dim3A_449 = vector.broadcast %broadcast_in_dim3A_448 : i32 to vector<16xi32>
        %add3A_450 = arith.addi %broadcast_in_dim3A_449, %add3A_238 : vector<16xi32>
        %gather3A_451 = tpu.vector_load_idx %arg17[%add3A_450, %broadcast_in_dim3A_442] : memref<640x32xf32, #tpu.memory_space<vmem>>[vector<16xi32>, vector<16xi32>], vector<16xf32>,
        %mul3A_452 = arith.mulf %add3A_445, %gather3A_451 : vector<16xf32>
        %add3A_453 = arith.addf %add3A_422, %mul3A_452 : vector<16xf32>
        %broadcast_in_dim3A_454 = arith.constant 256 : i32
        %broadcast_in_dim3A_455 = vector.broadcast %broadcast_in_dim3A_454 : i32 to vector<16xi32>
        %add3A_456 = arith.addi %broadcast_in_dim3A_455, %add3A_238 : vector<16xi32>
        %gather3A_457 = tpu.vector_load_idx %arg17[%add3A_456, %broadcast_in_dim3A_442] : memref<640x32xf32, #tpu.memory_space<vmem>>[vector<16xi32>, vector<16xi32>], vector<16xf32>,
        %mul3A_458 = arith.mulf %add3A_445, %gather3A_457 : vector<16xf32>
        %add3A_459 = arith.addf %add3A_428, %mul3A_458 : vector<16xf32>
        %broadcast_in_dim3A_460 = arith.constant 384 : i32
        %broadcast_in_dim3A_461 = vector.broadcast %broadcast_in_dim3A_460 : i32 to vector<16xi32>
        %add3A_462 = arith.addi %broadcast_in_dim3A_461, %add3A_238 : vector<16xi32>
        %gather3A_463 = tpu.vector_load_idx %arg17[%add3A_462, %broadcast_in_dim3A_442] : memref<640x32xf32, #tpu.memory_space<vmem>>[vector<16xi32>, vector<16xi32>], vector<16xf32>,
        %mul3A_464 = arith.mulf %add3A_445, %gather3A_463 : vector<16xf32>
        %add3A_465 = arith.addf %add3A_434, %mul3A_464 : vector<16xf32>
        %broadcast_in_dim3A_466 = arith.constant 512 : i32
        %broadcast_in_dim3A_467 = vector.broadcast %broadcast_in_dim3A_466 : i32 to vector<16xi32>
        %add3A_468 = arith.addi %broadcast_in_dim3A_467, %add3A_238 : vector<16xi32>
        %gather3A_469 = tpu.vector_load_idx %arg17[%add3A_468, %broadcast_in_dim3A_442] : memref<640x32xf32, #tpu.memory_space<vmem>>[vector<16xi32>, vector<16xi32>], vector<16xf32>,
        %mul3A_470 = arith.mulf %add3A_445, %gather3A_469 : vector<16xf32>
        %add3A_471 = arith.addf %add3A_440, %mul3A_470 : vector<16xf32>
        %broadcast_in_dim3A_472 = arith.constant 6 : i32
        %broadcast_in_dim3A_473 = vector.broadcast %broadcast_in_dim3A_472 : i32 to vector<16xi32>
        %gather3A_474 = tpu.vector_load_idx %arg16[%add3A_238, %broadcast_in_dim3A_473] : memref<128x32xf32, #tpu.memory_space<vmem>>[vector<16xi32>, vector<16xi32>], vector<16xf32>,
        %gather3A_475 = tpu.vector_load_idx %arg17[%add3A_238, %broadcast_in_dim3A_473] : memref<640x32xf32, #tpu.memory_space<vmem>>[vector<16xi32>, vector<16xi32>], vector<16xf32>,
        %add3A_476 = arith.addf %gather3A_474, %mul3A_260 : vector<16xf32>
        %mul3A_477 = arith.mulf %add3A_476, %gather3A_475 : vector<16xf32>
        %add3A_478 = arith.addf %add3A_447, %mul3A_477 : vector<16xf32>
        %broadcast_in_dim3A_479 = arith.constant 128 : i32
        %broadcast_in_dim3A_480 = vector.broadcast %broadcast_in_dim3A_479 : i32 to vector<16xi32>
        %add3A_481 = arith.addi %broadcast_in_dim3A_480, %add3A_238 : vector<16xi32>
        %gather3A_482 = tpu.vector_load_idx %arg17[%add3A_481, %broadcast_in_dim3A_473] : memref<640x32xf32, #tpu.memory_space<vmem>>[vector<16xi32>, vector<16xi32>], vector<16xf32>,
        %mul3A_483 = arith.mulf %add3A_476, %gather3A_482 : vector<16xf32>
        %add3A_484 = arith.addf %add3A_453, %mul3A_483 : vector<16xf32>
        %broadcast_in_dim3A_485 = arith.constant 256 : i32
        %broadcast_in_dim3A_486 = vector.broadcast %broadcast_in_dim3A_485 : i32 to vector<16xi32>
        %add3A_487 = arith.addi %broadcast_in_dim3A_486, %add3A_238 : vector<16xi32>
        %gather3A_488 = tpu.vector_load_idx %arg17[%add3A_487, %broadcast_in_dim3A_473] : memref<640x32xf32, #tpu.memory_space<vmem>>[vector<16xi32>, vector<16xi32>], vector<16xf32>,
        %mul3A_489 = arith.mulf %add3A_476, %gather3A_488 : vector<16xf32>
        %add3A_490 = arith.addf %add3A_459, %mul3A_489 : vector<16xf32>
        %broadcast_in_dim3A_491 = arith.constant 384 : i32
        %broadcast_in_dim3A_492 = vector.broadcast %broadcast_in_dim3A_491 : i32 to vector<16xi32>
        %add3A_493 = arith.addi %broadcast_in_dim3A_492, %add3A_238 : vector<16xi32>
        %gather3A_494 = tpu.vector_load_idx %arg17[%add3A_493, %broadcast_in_dim3A_473] : memref<640x32xf32, #tpu.memory_space<vmem>>[vector<16xi32>, vector<16xi32>], vector<16xf32>,
        %mul3A_495 = arith.mulf %add3A_476, %gather3A_494 : vector<16xf32>
        %add3A_496 = arith.addf %add3A_465, %mul3A_495 : vector<16xf32>
        %broadcast_in_dim3A_497 = arith.constant 512 : i32
        %broadcast_in_dim3A_498 = vector.broadcast %broadcast_in_dim3A_497 : i32 to vector<16xi32>
        %add3A_499 = arith.addi %broadcast_in_dim3A_498, %add3A_238 : vector<16xi32>
        %gather3A_500 = tpu.vector_load_idx %arg17[%add3A_499, %broadcast_in_dim3A_473] : memref<640x32xf32, #tpu.memory_space<vmem>>[vector<16xi32>, vector<16xi32>], vector<16xf32>,
        %mul3A_501 = arith.mulf %add3A_476, %gather3A_500 : vector<16xf32>
        %add3A_502 = arith.addf %add3A_471, %mul3A_501 : vector<16xf32>
        %broadcast_in_dim3A_503 = arith.constant 7 : i32
        %broadcast_in_dim3A_504 = vector.broadcast %broadcast_in_dim3A_503 : i32 to vector<16xi32>
        %gather3A_505 = tpu.vector_load_idx %arg16[%add3A_238, %broadcast_in_dim3A_504] : memref<128x32xf32, #tpu.memory_space<vmem>>[vector<16xi32>, vector<16xi32>], vector<16xf32>,
        %gather3A_506 = tpu.vector_load_idx %arg17[%add3A_238, %broadcast_in_dim3A_504] : memref<640x32xf32, #tpu.memory_space<vmem>>[vector<16xi32>, vector<16xi32>], vector<16xf32>,
        %add3A_507 = arith.addf %gather3A_505, %mul3A_261 : vector<16xf32>
        %mul3A_508 = arith.mulf %add3A_507, %gather3A_506 : vector<16xf32>
        %add3A_509 = arith.addf %add3A_478, %mul3A_508 : vector<16xf32>
        %broadcast_in_dim3A_510 = arith.constant 128 : i32
        %broadcast_in_dim3A_511 = vector.broadcast %broadcast_in_dim3A_510 : i32 to vector<16xi32>
        %add3A_512 = arith.addi %broadcast_in_dim3A_511, %add3A_238 : vector<16xi32>
        %gather3A_513 = tpu.vector_load_idx %arg17[%add3A_512, %broadcast_in_dim3A_504] : memref<640x32xf32, #tpu.memory_space<vmem>>[vector<16xi32>, vector<16xi32>], vector<16xf32>,
        %mul3A_514 = arith.mulf %add3A_507, %gather3A_513 : vector<16xf32>
        %add3A_515 = arith.addf %add3A_484, %mul3A_514 : vector<16xf32>
        %broadcast_in_dim3A_516 = arith.constant 256 : i32
        %broadcast_in_dim3A_517 = vector.broadcast %broadcast_in_dim3A_516 : i32 to vector<16xi32>
        %add3A_518 = arith.addi %broadcast_in_dim3A_517, %add3A_238 : vector<16xi32>
        %gather3A_519 = tpu.vector_load_idx %arg17[%add3A_518, %broadcast_in_dim3A_504] : memref<640x32xf32, #tpu.memory_space<vmem>>[vector<16xi32>, vector<16xi32>], vector<16xf32>,
        %mul3A_520 = arith.mulf %add3A_507, %gather3A_519 : vector<16xf32>
        %add3A_521 = arith.addf %add3A_490, %mul3A_520 : vector<16xf32>
        %broadcast_in_dim3A_522 = arith.constant 384 : i32
        %broadcast_in_dim3A_523 = vector.broadcast %broadcast_in_dim3A_522 : i32 to vector<16xi32>
        %add3A_524 = arith.addi %broadcast_in_dim3A_523, %add3A_238 : vector<16xi32>
        %gather3A_525 = tpu.vector_load_idx %arg17[%add3A_524, %broadcast_in_dim3A_504] : memref<640x32xf32, #tpu.memory_space<vmem>>[vector<16xi32>, vector<16xi32>], vector<16xf32>,
        %mul3A_526 = arith.mulf %add3A_507, %gather3A_525 : vector<16xf32>
        %add3A_527 = arith.addf %add3A_496, %mul3A_526 : vector<16xf32>
        %broadcast_in_dim3A_528 = arith.constant 512 : i32
        %broadcast_in_dim3A_529 = vector.broadcast %broadcast_in_dim3A_528 : i32 to vector<16xi32>
        %add3A_530 = arith.addi %broadcast_in_dim3A_529, %add3A_238 : vector<16xi32>
        %gather3A_531 = tpu.vector_load_idx %arg17[%add3A_530, %broadcast_in_dim3A_504] : memref<640x32xf32, #tpu.memory_space<vmem>>[vector<16xi32>, vector<16xi32>], vector<16xf32>,
        %mul3A_532 = arith.mulf %add3A_507, %gather3A_531 : vector<16xf32>
        %add3A_533 = arith.addf %add3A_502, %mul3A_532 : vector<16xf32>
        %broadcast_in_dim3A_534 = arith.constant 8 : i32
        %broadcast_in_dim3A_535 = vector.broadcast %broadcast_in_dim3A_534 : i32 to vector<16xi32>
        %gather3A_536 = tpu.vector_load_idx %arg16[%add3A_238, %broadcast_in_dim3A_535] : memref<128x32xf32, #tpu.memory_space<vmem>>[vector<16xi32>, vector<16xi32>], vector<16xf32>,
        %gather3A_537 = tpu.vector_load_idx %arg17[%add3A_238, %broadcast_in_dim3A_535] : memref<640x32xf32, #tpu.memory_space<vmem>>[vector<16xi32>, vector<16xi32>], vector<16xf32>,
        %add3A_538 = arith.addf %gather3A_536, %mul3A_262 : vector<16xf32>
        %mul3A_539 = arith.mulf %add3A_538, %gather3A_537 : vector<16xf32>
        %add3A_540 = arith.addf %add3A_509, %mul3A_539 : vector<16xf32>
        %broadcast_in_dim3A_541 = arith.constant 128 : i32
        %broadcast_in_dim3A_542 = vector.broadcast %broadcast_in_dim3A_541 : i32 to vector<16xi32>
        %add3A_543 = arith.addi %broadcast_in_dim3A_542, %add3A_238 : vector<16xi32>
        %gather3A_544 = tpu.vector_load_idx %arg17[%add3A_543, %broadcast_in_dim3A_535] : memref<640x32xf32, #tpu.memory_space<vmem>>[vector<16xi32>, vector<16xi32>], vector<16xf32>,
        %mul3A_545 = arith.mulf %add3A_538, %gather3A_544 : vector<16xf32>
        %add3A_546 = arith.addf %add3A_515, %mul3A_545 : vector<16xf32>
        %broadcast_in_dim3A_547 = arith.constant 256 : i32
        %broadcast_in_dim3A_548 = vector.broadcast %broadcast_in_dim3A_547 : i32 to vector<16xi32>
        %add3A_549 = arith.addi %broadcast_in_dim3A_548, %add3A_238 : vector<16xi32>
        %gather3A_550 = tpu.vector_load_idx %arg17[%add3A_549, %broadcast_in_dim3A_535] : memref<640x32xf32, #tpu.memory_space<vmem>>[vector<16xi32>, vector<16xi32>], vector<16xf32>,
        %mul3A_551 = arith.mulf %add3A_538, %gather3A_550 : vector<16xf32>
        %add3A_552 = arith.addf %add3A_521, %mul3A_551 : vector<16xf32>
        %broadcast_in_dim3A_553 = arith.constant 384 : i32
        %broadcast_in_dim3A_554 = vector.broadcast %broadcast_in_dim3A_553 : i32 to vector<16xi32>
        %add3A_555 = arith.addi %broadcast_in_dim3A_554, %add3A_238 : vector<16xi32>
        %gather3A_556 = tpu.vector_load_idx %arg17[%add3A_555, %broadcast_in_dim3A_535] : memref<640x32xf32, #tpu.memory_space<vmem>>[vector<16xi32>, vector<16xi32>], vector<16xf32>,
        %mul3A_557 = arith.mulf %add3A_538, %gather3A_556 : vector<16xf32>
        %add3A_558 = arith.addf %add3A_527, %mul3A_557 : vector<16xf32>
        %broadcast_in_dim3A_559 = arith.constant 512 : i32
        %broadcast_in_dim3A_560 = vector.broadcast %broadcast_in_dim3A_559 : i32 to vector<16xi32>
        %add3A_561 = arith.addi %broadcast_in_dim3A_560, %add3A_238 : vector<16xi32>
        %gather3A_562 = tpu.vector_load_idx %arg17[%add3A_561, %broadcast_in_dim3A_535] : memref<640x32xf32, #tpu.memory_space<vmem>>[vector<16xi32>, vector<16xi32>], vector<16xf32>,
        %mul3A_563 = arith.mulf %add3A_538, %gather3A_562 : vector<16xf32>
        %add3A_564 = arith.addf %add3A_533, %mul3A_563 : vector<16xf32>
        %broadcast_in_dim3A_565 = arith.constant 9 : i32
        %broadcast_in_dim3A_566 = vector.broadcast %broadcast_in_dim3A_565 : i32 to vector<16xi32>
        %gather3A_567 = tpu.vector_load_idx %arg16[%add3A_238, %broadcast_in_dim3A_566] : memref<128x32xf32, #tpu.memory_space<vmem>>[vector<16xi32>, vector<16xi32>], vector<16xf32>,
        %gather3A_568 = tpu.vector_load_idx %arg17[%add3A_238, %broadcast_in_dim3A_566] : memref<640x32xf32, #tpu.memory_space<vmem>>[vector<16xi32>, vector<16xi32>], vector<16xf32>,
        %add3A_569 = arith.addf %gather3A_567, %mul3A_263 : vector<16xf32>
        %mul3A_570 = arith.mulf %add3A_569, %gather3A_568 : vector<16xf32>
        %add3A_571 = arith.addf %add3A_540, %mul3A_570 : vector<16xf32>
        %broadcast_in_dim3A_572 = arith.constant 128 : i32
        %broadcast_in_dim3A_573 = vector.broadcast %broadcast_in_dim3A_572 : i32 to vector<16xi32>
        %add3A_574 = arith.addi %broadcast_in_dim3A_573, %add3A_238 : vector<16xi32>
        %gather3A_575 = tpu.vector_load_idx %arg17[%add3A_574, %broadcast_in_dim3A_566] : memref<640x32xf32, #tpu.memory_space<vmem>>[vector<16xi32>, vector<16xi32>], vector<16xf32>,
        %mul3A_576 = arith.mulf %add3A_569, %gather3A_575 : vector<16xf32>
        %add3A_577 = arith.addf %add3A_546, %mul3A_576 : vector<16xf32>
        %broadcast_in_dim3A_578 = arith.constant 256 : i32
        %broadcast_in_dim3A_579 = vector.broadcast %broadcast_in_dim3A_578 : i32 to vector<16xi32>
        %add3A_580 = arith.addi %broadcast_in_dim3A_579, %add3A_238 : vector<16xi32>
        %gather3A_581 = tpu.vector_load_idx %arg17[%add3A_580, %broadcast_in_dim3A_566] : memref<640x32xf32, #tpu.memory_space<vmem>>[vector<16xi32>, vector<16xi32>], vector<16xf32>,
        %mul3A_582 = arith.mulf %add3A_569, %gather3A_581 : vector<16xf32>
        %add3A_583 = arith.addf %add3A_552, %mul3A_582 : vector<16xf32>
        %broadcast_in_dim3A_584 = arith.constant 384 : i32
        %broadcast_in_dim3A_585 = vector.broadcast %broadcast_in_dim3A_584 : i32 to vector<16xi32>
        %add3A_586 = arith.addi %broadcast_in_dim3A_585, %add3A_238 : vector<16xi32>
        %gather3A_587 = tpu.vector_load_idx %arg17[%add3A_586, %broadcast_in_dim3A_566] : memref<640x32xf32, #tpu.memory_space<vmem>>[vector<16xi32>, vector<16xi32>], vector<16xf32>,
        %mul3A_588 = arith.mulf %add3A_569, %gather3A_587 : vector<16xf32>
        %add3A_589 = arith.addf %add3A_558, %mul3A_588 : vector<16xf32>
        %broadcast_in_dim3A_590 = arith.constant 512 : i32
        %broadcast_in_dim3A_591 = vector.broadcast %broadcast_in_dim3A_590 : i32 to vector<16xi32>
        %add3A_592 = arith.addi %broadcast_in_dim3A_591, %add3A_238 : vector<16xi32>
        %gather3A_593 = tpu.vector_load_idx %arg17[%add3A_592, %broadcast_in_dim3A_566] : memref<640x32xf32, #tpu.memory_space<vmem>>[vector<16xi32>, vector<16xi32>], vector<16xf32>,
        %mul3A_594 = arith.mulf %add3A_569, %gather3A_593 : vector<16xf32>
        %add3A_595 = arith.addf %add3A_564, %mul3A_594 : vector<16xf32>
        %broadcast_in_dim3A_596 = arith.constant 10 : i32
        %broadcast_in_dim3A_597 = vector.broadcast %broadcast_in_dim3A_596 : i32 to vector<16xi32>
        %gather3A_598 = tpu.vector_load_idx %arg16[%add3A_238, %broadcast_in_dim3A_597] : memref<128x32xf32, #tpu.memory_space<vmem>>[vector<16xi32>, vector<16xi32>], vector<16xf32>,
        %gather3A_599 = tpu.vector_load_idx %arg17[%add3A_238, %broadcast_in_dim3A_597] : memref<640x32xf32, #tpu.memory_space<vmem>>[vector<16xi32>, vector<16xi32>], vector<16xf32>,
        %add3A_600 = arith.addf %gather3A_598, %mul3A_264 : vector<16xf32>
        %mul3A_601 = arith.mulf %add3A_600, %gather3A_599 : vector<16xf32>
        %add3A_602 = arith.addf %add3A_571, %mul3A_601 : vector<16xf32>
        %broadcast_in_dim3A_603 = arith.constant 128 : i32
        %broadcast_in_dim3A_604 = vector.broadcast %broadcast_in_dim3A_603 : i32 to vector<16xi32>
        %add3A_605 = arith.addi %broadcast_in_dim3A_604, %add3A_238 : vector<16xi32>
        %gather3A_606 = tpu.vector_load_idx %arg17[%add3A_605, %broadcast_in_dim3A_597] : memref<640x32xf32, #tpu.memory_space<vmem>>[vector<16xi32>, vector<16xi32>], vector<16xf32>,
        %mul3A_607 = arith.mulf %add3A_600, %gather3A_606 : vector<16xf32>
        %add3A_608 = arith.addf %add3A_577, %mul3A_607 : vector<16xf32>
        %broadcast_in_dim3A_609 = arith.constant 256 : i32
        %broadcast_in_dim3A_610 = vector.broadcast %broadcast_in_dim3A_609 : i32 to vector<16xi32>
        %add3A_611 = arith.addi %broadcast_in_dim3A_610, %add3A_238 : vector<16xi32>
        %gather3A_612 = tpu.vector_load_idx %arg17[%add3A_611, %broadcast_in_dim3A_597] : memref<640x32xf32, #tpu.memory_space<vmem>>[vector<16xi32>, vector<16xi32>], vector<16xf32>,
        %mul3A_613 = arith.mulf %add3A_600, %gather3A_612 : vector<16xf32>
        %add3A_614 = arith.addf %add3A_583, %mul3A_613 : vector<16xf32>
        %broadcast_in_dim3A_615 = arith.constant 384 : i32
        %broadcast_in_dim3A_616 = vector.broadcast %broadcast_in_dim3A_615 : i32 to vector<16xi32>
        %add3A_617 = arith.addi %broadcast_in_dim3A_616, %add3A_238 : vector<16xi32>
        %gather3A_618 = tpu.vector_load_idx %arg17[%add3A_617, %broadcast_in_dim3A_597] : memref<640x32xf32, #tpu.memory_space<vmem>>[vector<16xi32>, vector<16xi32>], vector<16xf32>,
        %mul3A_619 = arith.mulf %add3A_600, %gather3A_618 : vector<16xf32>
        %add3A_620 = arith.addf %add3A_589, %mul3A_619 : vector<16xf32>
        %broadcast_in_dim3A_621 = arith.constant 512 : i32
        %broadcast_in_dim3A_622 = vector.broadcast %broadcast_in_dim3A_621 : i32 to vector<16xi32>
        %add3A_623 = arith.addi %broadcast_in_dim3A_622, %add3A_238 : vector<16xi32>
        %gather3A_624 = tpu.vector_load_idx %arg17[%add3A_623, %broadcast_in_dim3A_597] : memref<640x32xf32, #tpu.memory_space<vmem>>[vector<16xi32>, vector<16xi32>], vector<16xf32>,
        %mul3A_625 = arith.mulf %add3A_600, %gather3A_624 : vector<16xf32>
        %add3A_626 = arith.addf %add3A_595, %mul3A_625 : vector<16xf32>
        %broadcast_in_dim3A_627 = arith.constant 11 : i32
        %broadcast_in_dim3A_628 = vector.broadcast %broadcast_in_dim3A_627 : i32 to vector<16xi32>
        %gather3A_629 = tpu.vector_load_idx %arg16[%add3A_238, %broadcast_in_dim3A_628] : memref<128x32xf32, #tpu.memory_space<vmem>>[vector<16xi32>, vector<16xi32>], vector<16xf32>,
        %gather3A_630 = tpu.vector_load_idx %arg17[%add3A_238, %broadcast_in_dim3A_628] : memref<640x32xf32, #tpu.memory_space<vmem>>[vector<16xi32>, vector<16xi32>], vector<16xf32>,
        %add3A_631 = arith.addf %gather3A_629, %mul3A_265 : vector<16xf32>
        %mul3A_632 = arith.mulf %add3A_631, %gather3A_630 : vector<16xf32>
        %add3A_633 = arith.addf %add3A_602, %mul3A_632 : vector<16xf32>
        %broadcast_in_dim3A_634 = arith.constant 128 : i32
        %broadcast_in_dim3A_635 = vector.broadcast %broadcast_in_dim3A_634 : i32 to vector<16xi32>
        %add3A_636 = arith.addi %broadcast_in_dim3A_635, %add3A_238 : vector<16xi32>
        %gather3A_637 = tpu.vector_load_idx %arg17[%add3A_636, %broadcast_in_dim3A_628] : memref<640x32xf32, #tpu.memory_space<vmem>>[vector<16xi32>, vector<16xi32>], vector<16xf32>,
        %mul3A_638 = arith.mulf %add3A_631, %gather3A_637 : vector<16xf32>
        %add3A_639 = arith.addf %add3A_608, %mul3A_638 : vector<16xf32>
        %broadcast_in_dim3A_640 = arith.constant 256 : i32
        %broadcast_in_dim3A_641 = vector.broadcast %broadcast_in_dim3A_640 : i32 to vector<16xi32>
        %add3A_642 = arith.addi %broadcast_in_dim3A_641, %add3A_238 : vector<16xi32>
        %gather3A_643 = tpu.vector_load_idx %arg17[%add3A_642, %broadcast_in_dim3A_628] : memref<640x32xf32, #tpu.memory_space<vmem>>[vector<16xi32>, vector<16xi32>], vector<16xf32>,
        %mul3A_644 = arith.mulf %add3A_631, %gather3A_643 : vector<16xf32>
        %add3A_645 = arith.addf %add3A_614, %mul3A_644 : vector<16xf32>
        %broadcast_in_dim3A_646 = arith.constant 384 : i32
        %broadcast_in_dim3A_647 = vector.broadcast %broadcast_in_dim3A_646 : i32 to vector<16xi32>
        %add3A_648 = arith.addi %broadcast_in_dim3A_647, %add3A_238 : vector<16xi32>
        %gather3A_649 = tpu.vector_load_idx %arg17[%add3A_648, %broadcast_in_dim3A_628] : memref<640x32xf32, #tpu.memory_space<vmem>>[vector<16xi32>, vector<16xi32>], vector<16xf32>,
        %mul3A_650 = arith.mulf %add3A_631, %gather3A_649 : vector<16xf32>
        %add3A_651 = arith.addf %add3A_620, %mul3A_650 : vector<16xf32>
        %broadcast_in_dim3A_652 = arith.constant 512 : i32
        %broadcast_in_dim3A_653 = vector.broadcast %broadcast_in_dim3A_652 : i32 to vector<16xi32>
        %add3A_654 = arith.addi %broadcast_in_dim3A_653, %add3A_238 : vector<16xi32>
        %gather3A_655 = tpu.vector_load_idx %arg17[%add3A_654, %broadcast_in_dim3A_628] : memref<640x32xf32, #tpu.memory_space<vmem>>[vector<16xi32>, vector<16xi32>], vector<16xf32>,
        %mul3A_656 = arith.mulf %add3A_631, %gather3A_655 : vector<16xf32>
        %add3A_657 = arith.addf %add3A_626, %mul3A_656 : vector<16xf32>
        %broadcast_in_dim3A_658 = arith.constant 12 : i32
        %broadcast_in_dim3A_659 = vector.broadcast %broadcast_in_dim3A_658 : i32 to vector<16xi32>
        %gather3A_660 = tpu.vector_load_idx %arg16[%add3A_238, %broadcast_in_dim3A_659] : memref<128x32xf32, #tpu.memory_space<vmem>>[vector<16xi32>, vector<16xi32>], vector<16xf32>,
        %gather3A_661 = tpu.vector_load_idx %arg17[%add3A_238, %broadcast_in_dim3A_659] : memref<640x32xf32, #tpu.memory_space<vmem>>[vector<16xi32>, vector<16xi32>], vector<16xf32>,
        %add3A_662 = arith.addf %gather3A_660, %mul3A_266 : vector<16xf32>
        %mul3A_663 = arith.mulf %add3A_662, %gather3A_661 : vector<16xf32>
        %add3A_664 = arith.addf %add3A_633, %mul3A_663 : vector<16xf32>
        %broadcast_in_dim3A_665 = arith.constant 128 : i32
        %broadcast_in_dim3A_666 = vector.broadcast %broadcast_in_dim3A_665 : i32 to vector<16xi32>
        %add3A_667 = arith.addi %broadcast_in_dim3A_666, %add3A_238 : vector<16xi32>
        %gather3A_668 = tpu.vector_load_idx %arg17[%add3A_667, %broadcast_in_dim3A_659] : memref<640x32xf32, #tpu.memory_space<vmem>>[vector<16xi32>, vector<16xi32>], vector<16xf32>,
        %mul3A_669 = arith.mulf %add3A_662, %gather3A_668 : vector<16xf32>
        %add3A_670 = arith.addf %add3A_639, %mul3A_669 : vector<16xf32>
        %broadcast_in_dim3A_671 = arith.constant 256 : i32
        %broadcast_in_dim3A_672 = vector.broadcast %broadcast_in_dim3A_671 : i32 to vector<16xi32>
        %add3A_673 = arith.addi %broadcast_in_dim3A_672, %add3A_238 : vector<16xi32>
        %gather3A_674 = tpu.vector_load_idx %arg17[%add3A_673, %broadcast_in_dim3A_659] : memref<640x32xf32, #tpu.memory_space<vmem>>[vector<16xi32>, vector<16xi32>], vector<16xf32>,
        %mul3A_675 = arith.mulf %add3A_662, %gather3A_674 : vector<16xf32>
        %add3A_676 = arith.addf %add3A_645, %mul3A_675 : vector<16xf32>
        %broadcast_in_dim3A_677 = arith.constant 384 : i32
        %broadcast_in_dim3A_678 = vector.broadcast %broadcast_in_dim3A_677 : i32 to vector<16xi32>
        %add3A_679 = arith.addi %broadcast_in_dim3A_678, %add3A_238 : vector<16xi32>
        %gather3A_680 = tpu.vector_load_idx %arg17[%add3A_679, %broadcast_in_dim3A_659] : memref<640x32xf32, #tpu.memory_space<vmem>>[vector<16xi32>, vector<16xi32>], vector<16xf32>,
        %mul3A_681 = arith.mulf %add3A_662, %gather3A_680 : vector<16xf32>
        %add3A_682 = arith.addf %add3A_651, %mul3A_681 : vector<16xf32>
        %broadcast_in_dim3A_683 = arith.constant 512 : i32
        %broadcast_in_dim3A_684 = vector.broadcast %broadcast_in_dim3A_683 : i32 to vector<16xi32>
        %add3A_685 = arith.addi %broadcast_in_dim3A_684, %add3A_238 : vector<16xi32>
        %gather3A_686 = tpu.vector_load_idx %arg17[%add3A_685, %broadcast_in_dim3A_659] : memref<640x32xf32, #tpu.memory_space<vmem>>[vector<16xi32>, vector<16xi32>], vector<16xf32>,
        %mul3A_687 = arith.mulf %add3A_662, %gather3A_686 : vector<16xf32>
        %add3A_688 = arith.addf %add3A_657, %mul3A_687 : vector<16xf32>
        %broadcast_in_dim3A_689 = arith.constant 13 : i32
        %broadcast_in_dim3A_690 = vector.broadcast %broadcast_in_dim3A_689 : i32 to vector<16xi32>
        %gather3A_691 = tpu.vector_load_idx %arg16[%add3A_238, %broadcast_in_dim3A_690] : memref<128x32xf32, #tpu.memory_space<vmem>>[vector<16xi32>, vector<16xi32>], vector<16xf32>,
        %gather3A_692 = tpu.vector_load_idx %arg17[%add3A_238, %broadcast_in_dim3A_690] : memref<640x32xf32, #tpu.memory_space<vmem>>[vector<16xi32>, vector<16xi32>], vector<16xf32>,
        %add3A_693 = arith.addf %gather3A_691, %mul3A_267 : vector<16xf32>
        %mul3A_694 = arith.mulf %add3A_693, %gather3A_692 : vector<16xf32>
        %add3A_695 = arith.addf %add3A_664, %mul3A_694 : vector<16xf32>
        %broadcast_in_dim3A_696 = arith.constant 128 : i32
        %broadcast_in_dim3A_697 = vector.broadcast %broadcast_in_dim3A_696 : i32 to vector<16xi32>
        %add3A_698 = arith.addi %broadcast_in_dim3A_697, %add3A_238 : vector<16xi32>
        %gather3A_699 = tpu.vector_load_idx %arg17[%add3A_698, %broadcast_in_dim3A_690] : memref<640x32xf32, #tpu.memory_space<vmem>>[vector<16xi32>, vector<16xi32>], vector<16xf32>,
        %mul3A_700 = arith.mulf %add3A_693, %gather3A_699 : vector<16xf32>
        %add3A_701 = arith.addf %add3A_670, %mul3A_700 : vector<16xf32>
        %broadcast_in_dim3A_702 = arith.constant 256 : i32
        %broadcast_in_dim3A_703 = vector.broadcast %broadcast_in_dim3A_702 : i32 to vector<16xi32>
        %add3A_704 = arith.addi %broadcast_in_dim3A_703, %add3A_238 : vector<16xi32>
        %gather3A_705 = tpu.vector_load_idx %arg17[%add3A_704, %broadcast_in_dim3A_690] : memref<640x32xf32, #tpu.memory_space<vmem>>[vector<16xi32>, vector<16xi32>], vector<16xf32>,
        %mul3A_706 = arith.mulf %add3A_693, %gather3A_705 : vector<16xf32>
        %add3A_707 = arith.addf %add3A_676, %mul3A_706 : vector<16xf32>
        %broadcast_in_dim3A_708 = arith.constant 384 : i32
        %broadcast_in_dim3A_709 = vector.broadcast %broadcast_in_dim3A_708 : i32 to vector<16xi32>
        %add3A_710 = arith.addi %broadcast_in_dim3A_709, %add3A_238 : vector<16xi32>
        %gather3A_711 = tpu.vector_load_idx %arg17[%add3A_710, %broadcast_in_dim3A_690] : memref<640x32xf32, #tpu.memory_space<vmem>>[vector<16xi32>, vector<16xi32>], vector<16xf32>,
        %mul3A_712 = arith.mulf %add3A_693, %gather3A_711 : vector<16xf32>
        %add3A_713 = arith.addf %add3A_682, %mul3A_712 : vector<16xf32>
        %broadcast_in_dim3A_714 = arith.constant 512 : i32
        %broadcast_in_dim3A_715 = vector.broadcast %broadcast_in_dim3A_714 : i32 to vector<16xi32>
        %add3A_716 = arith.addi %broadcast_in_dim3A_715, %add3A_238 : vector<16xi32>
        %gather3A_717 = tpu.vector_load_idx %arg17[%add3A_716, %broadcast_in_dim3A_690] : memref<640x32xf32, #tpu.memory_space<vmem>>[vector<16xi32>, vector<16xi32>], vector<16xf32>,
        %mul3A_718 = arith.mulf %add3A_693, %gather3A_717 : vector<16xf32>
        %add3A_719 = arith.addf %add3A_688, %mul3A_718 : vector<16xf32>
        %broadcast_in_dim3A_720 = arith.constant 14 : i32
        %broadcast_in_dim3A_721 = vector.broadcast %broadcast_in_dim3A_720 : i32 to vector<16xi32>
        %gather3A_722 = tpu.vector_load_idx %arg16[%add3A_238, %broadcast_in_dim3A_721] : memref<128x32xf32, #tpu.memory_space<vmem>>[vector<16xi32>, vector<16xi32>], vector<16xf32>,
        %gather3A_723 = tpu.vector_load_idx %arg17[%add3A_238, %broadcast_in_dim3A_721] : memref<640x32xf32, #tpu.memory_space<vmem>>[vector<16xi32>, vector<16xi32>], vector<16xf32>,
        %add3A_724 = arith.addf %gather3A_722, %mul3A_268 : vector<16xf32>
        %mul3A_725 = arith.mulf %add3A_724, %gather3A_723 : vector<16xf32>
        %add3A_726 = arith.addf %add3A_695, %mul3A_725 : vector<16xf32>
        %broadcast_in_dim3A_727 = arith.constant 128 : i32
        %broadcast_in_dim3A_728 = vector.broadcast %broadcast_in_dim3A_727 : i32 to vector<16xi32>
        %add3A_729 = arith.addi %broadcast_in_dim3A_728, %add3A_238 : vector<16xi32>
        %gather3A_730 = tpu.vector_load_idx %arg17[%add3A_729, %broadcast_in_dim3A_721] : memref<640x32xf32, #tpu.memory_space<vmem>>[vector<16xi32>, vector<16xi32>], vector<16xf32>,
        %mul3A_731 = arith.mulf %add3A_724, %gather3A_730 : vector<16xf32>
        %add3A_732 = arith.addf %add3A_701, %mul3A_731 : vector<16xf32>
        %broadcast_in_dim3A_733 = arith.constant 256 : i32
        %broadcast_in_dim3A_734 = vector.broadcast %broadcast_in_dim3A_733 : i32 to vector<16xi32>
        %add3A_735 = arith.addi %broadcast_in_dim3A_734, %add3A_238 : vector<16xi32>
        %gather3A_736 = tpu.vector_load_idx %arg17[%add3A_735, %broadcast_in_dim3A_721] : memref<640x32xf32, #tpu.memory_space<vmem>>[vector<16xi32>, vector<16xi32>], vector<16xf32>,
        %mul3A_737 = arith.mulf %add3A_724, %gather3A_736 : vector<16xf32>
        %add3A_738 = arith.addf %add3A_707, %mul3A_737 : vector<16xf32>
        %broadcast_in_dim3A_739 = arith.constant 384 : i32
        %broadcast_in_dim3A_740 = vector.broadcast %broadcast_in_dim3A_739 : i32 to vector<16xi32>
        %add3A_741 = arith.addi %broadcast_in_dim3A_740, %add3A_238 : vector<16xi32>
        %gather3A_742 = tpu.vector_load_idx %arg17[%add3A_741, %broadcast_in_dim3A_721] : memref<640x32xf32, #tpu.memory_space<vmem>>[vector<16xi32>, vector<16xi32>], vector<16xf32>,
        %mul3A_743 = arith.mulf %add3A_724, %gather3A_742 : vector<16xf32>
        %add3A_744 = arith.addf %add3A_713, %mul3A_743 : vector<16xf32>
        %broadcast_in_dim3A_745 = arith.constant 512 : i32
        %broadcast_in_dim3A_746 = vector.broadcast %broadcast_in_dim3A_745 : i32 to vector<16xi32>
        %add3A_747 = arith.addi %broadcast_in_dim3A_746, %add3A_238 : vector<16xi32>
        %gather3A_748 = tpu.vector_load_idx %arg17[%add3A_747, %broadcast_in_dim3A_721] : memref<640x32xf32, #tpu.memory_space<vmem>>[vector<16xi32>, vector<16xi32>], vector<16xf32>,
        %mul3A_749 = arith.mulf %add3A_724, %gather3A_748 : vector<16xf32>
        %add3A_750 = arith.addf %add3A_719, %mul3A_749 : vector<16xf32>
        %broadcast_in_dim3A_751 = arith.constant 15 : i32
        %broadcast_in_dim3A_752 = vector.broadcast %broadcast_in_dim3A_751 : i32 to vector<16xi32>
        %gather3A_753 = tpu.vector_load_idx %arg16[%add3A_238, %broadcast_in_dim3A_752] : memref<128x32xf32, #tpu.memory_space<vmem>>[vector<16xi32>, vector<16xi32>], vector<16xf32>,
        %gather3A_754 = tpu.vector_load_idx %arg17[%add3A_238, %broadcast_in_dim3A_752] : memref<640x32xf32, #tpu.memory_space<vmem>>[vector<16xi32>, vector<16xi32>], vector<16xf32>,
        %add3A_755 = arith.addf %gather3A_753, %mul3A_269 : vector<16xf32>
        %mul3A_756 = arith.mulf %add3A_755, %gather3A_754 : vector<16xf32>
        %add3A_757 = arith.addf %add3A_726, %mul3A_756 : vector<16xf32>
        %broadcast_in_dim3A_758 = arith.constant 128 : i32
        %broadcast_in_dim3A_759 = vector.broadcast %broadcast_in_dim3A_758 : i32 to vector<16xi32>
        %add3A_760 = arith.addi %broadcast_in_dim3A_759, %add3A_238 : vector<16xi32>
        %gather3A_761 = tpu.vector_load_idx %arg17[%add3A_760, %broadcast_in_dim3A_752] : memref<640x32xf32, #tpu.memory_space<vmem>>[vector<16xi32>, vector<16xi32>], vector<16xf32>,
        %mul3A_762 = arith.mulf %add3A_755, %gather3A_761 : vector<16xf32>
        %add3A_763 = arith.addf %add3A_732, %mul3A_762 : vector<16xf32>
        %broadcast_in_dim3A_764 = arith.constant 256 : i32
        %broadcast_in_dim3A_765 = vector.broadcast %broadcast_in_dim3A_764 : i32 to vector<16xi32>
        %add3A_766 = arith.addi %broadcast_in_dim3A_765, %add3A_238 : vector<16xi32>
        %gather3A_767 = tpu.vector_load_idx %arg17[%add3A_766, %broadcast_in_dim3A_752] : memref<640x32xf32, #tpu.memory_space<vmem>>[vector<16xi32>, vector<16xi32>], vector<16xf32>,
        %mul3A_768 = arith.mulf %add3A_755, %gather3A_767 : vector<16xf32>
        %add3A_769 = arith.addf %add3A_738, %mul3A_768 : vector<16xf32>
        %broadcast_in_dim3A_770 = arith.constant 384 : i32
        %broadcast_in_dim3A_771 = vector.broadcast %broadcast_in_dim3A_770 : i32 to vector<16xi32>
        %add3A_772 = arith.addi %broadcast_in_dim3A_771, %add3A_238 : vector<16xi32>
        %gather3A_773 = tpu.vector_load_idx %arg17[%add3A_772, %broadcast_in_dim3A_752] : memref<640x32xf32, #tpu.memory_space<vmem>>[vector<16xi32>, vector<16xi32>], vector<16xf32>,
        %mul3A_774 = arith.mulf %add3A_755, %gather3A_773 : vector<16xf32>
        %add3A_775 = arith.addf %add3A_744, %mul3A_774 : vector<16xf32>
        %broadcast_in_dim3A_776 = arith.constant 512 : i32
        %broadcast_in_dim3A_777 = vector.broadcast %broadcast_in_dim3A_776 : i32 to vector<16xi32>
        %add3A_778 = arith.addi %broadcast_in_dim3A_777, %add3A_238 : vector<16xi32>
        %gather3A_779 = tpu.vector_load_idx %arg17[%add3A_778, %broadcast_in_dim3A_752] : memref<640x32xf32, #tpu.memory_space<vmem>>[vector<16xi32>, vector<16xi32>], vector<16xf32>,
        %mul3A_780 = arith.mulf %add3A_755, %gather3A_779 : vector<16xf32>
        %add3A_781 = arith.addf %add3A_750, %mul3A_780 : vector<16xf32>
        %broadcast_in_dim3A_782 = arith.constant 16 : i32
        %broadcast_in_dim3A_783 = vector.broadcast %broadcast_in_dim3A_782 : i32 to vector<16xi32>
        %gather3A_784 = tpu.vector_load_idx %arg16[%add3A_238, %broadcast_in_dim3A_783] : memref<128x32xf32, #tpu.memory_space<vmem>>[vector<16xi32>, vector<16xi32>], vector<16xf32>,
        %gather3A_785 = tpu.vector_load_idx %arg17[%add3A_238, %broadcast_in_dim3A_783] : memref<640x32xf32, #tpu.memory_space<vmem>>[vector<16xi32>, vector<16xi32>], vector<16xf32>,
        %add3A_786 = arith.addf %gather3A_784, %mul3A_270 : vector<16xf32>
        %mul3A_787 = arith.mulf %add3A_786, %gather3A_785 : vector<16xf32>
        %add3A_788 = arith.addf %add3A_757, %mul3A_787 : vector<16xf32>
        %broadcast_in_dim3A_789 = arith.constant 128 : i32
        %broadcast_in_dim3A_790 = vector.broadcast %broadcast_in_dim3A_789 : i32 to vector<16xi32>
        %add3A_791 = arith.addi %broadcast_in_dim3A_790, %add3A_238 : vector<16xi32>
        %gather3A_792 = tpu.vector_load_idx %arg17[%add3A_791, %broadcast_in_dim3A_783] : memref<640x32xf32, #tpu.memory_space<vmem>>[vector<16xi32>, vector<16xi32>], vector<16xf32>,
        %mul3A_793 = arith.mulf %add3A_786, %gather3A_792 : vector<16xf32>
        %add3A_794 = arith.addf %add3A_763, %mul3A_793 : vector<16xf32>
        %broadcast_in_dim3A_795 = arith.constant 256 : i32
        %broadcast_in_dim3A_796 = vector.broadcast %broadcast_in_dim3A_795 : i32 to vector<16xi32>
        %add3A_797 = arith.addi %broadcast_in_dim3A_796, %add3A_238 : vector<16xi32>
        %gather3A_798 = tpu.vector_load_idx %arg17[%add3A_797, %broadcast_in_dim3A_783] : memref<640x32xf32, #tpu.memory_space<vmem>>[vector<16xi32>, vector<16xi32>], vector<16xf32>,
        %mul3A_799 = arith.mulf %add3A_786, %gather3A_798 : vector<16xf32>
        %add3A_800 = arith.addf %add3A_769, %mul3A_799 : vector<16xf32>
        %broadcast_in_dim3A_801 = arith.constant 384 : i32
        %broadcast_in_dim3A_802 = vector.broadcast %broadcast_in_dim3A_801 : i32 to vector<16xi32>
        %add3A_803 = arith.addi %broadcast_in_dim3A_802, %add3A_238 : vector<16xi32>
        %gather3A_804 = tpu.vector_load_idx %arg17[%add3A_803, %broadcast_in_dim3A_783] : memref<640x32xf32, #tpu.memory_space<vmem>>[vector<16xi32>, vector<16xi32>], vector<16xf32>,
        %mul3A_805 = arith.mulf %add3A_786, %gather3A_804 : vector<16xf32>
        %add3A_806 = arith.addf %add3A_775, %mul3A_805 : vector<16xf32>
        %broadcast_in_dim3A_807 = arith.constant 512 : i32
        %broadcast_in_dim3A_808 = vector.broadcast %broadcast_in_dim3A_807 : i32 to vector<16xi32>
        %add3A_809 = arith.addi %broadcast_in_dim3A_808, %add3A_238 : vector<16xi32>
        %gather3A_810 = tpu.vector_load_idx %arg17[%add3A_809, %broadcast_in_dim3A_783] : memref<640x32xf32, #tpu.memory_space<vmem>>[vector<16xi32>, vector<16xi32>], vector<16xf32>,
        %mul3A_811 = arith.mulf %add3A_786, %gather3A_810 : vector<16xf32>
        %add3A_812 = arith.addf %add3A_781, %mul3A_811 : vector<16xf32>
        %broadcast_in_dim3A_813 = arith.constant 17 : i32
        %broadcast_in_dim3A_814 = vector.broadcast %broadcast_in_dim3A_813 : i32 to vector<16xi32>
        %gather3A_815 = tpu.vector_load_idx %arg16[%add3A_238, %broadcast_in_dim3A_814] : memref<128x32xf32, #tpu.memory_space<vmem>>[vector<16xi32>, vector<16xi32>], vector<16xf32>,
        %gather3A_816 = tpu.vector_load_idx %arg17[%add3A_238, %broadcast_in_dim3A_814] : memref<640x32xf32, #tpu.memory_space<vmem>>[vector<16xi32>, vector<16xi32>], vector<16xf32>,
        %add3A_817 = arith.addf %gather3A_815, %mul3A_271 : vector<16xf32>
        %mul3A_818 = arith.mulf %add3A_817, %gather3A_816 : vector<16xf32>
        %add3A_819 = arith.addf %add3A_788, %mul3A_818 : vector<16xf32>
        %broadcast_in_dim3A_820 = arith.constant 128 : i32
        %broadcast_in_dim3A_821 = vector.broadcast %broadcast_in_dim3A_820 : i32 to vector<16xi32>
        %add3A_822 = arith.addi %broadcast_in_dim3A_821, %add3A_238 : vector<16xi32>
        %gather3A_823 = tpu.vector_load_idx %arg17[%add3A_822, %broadcast_in_dim3A_814] : memref<640x32xf32, #tpu.memory_space<vmem>>[vector<16xi32>, vector<16xi32>], vector<16xf32>,
        %mul3A_824 = arith.mulf %add3A_817, %gather3A_823 : vector<16xf32>
        %add3A_825 = arith.addf %add3A_794, %mul3A_824 : vector<16xf32>
        %broadcast_in_dim3A_826 = arith.constant 256 : i32
        %broadcast_in_dim3A_827 = vector.broadcast %broadcast_in_dim3A_826 : i32 to vector<16xi32>
        %add3A_828 = arith.addi %broadcast_in_dim3A_827, %add3A_238 : vector<16xi32>
        %gather3A_829 = tpu.vector_load_idx %arg17[%add3A_828, %broadcast_in_dim3A_814] : memref<640x32xf32, #tpu.memory_space<vmem>>[vector<16xi32>, vector<16xi32>], vector<16xf32>,
        %mul3A_830 = arith.mulf %add3A_817, %gather3A_829 : vector<16xf32>
        %add3A_831 = arith.addf %add3A_800, %mul3A_830 : vector<16xf32>
        %broadcast_in_dim3A_832 = arith.constant 384 : i32
        %broadcast_in_dim3A_833 = vector.broadcast %broadcast_in_dim3A_832 : i32 to vector<16xi32>
        %add3A_834 = arith.addi %broadcast_in_dim3A_833, %add3A_238 : vector<16xi32>
        %gather3A_835 = tpu.vector_load_idx %arg17[%add3A_834, %broadcast_in_dim3A_814] : memref<640x32xf32, #tpu.memory_space<vmem>>[vector<16xi32>, vector<16xi32>], vector<16xf32>,
        %mul3A_836 = arith.mulf %add3A_817, %gather3A_835 : vector<16xf32>
        %add3A_837 = arith.addf %add3A_806, %mul3A_836 : vector<16xf32>
        %broadcast_in_dim3A_838 = arith.constant 512 : i32
        %broadcast_in_dim3A_839 = vector.broadcast %broadcast_in_dim3A_838 : i32 to vector<16xi32>
        %add3A_840 = arith.addi %broadcast_in_dim3A_839, %add3A_238 : vector<16xi32>
        %gather3A_841 = tpu.vector_load_idx %arg17[%add3A_840, %broadcast_in_dim3A_814] : memref<640x32xf32, #tpu.memory_space<vmem>>[vector<16xi32>, vector<16xi32>], vector<16xf32>,
        %mul3A_842 = arith.mulf %add3A_817, %gather3A_841 : vector<16xf32>
        %add3A_843 = arith.addf %add3A_812, %mul3A_842 : vector<16xf32>
        %broadcast_in_dim3A_844 = arith.constant 18 : i32
        %broadcast_in_dim3A_845 = vector.broadcast %broadcast_in_dim3A_844 : i32 to vector<16xi32>
        %gather3A_846 = tpu.vector_load_idx %arg16[%add3A_238, %broadcast_in_dim3A_845] : memref<128x32xf32, #tpu.memory_space<vmem>>[vector<16xi32>, vector<16xi32>], vector<16xf32>,
        %gather3A_847 = tpu.vector_load_idx %arg17[%add3A_238, %broadcast_in_dim3A_845] : memref<640x32xf32, #tpu.memory_space<vmem>>[vector<16xi32>, vector<16xi32>], vector<16xf32>,
        %add3A_848 = arith.addf %gather3A_846, %mul3A_272 : vector<16xf32>
        %mul3A_849 = arith.mulf %add3A_848, %gather3A_847 : vector<16xf32>
        %add3A_850 = arith.addf %add3A_819, %mul3A_849 : vector<16xf32>
        %broadcast_in_dim3A_851 = arith.constant 128 : i32
        %broadcast_in_dim3A_852 = vector.broadcast %broadcast_in_dim3A_851 : i32 to vector<16xi32>
        %add3A_853 = arith.addi %broadcast_in_dim3A_852, %add3A_238 : vector<16xi32>
        %gather3A_854 = tpu.vector_load_idx %arg17[%add3A_853, %broadcast_in_dim3A_845] : memref<640x32xf32, #tpu.memory_space<vmem>>[vector<16xi32>, vector<16xi32>], vector<16xf32>,
        %mul3A_855 = arith.mulf %add3A_848, %gather3A_854 : vector<16xf32>
        %add3A_856 = arith.addf %add3A_825, %mul3A_855 : vector<16xf32>
        %broadcast_in_dim3A_857 = arith.constant 256 : i32
        %broadcast_in_dim3A_858 = vector.broadcast %broadcast_in_dim3A_857 : i32 to vector<16xi32>
        %add3A_859 = arith.addi %broadcast_in_dim3A_858, %add3A_238 : vector<16xi32>
        %gather3A_860 = tpu.vector_load_idx %arg17[%add3A_859, %broadcast_in_dim3A_845] : memref<640x32xf32, #tpu.memory_space<vmem>>[vector<16xi32>, vector<16xi32>], vector<16xf32>,
        %mul3A_861 = arith.mulf %add3A_848, %gather3A_860 : vector<16xf32>
        %add3A_862 = arith.addf %add3A_831, %mul3A_861 : vector<16xf32>
        %broadcast_in_dim3A_863 = arith.constant 384 : i32
        %broadcast_in_dim3A_864 = vector.broadcast %broadcast_in_dim3A_863 : i32 to vector<16xi32>
        %add3A_865 = arith.addi %broadcast_in_dim3A_864, %add3A_238 : vector<16xi32>
        %gather3A_866 = tpu.vector_load_idx %arg17[%add3A_865, %broadcast_in_dim3A_845] : memref<640x32xf32, #tpu.memory_space<vmem>>[vector<16xi32>, vector<16xi32>], vector<16xf32>,
        %mul3A_867 = arith.mulf %add3A_848, %gather3A_866 : vector<16xf32>
        %add3A_868 = arith.addf %add3A_837, %mul3A_867 : vector<16xf32>
        %broadcast_in_dim3A_869 = arith.constant 512 : i32
        %broadcast_in_dim3A_870 = vector.broadcast %broadcast_in_dim3A_869 : i32 to vector<16xi32>
        %add3A_871 = arith.addi %broadcast_in_dim3A_870, %add3A_238 : vector<16xi32>
        %gather3A_872 = tpu.vector_load_idx %arg17[%add3A_871, %broadcast_in_dim3A_845] : memref<640x32xf32, #tpu.memory_space<vmem>>[vector<16xi32>, vector<16xi32>], vector<16xf32>,
        %mul3A_873 = arith.mulf %add3A_848, %gather3A_872 : vector<16xf32>
        %add3A_874 = arith.addf %add3A_843, %mul3A_873 : vector<16xf32>
        %broadcast_in_dim3A_875 = arith.constant 19 : i32
        %broadcast_in_dim3A_876 = vector.broadcast %broadcast_in_dim3A_875 : i32 to vector<16xi32>
        %gather3A_877 = tpu.vector_load_idx %arg16[%add3A_238, %broadcast_in_dim3A_876] : memref<128x32xf32, #tpu.memory_space<vmem>>[vector<16xi32>, vector<16xi32>], vector<16xf32>,
        %gather3A_878 = tpu.vector_load_idx %arg17[%add3A_238, %broadcast_in_dim3A_876] : memref<640x32xf32, #tpu.memory_space<vmem>>[vector<16xi32>, vector<16xi32>], vector<16xf32>,
        %add3A_879 = arith.addf %gather3A_877, %mul3A_273 : vector<16xf32>
        %mul3A_880 = arith.mulf %add3A_879, %gather3A_878 : vector<16xf32>
        %add3A_881 = arith.addf %add3A_850, %mul3A_880 : vector<16xf32>
        %broadcast_in_dim3A_882 = arith.constant 128 : i32
        %broadcast_in_dim3A_883 = vector.broadcast %broadcast_in_dim3A_882 : i32 to vector<16xi32>
        %add3A_884 = arith.addi %broadcast_in_dim3A_883, %add3A_238 : vector<16xi32>
        %gather3A_885 = tpu.vector_load_idx %arg17[%add3A_884, %broadcast_in_dim3A_876] : memref<640x32xf32, #tpu.memory_space<vmem>>[vector<16xi32>, vector<16xi32>], vector<16xf32>,
        %mul3A_886 = arith.mulf %add3A_879, %gather3A_885 : vector<16xf32>
        %add3A_887 = arith.addf %add3A_856, %mul3A_886 : vector<16xf32>
        %broadcast_in_dim3A_888 = arith.constant 256 : i32
        %broadcast_in_dim3A_889 = vector.broadcast %broadcast_in_dim3A_888 : i32 to vector<16xi32>
        %add3A_890 = arith.addi %broadcast_in_dim3A_889, %add3A_238 : vector<16xi32>
        %gather3A_891 = tpu.vector_load_idx %arg17[%add3A_890, %broadcast_in_dim3A_876] : memref<640x32xf32, #tpu.memory_space<vmem>>[vector<16xi32>, vector<16xi32>], vector<16xf32>,
        %mul3A_892 = arith.mulf %add3A_879, %gather3A_891 : vector<16xf32>
        %add3A_893 = arith.addf %add3A_862, %mul3A_892 : vector<16xf32>
        %broadcast_in_dim3A_894 = arith.constant 384 : i32
        %broadcast_in_dim3A_895 = vector.broadcast %broadcast_in_dim3A_894 : i32 to vector<16xi32>
        %add3A_896 = arith.addi %broadcast_in_dim3A_895, %add3A_238 : vector<16xi32>
        %gather3A_897 = tpu.vector_load_idx %arg17[%add3A_896, %broadcast_in_dim3A_876] : memref<640x32xf32, #tpu.memory_space<vmem>>[vector<16xi32>, vector<16xi32>], vector<16xf32>,
        %mul3A_898 = arith.mulf %add3A_879, %gather3A_897 : vector<16xf32>
        %add3A_899 = arith.addf %add3A_868, %mul3A_898 : vector<16xf32>
        %broadcast_in_dim3A_900 = arith.constant 512 : i32
        %broadcast_in_dim3A_901 = vector.broadcast %broadcast_in_dim3A_900 : i32 to vector<16xi32>
        %add3A_902 = arith.addi %broadcast_in_dim3A_901, %add3A_238 : vector<16xi32>
        %gather3A_903 = tpu.vector_load_idx %arg17[%add3A_902, %broadcast_in_dim3A_876] : memref<640x32xf32, #tpu.memory_space<vmem>>[vector<16xi32>, vector<16xi32>], vector<16xf32>,
        %mul3A_904 = arith.mulf %add3A_879, %gather3A_903 : vector<16xf32>
        %add3A_905 = arith.addf %add3A_874, %mul3A_904 : vector<16xf32>
        %broadcast_in_dim3A_906 = arith.constant 20 : i32
        %broadcast_in_dim3A_907 = vector.broadcast %broadcast_in_dim3A_906 : i32 to vector<16xi32>
        %gather3A_908 = tpu.vector_load_idx %arg16[%add3A_238, %broadcast_in_dim3A_907] : memref<128x32xf32, #tpu.memory_space<vmem>>[vector<16xi32>, vector<16xi32>], vector<16xf32>,
        %gather3A_909 = tpu.vector_load_idx %arg17[%add3A_238, %broadcast_in_dim3A_907] : memref<640x32xf32, #tpu.memory_space<vmem>>[vector<16xi32>, vector<16xi32>], vector<16xf32>,
        %add3A_910 = arith.addf %gather3A_908, %mul3A_274 : vector<16xf32>
        %mul3A_911 = arith.mulf %add3A_910, %gather3A_909 : vector<16xf32>
        %add3A_912 = arith.addf %add3A_881, %mul3A_911 : vector<16xf32>
        %broadcast_in_dim3A_913 = arith.constant 128 : i32
        %broadcast_in_dim3A_914 = vector.broadcast %broadcast_in_dim3A_913 : i32 to vector<16xi32>
        %add3A_915 = arith.addi %broadcast_in_dim3A_914, %add3A_238 : vector<16xi32>
        %gather3A_916 = tpu.vector_load_idx %arg17[%add3A_915, %broadcast_in_dim3A_907] : memref<640x32xf32, #tpu.memory_space<vmem>>[vector<16xi32>, vector<16xi32>], vector<16xf32>,
        %mul3A_917 = arith.mulf %add3A_910, %gather3A_916 : vector<16xf32>
        %add3A_918 = arith.addf %add3A_887, %mul3A_917 : vector<16xf32>
        %broadcast_in_dim3A_919 = arith.constant 256 : i32
        %broadcast_in_dim3A_920 = vector.broadcast %broadcast_in_dim3A_919 : i32 to vector<16xi32>
        %add3A_921 = arith.addi %broadcast_in_dim3A_920, %add3A_238 : vector<16xi32>
        %gather3A_922 = tpu.vector_load_idx %arg17[%add3A_921, %broadcast_in_dim3A_907] : memref<640x32xf32, #tpu.memory_space<vmem>>[vector<16xi32>, vector<16xi32>], vector<16xf32>,
        %mul3A_923 = arith.mulf %add3A_910, %gather3A_922 : vector<16xf32>
        %add3A_924 = arith.addf %add3A_893, %mul3A_923 : vector<16xf32>
        %broadcast_in_dim3A_925 = arith.constant 384 : i32
        %broadcast_in_dim3A_926 = vector.broadcast %broadcast_in_dim3A_925 : i32 to vector<16xi32>
        %add3A_927 = arith.addi %broadcast_in_dim3A_926, %add3A_238 : vector<16xi32>
        %gather3A_928 = tpu.vector_load_idx %arg17[%add3A_927, %broadcast_in_dim3A_907] : memref<640x32xf32, #tpu.memory_space<vmem>>[vector<16xi32>, vector<16xi32>], vector<16xf32>,
        %mul3A_929 = arith.mulf %add3A_910, %gather3A_928 : vector<16xf32>
        %add3A_930 = arith.addf %add3A_899, %mul3A_929 : vector<16xf32>
        %broadcast_in_dim3A_931 = arith.constant 512 : i32
        %broadcast_in_dim3A_932 = vector.broadcast %broadcast_in_dim3A_931 : i32 to vector<16xi32>
        %add3A_933 = arith.addi %broadcast_in_dim3A_932, %add3A_238 : vector<16xi32>
        %gather3A_934 = tpu.vector_load_idx %arg17[%add3A_933, %broadcast_in_dim3A_907] : memref<640x32xf32, #tpu.memory_space<vmem>>[vector<16xi32>, vector<16xi32>], vector<16xf32>,
        %mul3A_935 = arith.mulf %add3A_910, %gather3A_934 : vector<16xf32>
        %add3A_936 = arith.addf %add3A_905, %mul3A_935 : vector<16xf32>
        %broadcast_in_dim3A_937 = arith.constant 21 : i32
        %broadcast_in_dim3A_938 = vector.broadcast %broadcast_in_dim3A_937 : i32 to vector<16xi32>
        %gather3A_939 = tpu.vector_load_idx %arg16[%add3A_238, %broadcast_in_dim3A_938] : memref<128x32xf32, #tpu.memory_space<vmem>>[vector<16xi32>, vector<16xi32>], vector<16xf32>,
        %gather3A_940 = tpu.vector_load_idx %arg17[%add3A_238, %broadcast_in_dim3A_938] : memref<640x32xf32, #tpu.memory_space<vmem>>[vector<16xi32>, vector<16xi32>], vector<16xf32>,
        %add3A_941 = arith.addf %gather3A_939, %mul3A_275 : vector<16xf32>
        %mul3A_942 = arith.mulf %add3A_941, %gather3A_940 : vector<16xf32>
        %add3A_943 = arith.addf %add3A_912, %mul3A_942 : vector<16xf32>
        %broadcast_in_dim3A_944 = arith.constant 128 : i32
        %broadcast_in_dim3A_945 = vector.broadcast %broadcast_in_dim3A_944 : i32 to vector<16xi32>
        %add3A_946 = arith.addi %broadcast_in_dim3A_945, %add3A_238 : vector<16xi32>
        %gather3A_947 = tpu.vector_load_idx %arg17[%add3A_946, %broadcast_in_dim3A_938] : memref<640x32xf32, #tpu.memory_space<vmem>>[vector<16xi32>, vector<16xi32>], vector<16xf32>,
        %mul3A_948 = arith.mulf %add3A_941, %gather3A_947 : vector<16xf32>
        %add3A_949 = arith.addf %add3A_918, %mul3A_948 : vector<16xf32>
        %broadcast_in_dim3A_950 = arith.constant 256 : i32
        %broadcast_in_dim3A_951 = vector.broadcast %broadcast_in_dim3A_950 : i32 to vector<16xi32>
        %add3A_952 = arith.addi %broadcast_in_dim3A_951, %add3A_238 : vector<16xi32>
        %gather3A_953 = tpu.vector_load_idx %arg17[%add3A_952, %broadcast_in_dim3A_938] : memref<640x32xf32, #tpu.memory_space<vmem>>[vector<16xi32>, vector<16xi32>], vector<16xf32>,
        %mul3A_954 = arith.mulf %add3A_941, %gather3A_953 : vector<16xf32>
        %add3A_955 = arith.addf %add3A_924, %mul3A_954 : vector<16xf32>
        %broadcast_in_dim3A_956 = arith.constant 384 : i32
        %broadcast_in_dim3A_957 = vector.broadcast %broadcast_in_dim3A_956 : i32 to vector<16xi32>
        %add3A_958 = arith.addi %broadcast_in_dim3A_957, %add3A_238 : vector<16xi32>
        %gather3A_959 = tpu.vector_load_idx %arg17[%add3A_958, %broadcast_in_dim3A_938] : memref<640x32xf32, #tpu.memory_space<vmem>>[vector<16xi32>, vector<16xi32>], vector<16xf32>,
        %mul3A_960 = arith.mulf %add3A_941, %gather3A_959 : vector<16xf32>
        %add3A_961 = arith.addf %add3A_930, %mul3A_960 : vector<16xf32>
        %broadcast_in_dim3A_962 = arith.constant 512 : i32
        %broadcast_in_dim3A_963 = vector.broadcast %broadcast_in_dim3A_962 : i32 to vector<16xi32>
        %add3A_964 = arith.addi %broadcast_in_dim3A_963, %add3A_238 : vector<16xi32>
        %gather3A_965 = tpu.vector_load_idx %arg17[%add3A_964, %broadcast_in_dim3A_938] : memref<640x32xf32, #tpu.memory_space<vmem>>[vector<16xi32>, vector<16xi32>], vector<16xf32>,
        %mul3A_966 = arith.mulf %add3A_941, %gather3A_965 : vector<16xf32>
        %add3A_967 = arith.addf %add3A_936, %mul3A_966 : vector<16xf32>
        %broadcast_in_dim3A_968 = arith.constant 22 : i32
        %broadcast_in_dim3A_969 = vector.broadcast %broadcast_in_dim3A_968 : i32 to vector<16xi32>
        %gather3A_970 = tpu.vector_load_idx %arg16[%add3A_238, %broadcast_in_dim3A_969] : memref<128x32xf32, #tpu.memory_space<vmem>>[vector<16xi32>, vector<16xi32>], vector<16xf32>,
        %gather3A_971 = tpu.vector_load_idx %arg17[%add3A_238, %broadcast_in_dim3A_969] : memref<640x32xf32, #tpu.memory_space<vmem>>[vector<16xi32>, vector<16xi32>], vector<16xf32>,
        %add3A_972 = arith.addf %gather3A_970, %mul3A_276 : vector<16xf32>
        %mul3A_973 = arith.mulf %add3A_972, %gather3A_971 : vector<16xf32>
        %add3A_974 = arith.addf %add3A_943, %mul3A_973 : vector<16xf32>
        %broadcast_in_dim3A_975 = arith.constant 128 : i32
        %broadcast_in_dim3A_976 = vector.broadcast %broadcast_in_dim3A_975 : i32 to vector<16xi32>
        %add3A_977 = arith.addi %broadcast_in_dim3A_976, %add3A_238 : vector<16xi32>
        %gather3A_978 = tpu.vector_load_idx %arg17[%add3A_977, %broadcast_in_dim3A_969] : memref<640x32xf32, #tpu.memory_space<vmem>>[vector<16xi32>, vector<16xi32>], vector<16xf32>,
        %mul3A_979 = arith.mulf %add3A_972, %gather3A_978 : vector<16xf32>
        %add3A_980 = arith.addf %add3A_949, %mul3A_979 : vector<16xf32>
        %broadcast_in_dim3A_981 = arith.constant 256 : i32
        %broadcast_in_dim3A_982 = vector.broadcast %broadcast_in_dim3A_981 : i32 to vector<16xi32>
        %add3A_983 = arith.addi %broadcast_in_dim3A_982, %add3A_238 : vector<16xi32>
        %gather3A_984 = tpu.vector_load_idx %arg17[%add3A_983, %broadcast_in_dim3A_969] : memref<640x32xf32, #tpu.memory_space<vmem>>[vector<16xi32>, vector<16xi32>], vector<16xf32>,
        %mul3A_985 = arith.mulf %add3A_972, %gather3A_984 : vector<16xf32>
        %add3A_986 = arith.addf %add3A_955, %mul3A_985 : vector<16xf32>
        %broadcast_in_dim3A_987 = arith.constant 384 : i32
        %broadcast_in_dim3A_988 = vector.broadcast %broadcast_in_dim3A_987 : i32 to vector<16xi32>
        %add3A_989 = arith.addi %broadcast_in_dim3A_988, %add3A_238 : vector<16xi32>
        %gather3A_990 = tpu.vector_load_idx %arg17[%add3A_989, %broadcast_in_dim3A_969] : memref<640x32xf32, #tpu.memory_space<vmem>>[vector<16xi32>, vector<16xi32>], vector<16xf32>,
        %mul3A_991 = arith.mulf %add3A_972, %gather3A_990 : vector<16xf32>
        %add3A_992 = arith.addf %add3A_961, %mul3A_991 : vector<16xf32>
        %broadcast_in_dim3A_993 = arith.constant 512 : i32
        %broadcast_in_dim3A_994 = vector.broadcast %broadcast_in_dim3A_993 : i32 to vector<16xi32>
        %add3A_995 = arith.addi %broadcast_in_dim3A_994, %add3A_238 : vector<16xi32>
        %gather3A_996 = tpu.vector_load_idx %arg17[%add3A_995, %broadcast_in_dim3A_969] : memref<640x32xf32, #tpu.memory_space<vmem>>[vector<16xi32>, vector<16xi32>], vector<16xf32>,
        %mul3A_997 = arith.mulf %add3A_972, %gather3A_996 : vector<16xf32>
        %add3A_998 = arith.addf %add3A_967, %mul3A_997 : vector<16xf32>
        %broadcast_in_dim3A_999 = arith.constant 23 : i32
        %broadcast_in_dim3A_1000 = vector.broadcast %broadcast_in_dim3A_999 : i32 to vector<16xi32>
        %gather3A_1001 = tpu.vector_load_idx %arg16[%add3A_238, %broadcast_in_dim3A_1000] : memref<128x32xf32, #tpu.memory_space<vmem>>[vector<16xi32>, vector<16xi32>], vector<16xf32>,
        %gather3A_1002 = tpu.vector_load_idx %arg17[%add3A_238, %broadcast_in_dim3A_1000] : memref<640x32xf32, #tpu.memory_space<vmem>>[vector<16xi32>, vector<16xi32>], vector<16xf32>,
        %add3A_1003 = arith.addf %gather3A_1001, %mul3A_277 : vector<16xf32>
        %mul3A_1004 = arith.mulf %add3A_1003, %gather3A_1002 : vector<16xf32>
        %add3A_1005 = arith.addf %add3A_974, %mul3A_1004 : vector<16xf32>
        %broadcast_in_dim3A_1006 = arith.constant 128 : i32
        %broadcast_in_dim3A_1007 = vector.broadcast %broadcast_in_dim3A_1006 : i32 to vector<16xi32>
        %add3A_1008 = arith.addi %broadcast_in_dim3A_1007, %add3A_238 : vector<16xi32>
        %gather3A_1009 = tpu.vector_load_idx %arg17[%add3A_1008, %broadcast_in_dim3A_1000] : memref<640x32xf32, #tpu.memory_space<vmem>>[vector<16xi32>, vector<16xi32>], vector<16xf32>,
        %mul3A_1010 = arith.mulf %add3A_1003, %gather3A_1009 : vector<16xf32>
        %add3A_1011 = arith.addf %add3A_980, %mul3A_1010 : vector<16xf32>
        %broadcast_in_dim3A_1012 = arith.constant 256 : i32
        %broadcast_in_dim3A_1013 = vector.broadcast %broadcast_in_dim3A_1012 : i32 to vector<16xi32>
        %add3A_1014 = arith.addi %broadcast_in_dim3A_1013, %add3A_238 : vector<16xi32>
        %gather3A_1015 = tpu.vector_load_idx %arg17[%add3A_1014, %broadcast_in_dim3A_1000] : memref<640x32xf32, #tpu.memory_space<vmem>>[vector<16xi32>, vector<16xi32>], vector<16xf32>,
        %mul3A_1016 = arith.mulf %add3A_1003, %gather3A_1015 : vector<16xf32>
        %add3A_1017 = arith.addf %add3A_986, %mul3A_1016 : vector<16xf32>
        %broadcast_in_dim3A_1018 = arith.constant 384 : i32
        %broadcast_in_dim3A_1019 = vector.broadcast %broadcast_in_dim3A_1018 : i32 to vector<16xi32>
        %add3A_1020 = arith.addi %broadcast_in_dim3A_1019, %add3A_238 : vector<16xi32>
        %gather3A_1021 = tpu.vector_load_idx %arg17[%add3A_1020, %broadcast_in_dim3A_1000] : memref<640x32xf32, #tpu.memory_space<vmem>>[vector<16xi32>, vector<16xi32>], vector<16xf32>,
        %mul3A_1022 = arith.mulf %add3A_1003, %gather3A_1021 : vector<16xf32>
        %add3A_1023 = arith.addf %add3A_992, %mul3A_1022 : vector<16xf32>
        %broadcast_in_dim3A_1024 = arith.constant 512 : i32
        %broadcast_in_dim3A_1025 = vector.broadcast %broadcast_in_dim3A_1024 : i32 to vector<16xi32>
        %add3A_1026 = arith.addi %broadcast_in_dim3A_1025, %add3A_238 : vector<16xi32>
        %gather3A_1027 = tpu.vector_load_idx %arg17[%add3A_1026, %broadcast_in_dim3A_1000] : memref<640x32xf32, #tpu.memory_space<vmem>>[vector<16xi32>, vector<16xi32>], vector<16xf32>,
        %mul3A_1028 = arith.mulf %add3A_1003, %gather3A_1027 : vector<16xf32>
        %add3A_1029 = arith.addf %add3A_998, %mul3A_1028 : vector<16xf32>
        %broadcast_in_dim3A_1030 = arith.constant 24 : i32
        %broadcast_in_dim3A_1031 = vector.broadcast %broadcast_in_dim3A_1030 : i32 to vector<16xi32>
        %gather3A_1032 = tpu.vector_load_idx %arg16[%add3A_238, %broadcast_in_dim3A_1031] : memref<128x32xf32, #tpu.memory_space<vmem>>[vector<16xi32>, vector<16xi32>], vector<16xf32>,
        %gather3A_1033 = tpu.vector_load_idx %arg17[%add3A_238, %broadcast_in_dim3A_1031] : memref<640x32xf32, #tpu.memory_space<vmem>>[vector<16xi32>, vector<16xi32>], vector<16xf32>,
        %add3A_1034 = arith.addf %gather3A_1032, %mul3A_278 : vector<16xf32>
        %mul3A_1035 = arith.mulf %add3A_1034, %gather3A_1033 : vector<16xf32>
        %add3A_1036 = arith.addf %add3A_1005, %mul3A_1035 : vector<16xf32>
        %broadcast_in_dim3A_1037 = arith.constant 128 : i32
        %broadcast_in_dim3A_1038 = vector.broadcast %broadcast_in_dim3A_1037 : i32 to vector<16xi32>
        %add3A_1039 = arith.addi %broadcast_in_dim3A_1038, %add3A_238 : vector<16xi32>
        %gather3A_1040 = tpu.vector_load_idx %arg17[%add3A_1039, %broadcast_in_dim3A_1031] : memref<640x32xf32, #tpu.memory_space<vmem>>[vector<16xi32>, vector<16xi32>], vector<16xf32>,
        %mul3A_1041 = arith.mulf %add3A_1034, %gather3A_1040 : vector<16xf32>
        %add3A_1042 = arith.addf %add3A_1011, %mul3A_1041 : vector<16xf32>
        %broadcast_in_dim3A_1043 = arith.constant 256 : i32
        %broadcast_in_dim3A_1044 = vector.broadcast %broadcast_in_dim3A_1043 : i32 to vector<16xi32>
        %add3A_1045 = arith.addi %broadcast_in_dim3A_1044, %add3A_238 : vector<16xi32>
        %gather3A_1046 = tpu.vector_load_idx %arg17[%add3A_1045, %broadcast_in_dim3A_1031] : memref<640x32xf32, #tpu.memory_space<vmem>>[vector<16xi32>, vector<16xi32>], vector<16xf32>,
        %mul3A_1047 = arith.mulf %add3A_1034, %gather3A_1046 : vector<16xf32>
        %add3A_1048 = arith.addf %add3A_1017, %mul3A_1047 : vector<16xf32>
        %broadcast_in_dim3A_1049 = arith.constant 384 : i32
        %broadcast_in_dim3A_1050 = vector.broadcast %broadcast_in_dim3A_1049 : i32 to vector<16xi32>
        %add3A_1051 = arith.addi %broadcast_in_dim3A_1050, %add3A_238 : vector<16xi32>
        %gather3A_1052 = tpu.vector_load_idx %arg17[%add3A_1051, %broadcast_in_dim3A_1031] : memref<640x32xf32, #tpu.memory_space<vmem>>[vector<16xi32>, vector<16xi32>], vector<16xf32>,
        %mul3A_1053 = arith.mulf %add3A_1034, %gather3A_1052 : vector<16xf32>
        %add3A_1054 = arith.addf %add3A_1023, %mul3A_1053 : vector<16xf32>
        %broadcast_in_dim3A_1055 = arith.constant 512 : i32
        %broadcast_in_dim3A_1056 = vector.broadcast %broadcast_in_dim3A_1055 : i32 to vector<16xi32>
        %add3A_1057 = arith.addi %broadcast_in_dim3A_1056, %add3A_238 : vector<16xi32>
        %gather3A_1058 = tpu.vector_load_idx %arg17[%add3A_1057, %broadcast_in_dim3A_1031] : memref<640x32xf32, #tpu.memory_space<vmem>>[vector<16xi32>, vector<16xi32>], vector<16xf32>,
        %mul3A_1059 = arith.mulf %add3A_1034, %gather3A_1058 : vector<16xf32>
        %add3A_1060 = arith.addf %add3A_1029, %mul3A_1059 : vector<16xf32>
        %broadcast_in_dim3A_1061 = arith.constant 25 : i32
        %broadcast_in_dim3A_1062 = vector.broadcast %broadcast_in_dim3A_1061 : i32 to vector<16xi32>
        %gather3A_1063 = tpu.vector_load_idx %arg16[%add3A_238, %broadcast_in_dim3A_1062] : memref<128x32xf32, #tpu.memory_space<vmem>>[vector<16xi32>, vector<16xi32>], vector<16xf32>,
        %gather3A_1064 = tpu.vector_load_idx %arg17[%add3A_238, %broadcast_in_dim3A_1062] : memref<640x32xf32, #tpu.memory_space<vmem>>[vector<16xi32>, vector<16xi32>], vector<16xf32>,
        %add3A_1065 = arith.addf %gather3A_1063, %mul3A_279 : vector<16xf32>
        %mul3A_1066 = arith.mulf %add3A_1065, %gather3A_1064 : vector<16xf32>
        %add3A_1067 = arith.addf %add3A_1036, %mul3A_1066 : vector<16xf32>
        %broadcast_in_dim3A_1068 = arith.constant 128 : i32
        %broadcast_in_dim3A_1069 = vector.broadcast %broadcast_in_dim3A_1068 : i32 to vector<16xi32>
        %add3A_1070 = arith.addi %broadcast_in_dim3A_1069, %add3A_238 : vector<16xi32>
        %gather3A_1071 = tpu.vector_load_idx %arg17[%add3A_1070, %broadcast_in_dim3A_1062] : memref<640x32xf32, #tpu.memory_space<vmem>>[vector<16xi32>, vector<16xi32>], vector<16xf32>,
        %mul3A_1072 = arith.mulf %add3A_1065, %gather3A_1071 : vector<16xf32>
        %add3A_1073 = arith.addf %add3A_1042, %mul3A_1072 : vector<16xf32>
        %broadcast_in_dim3A_1074 = arith.constant 256 : i32
        %broadcast_in_dim3A_1075 = vector.broadcast %broadcast_in_dim3A_1074 : i32 to vector<16xi32>
        %add3A_1076 = arith.addi %broadcast_in_dim3A_1075, %add3A_238 : vector<16xi32>
        %gather3A_1077 = tpu.vector_load_idx %arg17[%add3A_1076, %broadcast_in_dim3A_1062] : memref<640x32xf32, #tpu.memory_space<vmem>>[vector<16xi32>, vector<16xi32>], vector<16xf32>,
        %mul3A_1078 = arith.mulf %add3A_1065, %gather3A_1077 : vector<16xf32>
        %add3A_1079 = arith.addf %add3A_1048, %mul3A_1078 : vector<16xf32>
        %broadcast_in_dim3A_1080 = arith.constant 384 : i32
        %broadcast_in_dim3A_1081 = vector.broadcast %broadcast_in_dim3A_1080 : i32 to vector<16xi32>
        %add3A_1082 = arith.addi %broadcast_in_dim3A_1081, %add3A_238 : vector<16xi32>
        %gather3A_1083 = tpu.vector_load_idx %arg17[%add3A_1082, %broadcast_in_dim3A_1062] : memref<640x32xf32, #tpu.memory_space<vmem>>[vector<16xi32>, vector<16xi32>], vector<16xf32>,
        %mul3A_1084 = arith.mulf %add3A_1065, %gather3A_1083 : vector<16xf32>
        %add3A_1085 = arith.addf %add3A_1054, %mul3A_1084 : vector<16xf32>
        %broadcast_in_dim3A_1086 = arith.constant 512 : i32
        %broadcast_in_dim3A_1087 = vector.broadcast %broadcast_in_dim3A_1086 : i32 to vector<16xi32>
        %add3A_1088 = arith.addi %broadcast_in_dim3A_1087, %add3A_238 : vector<16xi32>
        %gather3A_1089 = tpu.vector_load_idx %arg17[%add3A_1088, %broadcast_in_dim3A_1062] : memref<640x32xf32, #tpu.memory_space<vmem>>[vector<16xi32>, vector<16xi32>], vector<16xf32>,
        %mul3A_1090 = arith.mulf %add3A_1065, %gather3A_1089 : vector<16xf32>
        %add3A_1091 = arith.addf %add3A_1060, %mul3A_1090 : vector<16xf32>
        %broadcast_in_dim3A_1092 = arith.constant 26 : i32
        %broadcast_in_dim3A_1093 = vector.broadcast %broadcast_in_dim3A_1092 : i32 to vector<16xi32>
        %gather3A_1094 = tpu.vector_load_idx %arg16[%add3A_238, %broadcast_in_dim3A_1093] : memref<128x32xf32, #tpu.memory_space<vmem>>[vector<16xi32>, vector<16xi32>], vector<16xf32>,
        %gather3A_1095 = tpu.vector_load_idx %arg17[%add3A_238, %broadcast_in_dim3A_1093] : memref<640x32xf32, #tpu.memory_space<vmem>>[vector<16xi32>, vector<16xi32>], vector<16xf32>,
        %add3A_1096 = arith.addf %gather3A_1094, %mul3A_280 : vector<16xf32>
        %mul3A_1097 = arith.mulf %add3A_1096, %gather3A_1095 : vector<16xf32>
        %add3A_1098 = arith.addf %add3A_1067, %mul3A_1097 : vector<16xf32>
        %broadcast_in_dim3A_1099 = arith.constant 128 : i32
        %broadcast_in_dim3A_1100 = vector.broadcast %broadcast_in_dim3A_1099 : i32 to vector<16xi32>
        %add3A_1101 = arith.addi %broadcast_in_dim3A_1100, %add3A_238 : vector<16xi32>
        %gather3A_1102 = tpu.vector_load_idx %arg17[%add3A_1101, %broadcast_in_dim3A_1093] : memref<640x32xf32, #tpu.memory_space<vmem>>[vector<16xi32>, vector<16xi32>], vector<16xf32>,
        %mul3A_1103 = arith.mulf %add3A_1096, %gather3A_1102 : vector<16xf32>
        %add3A_1104 = arith.addf %add3A_1073, %mul3A_1103 : vector<16xf32>
        %broadcast_in_dim3A_1105 = arith.constant 256 : i32
        %broadcast_in_dim3A_1106 = vector.broadcast %broadcast_in_dim3A_1105 : i32 to vector<16xi32>
        %add3A_1107 = arith.addi %broadcast_in_dim3A_1106, %add3A_238 : vector<16xi32>
        %gather3A_1108 = tpu.vector_load_idx %arg17[%add3A_1107, %broadcast_in_dim3A_1093] : memref<640x32xf32, #tpu.memory_space<vmem>>[vector<16xi32>, vector<16xi32>], vector<16xf32>,
        %mul3A_1109 = arith.mulf %add3A_1096, %gather3A_1108 : vector<16xf32>
        %add3A_1110 = arith.addf %add3A_1079, %mul3A_1109 : vector<16xf32>
        %broadcast_in_dim3A_1111 = arith.constant 384 : i32
        %broadcast_in_dim3A_1112 = vector.broadcast %broadcast_in_dim3A_1111 : i32 to vector<16xi32>
        %add3A_1113 = arith.addi %broadcast_in_dim3A_1112, %add3A_238 : vector<16xi32>
        %gather3A_1114 = tpu.vector_load_idx %arg17[%add3A_1113, %broadcast_in_dim3A_1093] : memref<640x32xf32, #tpu.memory_space<vmem>>[vector<16xi32>, vector<16xi32>], vector<16xf32>,
        %mul3A_1115 = arith.mulf %add3A_1096, %gather3A_1114 : vector<16xf32>
        %add3A_1116 = arith.addf %add3A_1085, %mul3A_1115 : vector<16xf32>
        %broadcast_in_dim3A_1117 = arith.constant 512 : i32
        %broadcast_in_dim3A_1118 = vector.broadcast %broadcast_in_dim3A_1117 : i32 to vector<16xi32>
        %add3A_1119 = arith.addi %broadcast_in_dim3A_1118, %add3A_238 : vector<16xi32>
        %gather3A_1120 = tpu.vector_load_idx %arg17[%add3A_1119, %broadcast_in_dim3A_1093] : memref<640x32xf32, #tpu.memory_space<vmem>>[vector<16xi32>, vector<16xi32>], vector<16xf32>,
        %mul3A_1121 = arith.mulf %add3A_1096, %gather3A_1120 : vector<16xf32>
        %add3A_1122 = arith.addf %add3A_1091, %mul3A_1121 : vector<16xf32>
        %broadcast_in_dim3A_1123 = arith.constant 27 : i32
        %broadcast_in_dim3A_1124 = vector.broadcast %broadcast_in_dim3A_1123 : i32 to vector<16xi32>
        %gather3A_1125 = tpu.vector_load_idx %arg16[%add3A_238, %broadcast_in_dim3A_1124] : memref<128x32xf32, #tpu.memory_space<vmem>>[vector<16xi32>, vector<16xi32>], vector<16xf32>,
        %gather3A_1126 = tpu.vector_load_idx %arg17[%add3A_238, %broadcast_in_dim3A_1124] : memref<640x32xf32, #tpu.memory_space<vmem>>[vector<16xi32>, vector<16xi32>], vector<16xf32>,
        %add3A_1127 = arith.addf %gather3A_1125, %mul3A_281 : vector<16xf32>
        %mul3A_1128 = arith.mulf %add3A_1127, %gather3A_1126 : vector<16xf32>
        %add3A_1129 = arith.addf %add3A_1098, %mul3A_1128 : vector<16xf32>
        %broadcast_in_dim3A_1130 = arith.constant 128 : i32
        %broadcast_in_dim3A_1131 = vector.broadcast %broadcast_in_dim3A_1130 : i32 to vector<16xi32>
        %add3A_1132 = arith.addi %broadcast_in_dim3A_1131, %add3A_238 : vector<16xi32>
        %gather3A_1133 = tpu.vector_load_idx %arg17[%add3A_1132, %broadcast_in_dim3A_1124] : memref<640x32xf32, #tpu.memory_space<vmem>>[vector<16xi32>, vector<16xi32>], vector<16xf32>,
        %mul3A_1134 = arith.mulf %add3A_1127, %gather3A_1133 : vector<16xf32>
        %add3A_1135 = arith.addf %add3A_1104, %mul3A_1134 : vector<16xf32>
        %broadcast_in_dim3A_1136 = arith.constant 256 : i32
        %broadcast_in_dim3A_1137 = vector.broadcast %broadcast_in_dim3A_1136 : i32 to vector<16xi32>
        %add3A_1138 = arith.addi %broadcast_in_dim3A_1137, %add3A_238 : vector<16xi32>
        %gather3A_1139 = tpu.vector_load_idx %arg17[%add3A_1138, %broadcast_in_dim3A_1124] : memref<640x32xf32, #tpu.memory_space<vmem>>[vector<16xi32>, vector<16xi32>], vector<16xf32>,
        %mul3A_1140 = arith.mulf %add3A_1127, %gather3A_1139 : vector<16xf32>
        %add3A_1141 = arith.addf %add3A_1110, %mul3A_1140 : vector<16xf32>
        %broadcast_in_dim3A_1142 = arith.constant 384 : i32
        %broadcast_in_dim3A_1143 = vector.broadcast %broadcast_in_dim3A_1142 : i32 to vector<16xi32>
        %add3A_1144 = arith.addi %broadcast_in_dim3A_1143, %add3A_238 : vector<16xi32>
        %gather3A_1145 = tpu.vector_load_idx %arg17[%add3A_1144, %broadcast_in_dim3A_1124] : memref<640x32xf32, #tpu.memory_space<vmem>>[vector<16xi32>, vector<16xi32>], vector<16xf32>,
        %mul3A_1146 = arith.mulf %add3A_1127, %gather3A_1145 : vector<16xf32>
        %add3A_1147 = arith.addf %add3A_1116, %mul3A_1146 : vector<16xf32>
        %broadcast_in_dim3A_1148 = arith.constant 512 : i32
        %broadcast_in_dim3A_1149 = vector.broadcast %broadcast_in_dim3A_1148 : i32 to vector<16xi32>
        %add3A_1150 = arith.addi %broadcast_in_dim3A_1149, %add3A_238 : vector<16xi32>
        %gather3A_1151 = tpu.vector_load_idx %arg17[%add3A_1150, %broadcast_in_dim3A_1124] : memref<640x32xf32, #tpu.memory_space<vmem>>[vector<16xi32>, vector<16xi32>], vector<16xf32>,
        %mul3A_1152 = arith.mulf %add3A_1127, %gather3A_1151 : vector<16xf32>
        %add3A_1153 = arith.addf %add3A_1122, %mul3A_1152 : vector<16xf32>
        %broadcast_in_dim3A_1154 = arith.constant 28 : i32
        %broadcast_in_dim3A_1155 = vector.broadcast %broadcast_in_dim3A_1154 : i32 to vector<16xi32>
        %gather3A_1156 = tpu.vector_load_idx %arg16[%add3A_238, %broadcast_in_dim3A_1155] : memref<128x32xf32, #tpu.memory_space<vmem>>[vector<16xi32>, vector<16xi32>], vector<16xf32>,
        %gather3A_1157 = tpu.vector_load_idx %arg17[%add3A_238, %broadcast_in_dim3A_1155] : memref<640x32xf32, #tpu.memory_space<vmem>>[vector<16xi32>, vector<16xi32>], vector<16xf32>,
        %add3A_1158 = arith.addf %gather3A_1156, %mul3A_282 : vector<16xf32>
        %mul3A_1159 = arith.mulf %add3A_1158, %gather3A_1157 : vector<16xf32>
        %add3A_1160 = arith.addf %add3A_1129, %mul3A_1159 : vector<16xf32>
        %broadcast_in_dim3A_1161 = arith.constant 128 : i32
        %broadcast_in_dim3A_1162 = vector.broadcast %broadcast_in_dim3A_1161 : i32 to vector<16xi32>
        %add3A_1163 = arith.addi %broadcast_in_dim3A_1162, %add3A_238 : vector<16xi32>
        %gather3A_1164 = tpu.vector_load_idx %arg17[%add3A_1163, %broadcast_in_dim3A_1155] : memref<640x32xf32, #tpu.memory_space<vmem>>[vector<16xi32>, vector<16xi32>], vector<16xf32>,
        %mul3A_1165 = arith.mulf %add3A_1158, %gather3A_1164 : vector<16xf32>
        %add3A_1166 = arith.addf %add3A_1135, %mul3A_1165 : vector<16xf32>
        %broadcast_in_dim3A_1167 = arith.constant 256 : i32
        %broadcast_in_dim3A_1168 = vector.broadcast %broadcast_in_dim3A_1167 : i32 to vector<16xi32>
        %add3A_1169 = arith.addi %broadcast_in_dim3A_1168, %add3A_238 : vector<16xi32>
        %gather3A_1170 = tpu.vector_load_idx %arg17[%add3A_1169, %broadcast_in_dim3A_1155] : memref<640x32xf32, #tpu.memory_space<vmem>>[vector<16xi32>, vector<16xi32>], vector<16xf32>,
        %mul3A_1171 = arith.mulf %add3A_1158, %gather3A_1170 : vector<16xf32>
        %add3A_1172 = arith.addf %add3A_1141, %mul3A_1171 : vector<16xf32>
        %broadcast_in_dim3A_1173 = arith.constant 384 : i32
        %broadcast_in_dim3A_1174 = vector.broadcast %broadcast_in_dim3A_1173 : i32 to vector<16xi32>
        %add3A_1175 = arith.addi %broadcast_in_dim3A_1174, %add3A_238 : vector<16xi32>
        %gather3A_1176 = tpu.vector_load_idx %arg17[%add3A_1175, %broadcast_in_dim3A_1155] : memref<640x32xf32, #tpu.memory_space<vmem>>[vector<16xi32>, vector<16xi32>], vector<16xf32>,
        %mul3A_1177 = arith.mulf %add3A_1158, %gather3A_1176 : vector<16xf32>
        %add3A_1178 = arith.addf %add3A_1147, %mul3A_1177 : vector<16xf32>
        %broadcast_in_dim3A_1179 = arith.constant 512 : i32
        %broadcast_in_dim3A_1180 = vector.broadcast %broadcast_in_dim3A_1179 : i32 to vector<16xi32>
        %add3A_1181 = arith.addi %broadcast_in_dim3A_1180, %add3A_238 : vector<16xi32>
        %gather3A_1182 = tpu.vector_load_idx %arg17[%add3A_1181, %broadcast_in_dim3A_1155] : memref<640x32xf32, #tpu.memory_space<vmem>>[vector<16xi32>, vector<16xi32>], vector<16xf32>,
        %mul3A_1183 = arith.mulf %add3A_1158, %gather3A_1182 : vector<16xf32>
        %add3A_1184 = arith.addf %add3A_1153, %mul3A_1183 : vector<16xf32>
        %broadcast_in_dim3A_1185 = arith.constant 29 : i32
        %broadcast_in_dim3A_1186 = vector.broadcast %broadcast_in_dim3A_1185 : i32 to vector<16xi32>
        %gather3A_1187 = tpu.vector_load_idx %arg16[%add3A_238, %broadcast_in_dim3A_1186] : memref<128x32xf32, #tpu.memory_space<vmem>>[vector<16xi32>, vector<16xi32>], vector<16xf32>,
        %gather3A_1188 = tpu.vector_load_idx %arg17[%add3A_238, %broadcast_in_dim3A_1186] : memref<640x32xf32, #tpu.memory_space<vmem>>[vector<16xi32>, vector<16xi32>], vector<16xf32>,
        %add3A_1189 = arith.addf %gather3A_1187, %mul3A_283 : vector<16xf32>
        %mul3A_1190 = arith.mulf %add3A_1189, %gather3A_1188 : vector<16xf32>
        %add3A_1191 = arith.addf %add3A_1160, %mul3A_1190 : vector<16xf32>
        %broadcast_in_dim3A_1192 = arith.constant 128 : i32
        %broadcast_in_dim3A_1193 = vector.broadcast %broadcast_in_dim3A_1192 : i32 to vector<16xi32>
        %add3A_1194 = arith.addi %broadcast_in_dim3A_1193, %add3A_238 : vector<16xi32>
        %gather3A_1195 = tpu.vector_load_idx %arg17[%add3A_1194, %broadcast_in_dim3A_1186] : memref<640x32xf32, #tpu.memory_space<vmem>>[vector<16xi32>, vector<16xi32>], vector<16xf32>,
        %mul3A_1196 = arith.mulf %add3A_1189, %gather3A_1195 : vector<16xf32>
        %add3A_1197 = arith.addf %add3A_1166, %mul3A_1196 : vector<16xf32>
        %broadcast_in_dim3A_1198 = arith.constant 256 : i32
        %broadcast_in_dim3A_1199 = vector.broadcast %broadcast_in_dim3A_1198 : i32 to vector<16xi32>
        %add3A_1200 = arith.addi %broadcast_in_dim3A_1199, %add3A_238 : vector<16xi32>
        %gather3A_1201 = tpu.vector_load_idx %arg17[%add3A_1200, %broadcast_in_dim3A_1186] : memref<640x32xf32, #tpu.memory_space<vmem>>[vector<16xi32>, vector<16xi32>], vector<16xf32>,
        %mul3A_1202 = arith.mulf %add3A_1189, %gather3A_1201 : vector<16xf32>
        %add3A_1203 = arith.addf %add3A_1172, %mul3A_1202 : vector<16xf32>
        %broadcast_in_dim3A_1204 = arith.constant 384 : i32
        %broadcast_in_dim3A_1205 = vector.broadcast %broadcast_in_dim3A_1204 : i32 to vector<16xi32>
        %add3A_1206 = arith.addi %broadcast_in_dim3A_1205, %add3A_238 : vector<16xi32>
        %gather3A_1207 = tpu.vector_load_idx %arg17[%add3A_1206, %broadcast_in_dim3A_1186] : memref<640x32xf32, #tpu.memory_space<vmem>>[vector<16xi32>, vector<16xi32>], vector<16xf32>,
        %mul3A_1208 = arith.mulf %add3A_1189, %gather3A_1207 : vector<16xf32>
        %add3A_1209 = arith.addf %add3A_1178, %mul3A_1208 : vector<16xf32>
        %broadcast_in_dim3A_1210 = arith.constant 512 : i32
        %broadcast_in_dim3A_1211 = vector.broadcast %broadcast_in_dim3A_1210 : i32 to vector<16xi32>
        %add3A_1212 = arith.addi %broadcast_in_dim3A_1211, %add3A_238 : vector<16xi32>
        %gather3A_1213 = tpu.vector_load_idx %arg17[%add3A_1212, %broadcast_in_dim3A_1186] : memref<640x32xf32, #tpu.memory_space<vmem>>[vector<16xi32>, vector<16xi32>], vector<16xf32>,
        %mul3A_1214 = arith.mulf %add3A_1189, %gather3A_1213 : vector<16xf32>
        %add3A_1215 = arith.addf %add3A_1184, %mul3A_1214 : vector<16xf32>
        %broadcast_in_dim3A_1216 = arith.constant 30 : i32
        %broadcast_in_dim3A_1217 = vector.broadcast %broadcast_in_dim3A_1216 : i32 to vector<16xi32>
        %gather3A_1218 = tpu.vector_load_idx %arg16[%add3A_238, %broadcast_in_dim3A_1217] : memref<128x32xf32, #tpu.memory_space<vmem>>[vector<16xi32>, vector<16xi32>], vector<16xf32>,
        %gather3A_1219 = tpu.vector_load_idx %arg17[%add3A_238, %broadcast_in_dim3A_1217] : memref<640x32xf32, #tpu.memory_space<vmem>>[vector<16xi32>, vector<16xi32>], vector<16xf32>,
        %add3A_1220 = arith.addf %gather3A_1218, %mul3A_284 : vector<16xf32>
        %mul3A_1221 = arith.mulf %add3A_1220, %gather3A_1219 : vector<16xf32>
        %add3A_1222 = arith.addf %add3A_1191, %mul3A_1221 : vector<16xf32>
        %broadcast_in_dim3A_1223 = arith.constant 128 : i32
        %broadcast_in_dim3A_1224 = vector.broadcast %broadcast_in_dim3A_1223 : i32 to vector<16xi32>
        %add3A_1225 = arith.addi %broadcast_in_dim3A_1224, %add3A_238 : vector<16xi32>
        %gather3A_1226 = tpu.vector_load_idx %arg17[%add3A_1225, %broadcast_in_dim3A_1217] : memref<640x32xf32, #tpu.memory_space<vmem>>[vector<16xi32>, vector<16xi32>], vector<16xf32>,
        %mul3A_1227 = arith.mulf %add3A_1220, %gather3A_1226 : vector<16xf32>
        %add3A_1228 = arith.addf %add3A_1197, %mul3A_1227 : vector<16xf32>
        %broadcast_in_dim3A_1229 = arith.constant 256 : i32
        %broadcast_in_dim3A_1230 = vector.broadcast %broadcast_in_dim3A_1229 : i32 to vector<16xi32>
        %add3A_1231 = arith.addi %broadcast_in_dim3A_1230, %add3A_238 : vector<16xi32>
        %gather3A_1232 = tpu.vector_load_idx %arg17[%add3A_1231, %broadcast_in_dim3A_1217] : memref<640x32xf32, #tpu.memory_space<vmem>>[vector<16xi32>, vector<16xi32>], vector<16xf32>,
        %mul3A_1233 = arith.mulf %add3A_1220, %gather3A_1232 : vector<16xf32>
        %add3A_1234 = arith.addf %add3A_1203, %mul3A_1233 : vector<16xf32>
        %broadcast_in_dim3A_1235 = arith.constant 384 : i32
        %broadcast_in_dim3A_1236 = vector.broadcast %broadcast_in_dim3A_1235 : i32 to vector<16xi32>
        %add3A_1237 = arith.addi %broadcast_in_dim3A_1236, %add3A_238 : vector<16xi32>
        %gather3A_1238 = tpu.vector_load_idx %arg17[%add3A_1237, %broadcast_in_dim3A_1217] : memref<640x32xf32, #tpu.memory_space<vmem>>[vector<16xi32>, vector<16xi32>], vector<16xf32>,
        %mul3A_1239 = arith.mulf %add3A_1220, %gather3A_1238 : vector<16xf32>
        %add3A_1240 = arith.addf %add3A_1209, %mul3A_1239 : vector<16xf32>
        %broadcast_in_dim3A_1241 = arith.constant 512 : i32
        %broadcast_in_dim3A_1242 = vector.broadcast %broadcast_in_dim3A_1241 : i32 to vector<16xi32>
        %add3A_1243 = arith.addi %broadcast_in_dim3A_1242, %add3A_238 : vector<16xi32>
        %gather3A_1244 = tpu.vector_load_idx %arg17[%add3A_1243, %broadcast_in_dim3A_1217] : memref<640x32xf32, #tpu.memory_space<vmem>>[vector<16xi32>, vector<16xi32>], vector<16xf32>,
        %mul3A_1245 = arith.mulf %add3A_1220, %gather3A_1244 : vector<16xf32>
        %add3A_1246 = arith.addf %add3A_1215, %mul3A_1245 : vector<16xf32>
        %broadcast_in_dim3A_1247 = arith.constant 31 : i32
        %broadcast_in_dim3A_1248 = vector.broadcast %broadcast_in_dim3A_1247 : i32 to vector<16xi32>
        %gather3A_1249 = tpu.vector_load_idx %arg16[%add3A_238, %broadcast_in_dim3A_1248] : memref<128x32xf32, #tpu.memory_space<vmem>>[vector<16xi32>, vector<16xi32>], vector<16xf32>,
        %gather3A_1250 = tpu.vector_load_idx %arg17[%add3A_238, %broadcast_in_dim3A_1248] : memref<640x32xf32, #tpu.memory_space<vmem>>[vector<16xi32>, vector<16xi32>], vector<16xf32>,
        %add3A_1251 = arith.addf %gather3A_1249, %mul3A_285 : vector<16xf32>
        %mul3A_1252 = arith.mulf %add3A_1251, %gather3A_1250 : vector<16xf32>
        %add3A_1253 = arith.addf %add3A_1222, %mul3A_1252 : vector<16xf32>
        %broadcast_in_dim3A_1254 = arith.constant 128 : i32
        %broadcast_in_dim3A_1255 = vector.broadcast %broadcast_in_dim3A_1254 : i32 to vector<16xi32>
        %add3A_1256 = arith.addi %broadcast_in_dim3A_1255, %add3A_238 : vector<16xi32>
        %gather3A_1257 = tpu.vector_load_idx %arg17[%add3A_1256, %broadcast_in_dim3A_1248] : memref<640x32xf32, #tpu.memory_space<vmem>>[vector<16xi32>, vector<16xi32>], vector<16xf32>,
        %mul3A_1258 = arith.mulf %add3A_1251, %gather3A_1257 : vector<16xf32>
        %add3A_1259 = arith.addf %add3A_1228, %mul3A_1258 : vector<16xf32>
        %broadcast_in_dim3A_1260 = arith.constant 256 : i32
        %broadcast_in_dim3A_1261 = vector.broadcast %broadcast_in_dim3A_1260 : i32 to vector<16xi32>
        %add3A_1262 = arith.addi %broadcast_in_dim3A_1261, %add3A_238 : vector<16xi32>
        %gather3A_1263 = tpu.vector_load_idx %arg17[%add3A_1262, %broadcast_in_dim3A_1248] : memref<640x32xf32, #tpu.memory_space<vmem>>[vector<16xi32>, vector<16xi32>], vector<16xf32>,
        %mul3A_1264 = arith.mulf %add3A_1251, %gather3A_1263 : vector<16xf32>
        %add3A_1265 = arith.addf %add3A_1234, %mul3A_1264 : vector<16xf32>
        %broadcast_in_dim3A_1266 = arith.constant 384 : i32
        %broadcast_in_dim3A_1267 = vector.broadcast %broadcast_in_dim3A_1266 : i32 to vector<16xi32>
        %add3A_1268 = arith.addi %broadcast_in_dim3A_1267, %add3A_238 : vector<16xi32>
        %gather3A_1269 = tpu.vector_load_idx %arg17[%add3A_1268, %broadcast_in_dim3A_1248] : memref<640x32xf32, #tpu.memory_space<vmem>>[vector<16xi32>, vector<16xi32>], vector<16xf32>,
        %mul3A_1270 = arith.mulf %add3A_1251, %gather3A_1269 : vector<16xf32>
        %add3A_1271 = arith.addf %add3A_1240, %mul3A_1270 : vector<16xf32>
        %broadcast_in_dim3A_1272 = arith.constant 512 : i32
        %broadcast_in_dim3A_1273 = vector.broadcast %broadcast_in_dim3A_1272 : i32 to vector<16xi32>
        %add3A_1274 = arith.addi %broadcast_in_dim3A_1273, %add3A_238 : vector<16xi32>
        %gather3A_1275 = tpu.vector_load_idx %arg17[%add3A_1274, %broadcast_in_dim3A_1248] : memref<640x32xf32, #tpu.memory_space<vmem>>[vector<16xi32>, vector<16xi32>], vector<16xf32>,
        %mul3A_1276 = arith.mulf %add3A_1251, %gather3A_1275 : vector<16xf32>
        %add3A_1277 = arith.addf %add3A_1246, %mul3A_1276 : vector<16xf32>
        %broadcast_in_dim3A_1278 = arith.constant 0 : i32
        %broadcast_in_dim3A_1279 = vector.broadcast %broadcast_in_dim3A_1278 : i32 to vector<16xi32>
        %sub3A = arith.subf %add3A_1253, %add3A_1259 : vector<16xf32>
        tpu.vector_store_idx %arg19[%broadcast_in_dim3A_1279, %add3A_238], %sub3A : memref<4x128xf32, #tpu.memory_space<vmem>>[vector<16xi32>, vector<16xi32>], vector<16xf32>,
        %broadcast_in_dim3A_1280 = arith.constant 1 : i32
        %broadcast_in_dim3A_1281 = vector.broadcast %broadcast_in_dim3A_1280 : i32 to vector<16xi32>
        %sub3A_1282 = arith.subf %add3A_1253, %add3A_1265 : vector<16xf32>
        tpu.vector_store_idx %arg19[%broadcast_in_dim3A_1281, %add3A_238], %sub3A_1282 : memref<4x128xf32, #tpu.memory_space<vmem>>[vector<16xi32>, vector<16xi32>], vector<16xf32>,
        %broadcast_in_dim3A_1283 = arith.constant 2 : i32
        %broadcast_in_dim3A_1284 = vector.broadcast %broadcast_in_dim3A_1283 : i32 to vector<16xi32>
        %sub3A_1285 = arith.subf %add3A_1253, %add3A_1271 : vector<16xf32>
        tpu.vector_store_idx %arg19[%broadcast_in_dim3A_1284, %add3A_238], %sub3A_1285 : memref<4x128xf32, #tpu.memory_space<vmem>>[vector<16xi32>, vector<16xi32>], vector<16xf32>,
        %broadcast_in_dim3A_1286 = arith.constant 3 : i32
        %broadcast_in_dim3A_1287 = vector.broadcast %broadcast_in_dim3A_1286 : i32 to vector<16xi32>
        %sub3A_1288 = arith.subf %add3A_1253, %add3A_1277 : vector<16xf32>
        tpu.vector_store_idx %arg19[%broadcast_in_dim3A_1287, %add3A_238], %sub3A_1288 : memref<4x128xf32, #tpu.memory_space<vmem>>[vector<16xi32>, vector<16xi32>], vector<16xf32>,
      }
      %scan3A_137 = arith.constant 8 : i32
      %dma_start3A_138 = arith.constant 0 : i32
      %dma_start3A_139 = arith.constant 0 : i32
      %dma_start3A_140 = arith.constant 0 : i32
      %dma_start3A_141 = tpu.memref_slice %arg19[%dma_start3A_138, %dma_start3A_140] : memref<4x128xf32, #tpu.memory_space<vmem>> -> memref<1x128xf32, #tpu.memory_space<vmem>>
      %dma_start3A_142 = tpu.memref_squeeze %dma_start3A_141 : memref<1x128xf32, #tpu.memory_space<vmem>> -> memref<128xf32, #tpu.memory_space<vmem>>
      %dma_start3A_143 = tpu.memref_slice %arg10[%dma_start3A_139, %add3A_11] : memref<4x16384xf32, #tpu.memory_space<hbm>> -> memref<1x128xf32, #tpu.memory_space<hbm>>
      %dma_start3A_144 = tpu.memref_squeeze %dma_start3A_143 : memref<1x128xf32, #tpu.memory_space<hbm>> -> memref<128xf32, #tpu.memory_space<hbm>>
      %dma_start3A_145 = tpu.memref_slice %arg10[%dma_start3A_139, %add3A_11] : memref<4x16384xf32, #tpu.memory_space<hbm>> -> memref<1x128xf32, #tpu.memory_space<hbm>>
      %dma_start3A_146 = tpu.memref_squeeze %dma_start3A_145 : memref<1x128xf32, #tpu.memory_space<hbm>> -> memref<128xf32, #tpu.memory_space<hbm>>
      %dma_start3A_147 = arith.constant 0 : i32
      %dma_start3A_148 = tpu.memref_slice %arg19[%dma_start3A_138, %dma_start3A_147] : memref<4x128xf32, #tpu.memory_space<vmem>> -> memref<1x128xf32, #tpu.memory_space<vmem>>
      %dma_start3A_149 = tpu.memref_squeeze %dma_start3A_148 : memref<1x128xf32, #tpu.memory_space<vmem>> -> memref<128xf32, #tpu.memory_space<vmem>>
      tpu.enqueue_dma source(%dma_start3A_149 : memref<128xf32, #tpu.memory_space<vmem>>) target(%dma_start3A_146 : memref<128xf32, #tpu.memory_space<hbm>>) target_semaphore(%arg20 : memref<!tpu.dma_semaphore, #tpu.memory_space<semaphore_mem>>)
      %dma_start3A_150 = arith.constant 1 : i32
      %dma_start3A_151 = arith.constant 1 : i32
      %dma_start3A_152 = arith.constant 0 : i32
      %dma_start3A_153 = tpu.memref_slice %arg19[%dma_start3A_150, %dma_start3A_152] : memref<4x128xf32, #tpu.memory_space<vmem>> -> memref<1x128xf32, #tpu.memory_space<vmem>>
      %dma_start3A_154 = tpu.memref_squeeze %dma_start3A_153 : memref<1x128xf32, #tpu.memory_space<vmem>> -> memref<128xf32, #tpu.memory_space<vmem>>
      %dma_start3A_155 = tpu.memref_slice %arg10[%dma_start3A_151, %add3A_11] : memref<4x16384xf32, #tpu.memory_space<hbm>> -> memref<1x128xf32, #tpu.memory_space<hbm>>
      %dma_start3A_156 = tpu.memref_squeeze %dma_start3A_155 : memref<1x128xf32, #tpu.memory_space<hbm>> -> memref<128xf32, #tpu.memory_space<hbm>>
      %dma_start3A_157 = tpu.memref_slice %arg10[%dma_start3A_151, %add3A_11] : memref<4x16384xf32, #tpu.memory_space<hbm>> -> memref<1x128xf32, #tpu.memory_space<hbm>>
      %dma_start3A_158 = tpu.memref_squeeze %dma_start3A_157 : memref<1x128xf32, #tpu.memory_space<hbm>> -> memref<128xf32, #tpu.memory_space<hbm>>
      %dma_start3A_159 = arith.constant 0 : i32
      %dma_start3A_160 = tpu.memref_slice %arg19[%dma_start3A_150, %dma_start3A_159] : memref<4x128xf32, #tpu.memory_space<vmem>> -> memref<1x128xf32, #tpu.memory_space<vmem>>
      %dma_start3A_161 = tpu.memref_squeeze %dma_start3A_160 : memref<1x128xf32, #tpu.memory_space<vmem>> -> memref<128xf32, #tpu.memory_space<vmem>>
      tpu.enqueue_dma source(%dma_start3A_161 : memref<128xf32, #tpu.memory_space<vmem>>) target(%dma_start3A_158 : memref<128xf32, #tpu.memory_space<hbm>>) target_semaphore(%arg20 : memref<!tpu.dma_semaphore, #tpu.memory_space<semaphore_mem>>)
      %dma_start3A_162 = arith.constant 2 : i32
      %dma_start3A_163 = arith.constant 2 : i32
      %dma_start3A_164 = arith.constant 0 : i32
      %dma_start3A_165 = tpu.memref_slice %arg19[%dma_start3A_162, %dma_start3A_164] : memref<4x128xf32, #tpu.memory_space<vmem>> -> memref<1x128xf32, #tpu.memory_space<vmem>>
      %dma_start3A_166 = tpu.memref_squeeze %dma_start3A_165 : memref<1x128xf32, #tpu.memory_space<vmem>> -> memref<128xf32, #tpu.memory_space<vmem>>
      %dma_start3A_167 = tpu.memref_slice %arg10[%dma_start3A_163, %add3A_11] : memref<4x16384xf32, #tpu.memory_space<hbm>> -> memref<1x128xf32, #tpu.memory_space<hbm>>
      %dma_start3A_168 = tpu.memref_squeeze %dma_start3A_167 : memref<1x128xf32, #tpu.memory_space<hbm>> -> memref<128xf32, #tpu.memory_space<hbm>>
      %dma_start3A_169 = tpu.memref_slice %arg10[%dma_start3A_163, %add3A_11] : memref<4x16384xf32, #tpu.memory_space<hbm>> -> memref<1x128xf32, #tpu.memory_space<hbm>>
      %dma_start3A_170 = tpu.memref_squeeze %dma_start3A_169 : memref<1x128xf32, #tpu.memory_space<hbm>> -> memref<128xf32, #tpu.memory_space<hbm>>
      %dma_start3A_171 = arith.constant 0 : i32
      %dma_start3A_172 = tpu.memref_slice %arg19[%dma_start3A_162, %dma_start3A_171] : memref<4x128xf32, #tpu.memory_space<vmem>> -> memref<1x128xf32, #tpu.memory_space<vmem>>
      %dma_start3A_173 = tpu.memref_squeeze %dma_start3A_172 : memref<1x128xf32, #tpu.memory_space<vmem>> -> memref<128xf32, #tpu.memory_space<vmem>>
      tpu.enqueue_dma source(%dma_start3A_173 : memref<128xf32, #tpu.memory_space<vmem>>) target(%dma_start3A_170 : memref<128xf32, #tpu.memory_space<hbm>>) target_semaphore(%arg20 : memref<!tpu.dma_semaphore, #tpu.memory_space<semaphore_mem>>)
      %dma_start3A_174 = arith.constant 3 : i32
      %dma_start3A_175 = arith.constant 3 : i32
      %dma_start3A_176 = arith.constant 0 : i32
      %dma_start3A_177 = tpu.memref_slice %arg19[%dma_start3A_174, %dma_start3A_176] : memref<4x128xf32, #tpu.memory_space<vmem>> -> memref<1x128xf32, #tpu.memory_space<vmem>>
      %dma_start3A_178 = tpu.memref_squeeze %dma_start3A_177 : memref<1x128xf32, #tpu.memory_space<vmem>> -> memref<128xf32, #tpu.memory_space<vmem>>
      %dma_start3A_179 = tpu.memref_slice %arg10[%dma_start3A_175, %add3A_11] : memref<4x16384xf32, #tpu.memory_space<hbm>> -> memref<1x128xf32, #tpu.memory_space<hbm>>
      %dma_start3A_180 = tpu.memref_squeeze %dma_start3A_179 : memref<1x128xf32, #tpu.memory_space<hbm>> -> memref<128xf32, #tpu.memory_space<hbm>>
      %dma_start3A_181 = tpu.memref_slice %arg10[%dma_start3A_175, %add3A_11] : memref<4x16384xf32, #tpu.memory_space<hbm>> -> memref<1x128xf32, #tpu.memory_space<hbm>>
      %dma_start3A_182 = tpu.memref_squeeze %dma_start3A_181 : memref<1x128xf32, #tpu.memory_space<hbm>> -> memref<128xf32, #tpu.memory_space<hbm>>
      %dma_start3A_183 = arith.constant 0 : i32
      %dma_start3A_184 = tpu.memref_slice %arg19[%dma_start3A_174, %dma_start3A_183] : memref<4x128xf32, #tpu.memory_space<vmem>> -> memref<1x128xf32, #tpu.memory_space<vmem>>
      %dma_start3A_185 = tpu.memref_squeeze %dma_start3A_184 : memref<1x128xf32, #tpu.memory_space<vmem>> -> memref<128xf32, #tpu.memory_space<vmem>>
      tpu.enqueue_dma source(%dma_start3A_185 : memref<128xf32, #tpu.memory_space<vmem>>) target(%dma_start3A_182 : memref<128xf32, #tpu.memory_space<hbm>>) target_semaphore(%arg20 : memref<!tpu.dma_semaphore, #tpu.memory_space<semaphore_mem>>)
      %dma_wait3A_186 = arith.constant 0 : i32
      %dma_wait3A_187 = arith.constant 0 : i32
      %dma_wait3A_188 = arith.constant 0 : i32
      %dma_wait3A_189 = tpu.memref_slice %arg19[%dma_wait3A_186, %dma_wait3A_188] : memref<4x128xf32, #tpu.memory_space<vmem>> -> memref<1x128xf32, #tpu.memory_space<vmem>>
      %dma_wait3A_190 = tpu.memref_squeeze %dma_wait3A_189 : memref<1x128xf32, #tpu.memory_space<vmem>> -> memref<128xf32, #tpu.memory_space<vmem>>
      %dma_wait3A_191 = tpu.memref_slice %arg10[%dma_wait3A_187, %add3A_11] : memref<4x16384xf32, #tpu.memory_space<hbm>> -> memref<1x128xf32, #tpu.memory_space<hbm>>
      %dma_wait3A_192 = tpu.memref_squeeze %dma_wait3A_191 : memref<1x128xf32, #tpu.memory_space<hbm>> -> memref<128xf32, #tpu.memory_space<hbm>>
      %dma_wait3A_193 = tpu.memref_slice %arg10[%dma_wait3A_187, %add3A_11] : memref<4x16384xf32, #tpu.memory_space<hbm>> -> memref<1x128xf32, #tpu.memory_space<hbm>>
      %dma_wait3A_194 = tpu.memref_squeeze %dma_wait3A_193 : memref<1x128xf32, #tpu.memory_space<hbm>> -> memref<128xf32, #tpu.memory_space<hbm>>
      %dma_wait3A_195 = arith.constant 0 : i32
      %dma_wait3A_196 = tpu.memref_slice %arg19[%dma_wait3A_186, %dma_wait3A_195] : memref<4x128xf32, #tpu.memory_space<vmem>> -> memref<1x128xf32, #tpu.memory_space<vmem>>
      %dma_wait3A_197 = tpu.memref_squeeze %dma_wait3A_196 : memref<1x128xf32, #tpu.memory_space<vmem>> -> memref<128xf32, #tpu.memory_space<vmem>>
      tpu.wait_dma2 semaphore(%arg20 : memref<!tpu.dma_semaphore, #tpu.memory_space<semaphore_mem>>) src(%dma_wait3A_197 : memref<128xf32, #tpu.memory_space<vmem>>) dst(%dma_wait3A_194 : memref<128xf32, #tpu.memory_space<hbm>>)
      %dma_wait3A_198 = arith.constant 1 : i32
      %dma_wait3A_199 = arith.constant 1 : i32
      %dma_wait3A_200 = arith.constant 0 : i32
      %dma_wait3A_201 = tpu.memref_slice %arg19[%dma_wait3A_198, %dma_wait3A_200] : memref<4x128xf32, #tpu.memory_space<vmem>> -> memref<1x128xf32, #tpu.memory_space<vmem>>
      %dma_wait3A_202 = tpu.memref_squeeze %dma_wait3A_201 : memref<1x128xf32, #tpu.memory_space<vmem>> -> memref<128xf32, #tpu.memory_space<vmem>>
      %dma_wait3A_203 = tpu.memref_slice %arg10[%dma_wait3A_199, %add3A_11] : memref<4x16384xf32, #tpu.memory_space<hbm>> -> memref<1x128xf32, #tpu.memory_space<hbm>>
      %dma_wait3A_204 = tpu.memref_squeeze %dma_wait3A_203 : memref<1x128xf32, #tpu.memory_space<hbm>> -> memref<128xf32, #tpu.memory_space<hbm>>
      %dma_wait3A_205 = tpu.memref_slice %arg10[%dma_wait3A_199, %add3A_11] : memref<4x16384xf32, #tpu.memory_space<hbm>> -> memref<1x128xf32, #tpu.memory_space<hbm>>
      %dma_wait3A_206 = tpu.memref_squeeze %dma_wait3A_205 : memref<1x128xf32, #tpu.memory_space<hbm>> -> memref<128xf32, #tpu.memory_space<hbm>>
      %dma_wait3A_207 = arith.constant 0 : i32
      %dma_wait3A_208 = tpu.memref_slice %arg19[%dma_wait3A_198, %dma_wait3A_207] : memref<4x128xf32, #tpu.memory_space<vmem>> -> memref<1x128xf32, #tpu.memory_space<vmem>>
      %dma_wait3A_209 = tpu.memref_squeeze %dma_wait3A_208 : memref<1x128xf32, #tpu.memory_space<vmem>> -> memref<128xf32, #tpu.memory_space<vmem>>
      tpu.wait_dma2 semaphore(%arg20 : memref<!tpu.dma_semaphore, #tpu.memory_space<semaphore_mem>>) src(%dma_wait3A_209 : memref<128xf32, #tpu.memory_space<vmem>>) dst(%dma_wait3A_206 : memref<128xf32, #tpu.memory_space<hbm>>)
      %dma_wait3A_210 = arith.constant 2 : i32
      %dma_wait3A_211 = arith.constant 2 : i32
      %dma_wait3A_212 = arith.constant 0 : i32
      %dma_wait3A_213 = tpu.memref_slice %arg19[%dma_wait3A_210, %dma_wait3A_212] : memref<4x128xf32, #tpu.memory_space<vmem>> -> memref<1x128xf32, #tpu.memory_space<vmem>>
      %dma_wait3A_214 = tpu.memref_squeeze %dma_wait3A_213 : memref<1x128xf32, #tpu.memory_space<vmem>> -> memref<128xf32, #tpu.memory_space<vmem>>
      %dma_wait3A_215 = tpu.memref_slice %arg10[%dma_wait3A_211, %add3A_11] : memref<4x16384xf32, #tpu.memory_space<hbm>> -> memref<1x128xf32, #tpu.memory_space<hbm>>
      %dma_wait3A_216 = tpu.memref_squeeze %dma_wait3A_215 : memref<1x128xf32, #tpu.memory_space<hbm>> -> memref<128xf32, #tpu.memory_space<hbm>>
      %dma_wait3A_217 = tpu.memref_slice %arg10[%dma_wait3A_211, %add3A_11] : memref<4x16384xf32, #tpu.memory_space<hbm>> -> memref<1x128xf32, #tpu.memory_space<hbm>>
      %dma_wait3A_218 = tpu.memref_squeeze %dma_wait3A_217 : memref<1x128xf32, #tpu.memory_space<hbm>> -> memref<128xf32, #tpu.memory_space<hbm>>
      %dma_wait3A_219 = arith.constant 0 : i32
      %dma_wait3A_220 = tpu.memref_slice %arg19[%dma_wait3A_210, %dma_wait3A_219] : memref<4x128xf32, #tpu.memory_space<vmem>> -> memref<1x128xf32, #tpu.memory_space<vmem>>
      %dma_wait3A_221 = tpu.memref_squeeze %dma_wait3A_220 : memref<1x128xf32, #tpu.memory_space<vmem>> -> memref<128xf32, #tpu.memory_space<vmem>>
      tpu.wait_dma2 semaphore(%arg20 : memref<!tpu.dma_semaphore, #tpu.memory_space<semaphore_mem>>) src(%dma_wait3A_221 : memref<128xf32, #tpu.memory_space<vmem>>) dst(%dma_wait3A_218 : memref<128xf32, #tpu.memory_space<hbm>>)
      %dma_wait3A_222 = arith.constant 3 : i32
      %dma_wait3A_223 = arith.constant 3 : i32
      %dma_wait3A_224 = arith.constant 0 : i32
      %dma_wait3A_225 = tpu.memref_slice %arg19[%dma_wait3A_222, %dma_wait3A_224] : memref<4x128xf32, #tpu.memory_space<vmem>> -> memref<1x128xf32, #tpu.memory_space<vmem>>
      %dma_wait3A_226 = tpu.memref_squeeze %dma_wait3A_225 : memref<1x128xf32, #tpu.memory_space<vmem>> -> memref<128xf32, #tpu.memory_space<vmem>>
      %dma_wait3A_227 = tpu.memref_slice %arg10[%dma_wait3A_223, %add3A_11] : memref<4x16384xf32, #tpu.memory_space<hbm>> -> memref<1x128xf32, #tpu.memory_space<hbm>>
      %dma_wait3A_228 = tpu.memref_squeeze %dma_wait3A_227 : memref<1x128xf32, #tpu.memory_space<hbm>> -> memref<128xf32, #tpu.memory_space<hbm>>
      %dma_wait3A_229 = tpu.memref_slice %arg10[%dma_wait3A_223, %add3A_11] : memref<4x16384xf32, #tpu.memory_space<hbm>> -> memref<1x128xf32, #tpu.memory_space<hbm>>
      %dma_wait3A_230 = tpu.memref_squeeze %dma_wait3A_229 : memref<1x128xf32, #tpu.memory_space<hbm>> -> memref<128xf32, #tpu.memory_space<hbm>>
      %dma_wait3A_231 = arith.constant 0 : i32
      %dma_wait3A_232 = tpu.memref_slice %arg19[%dma_wait3A_222, %dma_wait3A_231] : memref<4x128xf32, #tpu.memory_space<vmem>> -> memref<1x128xf32, #tpu.memory_space<vmem>>
      %dma_wait3A_233 = tpu.memref_squeeze %dma_wait3A_232 : memref<1x128xf32, #tpu.memory_space<vmem>> -> memref<128xf32, #tpu.memory_space<vmem>>
      tpu.wait_dma2 semaphore(%arg20 : memref<!tpu.dma_semaphore, #tpu.memory_space<semaphore_mem>>) src(%dma_wait3A_233 : memref<128xf32, #tpu.memory_space<vmem>>) dst(%dma_wait3A_230 : memref<128xf32, #tpu.memory_space<hbm>>)
    }
    %scan3A_5 = arith.constant 4 : i32
    return
  }
}

module attributes {stable_mosaic.version = 14 : i64} {
  func.func @body(%arg0: memref<4x16384xf32, #tpu.memory_space<vmem>>, %arg1: memref<1x1xf32, #tpu.memory_space<vmem>>) attributes {dimension_semantics = [], scalar_prefetch = 0 : i64, scratch_operands = 0 : i64, tpu.core_type = #tpu.core_type<tc>} {
    %get3A = arith.constant 0 : index
    %get3A_0 = arith.constant 0 : index
    %get3A_1 = vector.load %arg0[%get3A, %get3A_0] : memref<4x16384xf32, #tpu.memory_space<vmem>>, vector<4x16384xf32>
    %neg3A = arith.constant 0.000000e+00 : f32
    %neg3A_2 = vector.broadcast %neg3A : f32 to vector<4x16384xf32>
    %neg3A_3 = arith.subf %neg3A_2, %get3A_1 : vector<4x16384xf32>
    %max3A = arith.constant 0.000000e+00 : f32
    %max3A_4 = vector.broadcast %max3A : f32 to vector<4x16384xf32>
    %max3A_5 = arith.maximumf %neg3A_3, %max3A_4 : vector<4x16384xf32>
    %abs3A = math.absf %get3A_1 : vector<4x16384xf32>
    %neg3A_6 = arith.constant 0.000000e+00 : f32
    %neg3A_7 = vector.broadcast %neg3A_6 : f32 to vector<4x16384xf32>
    %neg3A_8 = arith.subf %neg3A_7, %abs3A : vector<4x16384xf32>
    %exp3A = math.exp %neg3A_8 : vector<4x16384xf32>
    %log1p3A = math.log1p %exp3A : vector<4x16384xf32>
    %add3A = arith.addf %max3A_5, %log1p3A : vector<4x16384xf32>
    %reduce_sum3A = vector.shape_cast %add3A : vector<4x16384xf32> to vector<1x4x16384xf32>
    %reduce_sum3A_9 = arith.constant dense<0.000000e+00> : vector<1xf32>
    %reduce_sum3A_10 = vector.multi_reduction <add>, %reduce_sum3A, %reduce_sum3A_9 [1, 2] : vector<1x4x16384xf32> to vector<1xf32>
    %reduce_sum3A_11 = vector.shape_cast %reduce_sum3A_10 : vector<1xf32> to vector<1x1x1xf32>
    %reduce_sum3A_12 = vector.extract %reduce_sum3A_11[0, 0, 0] : f32 from vector<1x1x1xf32>
    %broadcast_in_dim3A = vector.broadcast %reduce_sum3A_12 : f32 to vector<1x1xf32>
    %mul3A = arith.constant 1.52587891E-5 : f32
    %mul3A_13 = vector.broadcast %mul3A : f32 to vector<1x1xf32>
    %mul3A_14 = arith.mulf %broadcast_in_dim3A, %mul3A_13 : vector<1x1xf32>
    %swap3A = arith.constant 0 : index
    %swap3A_15 = arith.constant 0 : index
    %swap3A_16 = vector.load %arg1[%swap3A, %swap3A_15] : memref<1x1xf32, #tpu.memory_space<vmem>>, vector<1x1xf32>
    tpu.vector_store %arg1[%swap3A, %swap3A_15], %mul3A_14 {strides = array<i32>} : memref<1x1xf32, #tpu.memory_space<vmem>>, vector<1x1xf32>,
    return
  }
}

</mosaic_0001>

<sc_bundles>
// kernel: kernel.4.cloned.1.call-start
scs
__scs_entry_jumppad:
0x0: {  	(pc) =	sbr.rel $0x88, $3  }
0x1: {  	(tag) =	ssettag $0x0;
	lr =	simm.s32 $0x1  }
0x2: {  	[smem:$0x3F99] =	sst lr;
	_ =	strace $0xD0000000  }
0x3: {  	_ = 	snop  }
0x4: {  	_ = 	snop  }
0x5: {  	_ = 	snop  }
0x6: {  	_ = 	snop  }
0x7: {  	_ = 	snop  }
__scs_overlays_trampoline_lowered:
0x8: {  	[smem:$0x3FA8] =	sst s0  }
0x9: {  	[smem:$0x3FA9] =	sst s1  }
0xa: {  	[smem:$0x3FAA] =	sst s2  }
0xb: {  	[smem:$0x3FAB] =	sst s3  }
0xc: {  	[smem:$0x3FAC] =	sst s4  }
0xd: {  	[smem:$0x3FAD] =	sst s5  }
0xe: {  	[smem:$0x3FAE] =	sst s6  }
0xf: {  	[smem:$0x3FAF] =	sst s7  }
0x10: {  	[smem:$0x3FB0] =	sst s8  }
0x11: {  	[smem:$0x3FB1] =	sst s9;
	s0 =	simm.s32 @!p0 $0x0  }
0x12: {  	s1 =	sld [smem:$0x3F97];
	s0 =	simm.s32 @p0 $0x1  }
0x13: {  	[smem:$0x3FB2] =	sst s0;
	s0 =	simm.s32 @!p1 $0x0  }
0x14: {  	s2 =	sld [smem:$0x3F96];
	s0 =	simm.s32 @p1 $0x1  }
0x15: {  	[smem:$0x3FB3] =	sst s0;
	s0 =	simm.s32 @!p2 $0x0  }
0x16: {  	s3 =	sld [smem:$0x3FDB];
	s0 =	simm.s32 @p2 $0x1  }
0x17: {  	s4 =	simm.s32 $0x1BF5;
	[smem:$0x3FB5] =	sst s0  }
0x18: {  	s0 =	sld [smem:$0x3F98];
	_ =	swait.ge [sflag:s4], $0x0  }
0x19: {  	s7 =	sld [smem:$0x3F99]  }
0x1a: {  	s8 =	sadd.s32 $0xFFFFE003, lr  }
0x1b: {  	s9 =	sadd.s32 $0xFFFFFEF7, lr;
	s5 =	simm.s32 $0xFFFFFFFF;
	p2 =	slt.u32 s8, $0xFFFFF086  }
0x1c: {  	p1 =	slt.u32 s9, $0xF7A;
	s5 =	simm.s32 @!p2 $0x0  }
0x1d: {  	s5 =	simm.s32 @p1 $0x1;
	p0 =	seq.s32 s7, s2  }
0x1e: {  	s7 =	smul.u32 @!p0 $0xF7A, s2;
	p2 =	seq.s32 @!p0 s5, $0x0  }
0x1f: {  	s9 =	smul.u32 $0xF7A, s1;
	s8 =	simm.s32 @!p0 $0x1BF5;
	p2 =	por !p2, p0  }
0x20: {  	[sflag:s8] =	ssyncset.s32 @!p0 $0xFFFFF086;
	s6 =	sadd.s32 @!p0 s3, s7;
	s7 =	simm.s32 @!p0 $0x108  }
0x21: {  	s3 =	sadd.s32 s3, s9;
	s6 =	sadd.s32 @!p0 $0x88, s6;
	s7 =	simm.s32 @p2 $0x1082  }
0x22: {  	[simem:s7], [sflag:s8] =	dma.local @!p0 [hbm:s6], $0xF7A  }
0x23: {  	s9 =	sor.u32 $0xD0000000, s2;
	s6 =	simm.s32 $0x108;
	_ =	swait.ge @!p0 [sflag:s8], $0x0  }
0x24: {  	s3 =	sadd.s32 $0x88, s3;
	s6 =	simm.s32 @!p1 $0x1082;
	[sflag:s4] =	ssyncset.s32 $0xFFFFF086  }
0x25: {  	[simem:s6], [sflag:s4] =	dma.local [hbm:s3], $0xF7A  }
0x26: {  	[smem:$0x3F99] =	sst s1;
	(tag) =	ssettag s2;
	_ =	strace s9  }
0x27: {  	s1 =	sld [smem:$0x3FA9]  }
0x28: {  	s2 =	sld [smem:$0x3FAA]  }
0x29: {  	s4 =	sld [smem:$0x3FAC]  }
0x2a: {  	p0 =	seq.s32 s5, $0x0;
	s5 =	sld [smem:$0x3FAD]  }
0x2b: {  	s6 =	sld [smem:$0x3FAE]  }
0x2c: {  	s7 =	sld [smem:$0x3FAF]  }
0x2d: {  	s3 =	simm.s32 $0x108;
	s8 =	sld [smem:$0x3FB0]  }
0x2e: {  	s3 =	simm.s32 @!p0 $0x1082;
	s9 =	sld [smem:$0x3FB1]  }
0x2f: {  	lr =	sadd.s32 s0, s3;
	s0 =	sld [smem:$0x3FA8]  }
0x30: {  	s3 =	sld [smem:$0x3FAB]  }
0x31: {  	[smem:$0x3FB4] =	sst s10  }
0x32: {  	s10 =	sld [smem:$0x3FB2];
	_ =	sdelay $0x3  }
0x33: {  	p0 =	seq.s32 s10, $0x1;
	s10 =	sld [smem:$0x3FB4];
	_ =	sdelay $0x3  }
0x34: {  	[smem:$0x3FB4] =	sst s10  }
0x35: {  	s10 =	sld [smem:$0x3FB3];
	_ =	sdelay $0x3  }
0x36: {  	p1 =	seq.s32 s10, $0x1;
	s10 =	sld [smem:$0x3FB4];
	_ =	sdelay $0x3  }
0x37: {  	[smem:$0x3FB4] =	sst s10  }
0x38: {  	s10 =	sld [smem:$0x3FB5]  }
0x39: {  	_ = 	snop;
	(pc) =	sbr.ind lr, $3  }
0x3a: {  	_ = 	snop  }
0x3b: {  	_ = 	snop  }
0x3c: {  	p2 =	seq.s32 s10, $0x1;
	s10 =	sld [smem:$0x3FB4]  }
0x3d: {  	_ =	shalt  }
0x3e: {  	_ =	shalt  }
0x3f: {  	_ =	shalt  }
0x40: {  	_ =	shalt  }
0x41: {  	_ =	shalt  }
0x42: {  	_ =	shalt  }
0x43: {  	_ =	shalt  }
0x44: {  	_ =	shalt  }
0x45: {  	_ =	shalt  }
0x46: {  	_ =	shalt  }
0x47: {  	_ =	shalt  }
0x48: {  	_ =	shalt  }
0x49: {  	_ =	shalt  }
0x4a: {  	_ =	shalt  }
0x4b: {  	_ =	shalt  }
0x4c: {  	_ =	shalt  }
0x4d: {  	_ =	shalt  }
0x4e: {  	_ =	shalt  }
0x4f: {  	_ =	shalt  }
0x50: {  	_ =	shalt  }
0x51: {  	_ =	shalt  }
0x52: {  	_ =	shalt  }
0x53: {  	_ =	shalt  }
0x54: {  	_ =	shalt  }
0x55: {  	_ =	shalt  }
0x56: {  	_ =	shalt  }
0x57: {  	_ =	shalt  }
0x58: {  	_ =	shalt  }
0x59: {  	_ =	shalt  }
0x5a: {  	_ =	shalt  }
0x5b: {  	_ =	shalt  }
0x5c: {  	_ =	shalt  }
0x5d: {  	_ =	shalt  }
0x5e: {  	_ =	shalt  }
0x5f: {  	_ =	shalt  }
0x60: {  	_ =	shalt  }
0x61: {  	_ =	shalt  }
0x62: {  	_ =	shalt  }
0x63: {  	_ =	shalt  }
0x64: {  	_ =	shalt  }
0x65: {  	_ =	shalt  }
0x66: {  	_ =	shalt  }
0x67: {  	_ =	shalt  }
0x68: {  	_ =	shalt  }
0x69: {  	_ =	shalt  }
0x6a: {  	_ =	shalt  }
0x6b: {  	_ =	shalt  }
0x6c: {  	_ =	shalt  }
0x6d: {  	_ =	shalt  }
0x6e: {  	_ =	shalt  }
0x6f: {  	_ =	shalt  }
0x70: {  	_ =	shalt  }
0x71: {  	_ =	shalt  }
0x72: {  	_ =	shalt  }
0x73: {  	_ =	shalt  }
0x74: {  	_ =	shalt  }
0x75: {  	_ =	shalt  }
0x76: {  	_ =	shalt  }
0x77: {  	_ =	shalt  }
0x78: {  	_ =	shalt  }
0x79: {  	_ =	shalt  }
0x7a: {  	_ =	shalt  }
0x7b: {  	_ =	shalt  }
0x7c: {  	_ =	shalt  }
0x7d: {  	_ =	shalt  }
0x7e: {  	_ =	shalt  }
0x7f: {  	_ =	shalt  }
0x80: {  	_ =	shalt  }
0x81: {  	_ =	shalt  }
0x82: {  	_ =	shalt  }
0x83: {  	_ =	shalt  }
0x84: {  	_ =	shalt  }
0x85: {  	_ =	shalt  }
0x86: {  	_ =	shalt  }
0x87: {  	_ =	shalt  }
.Lfunc_end0:
.L_simem_size_0:
called_computation_lowered:
.L_overlay_start_0:
0x88: {  	s2 =	sld [smem:$0x3FD9]  }
0x89: {  	s3 =	sld [smem:$0x3FFE];
	_ =	sdelay $0x1  }
0x8a: {  	s1 =	srdreg.scid  }
0x8b: {  	s0 =	sand.u32 $0x1, s1  }
0x8c: {  	s17 =	sshll.u32 s0, $0xA;
	s2 =	sadd.s32 s3, s2  }
0x8d: {  	s2 =	sadd.s32 s2, s17  }
0x8e: {  	[smem:$0x3FC0] =	sst s2  }
0x8f: {  	_ = 	snop  }
0x90: {  	s2 =	sld [smem:$0x3FC6]  }
0x91: {  	s18 =	sld [smem:$0x3FC5]  }
0x92: {  	s4 =	sld [smem:$0x3FC3];
	(tm) =	ssettm $0x1  }
0x93: {  	s5 =	sld [smem:$0x3FFB];
	_ =	sdelay $0x3  }
0x94: {  	_ =	strace s5  }
0x95: {  	s5 =	sld [smem:$0x3FFC];
	_ =	sdelay $0x3  }
0x96: {  	_ =	strace s5  }
0x97: {  	s5 =	sld [smem:$0x3FFD];
	_ =	sdelay $0x3  }
0x98: {  	_ =	strace s5  }
0x99: {  	_ =	strace $0x8FFFFFFF  }
0x9a: {  	s19 =	sld [smem:$0x3FDB];
	_ =	sdelay $0x1  }
0x9b: {  	s6 =	simm.s32 $_scs_section_size  }
0x9c: {  	s7 =	simm.s32 $_size__tile_overlayer_lowered;
	s8 =	simm.s32 $_tile_overlayer_lowered  }
0x9d: {  	s22 =	simm.s32 $0x1BFF;
	s21 =	sshll.u32 s8, $0x1;
	s5 =	sadd.s32 s6, s19  }
0x9e: {  	s9 =	simm.s32 $0x0;
	s20 =	sshll.u32 s7, $0x1;
	s7 =	sadd.s32 s21, s5  }
0x9f: {  	[timem:s9], [sflag:s22] =	dma.local [hbm:s7], s20  }
0xa0: {  	_ =	swait.ge [sflag:s22], s20  }
0xa1: {  	s6 =	ssub.s32 $0x0, s20;
	[sflag:s22] =	ssyncset.done $0x0  }
0xa2: {  	[sflag:s22] =	ssyncadd.s32 s6;
	_ =	sdelay $0x1  }
0xa3: {  	s23 =	simm.s32 $0x1B8B  }
0xa4: {  	_ =	swait.ge [sflag:s23], $0x1  }
0xa5: {  	[sflag:s23] =	ssyncset.done $0x0  }
0xa6: {  	s25 =	simm.s32 $0x1B8E;
	s24 =	sld [smem:$0x3FFE];
	[sflag:s23] =	ssyncadd.s32 $0xFFFFFFFF  }
0xa7: {  	s26 =	simm.s32 $execute0_lowered;
	[smem:$0x3FD2] =	sst s25  }
0xa8: {  	s7 =	sshll.u32 s26, $0x1;
	_ =	strace $0x80000046;
	[dreg:$0x1] =	wrdreg $0xFFFFFFFF  }
0xa9: {  	s28 =	simm.s32 $_size_execute0_lowered;
	s5 =	sadd.s32 s5, s7;
	[dreg:$0x0] =	wrdreg $0x0  }
0xaa: {  	s7 =	sshll.u32 s28, $0x1;
	[dreg:$0x2] =	wrdreg s5  }
0xab: {  	[dreg:$0x3] =	wrdreg s7  }
0xac: {  	[dreg:$0x4] =	wrdreg $0xC0  }
0xad: {  	_ =	task [dreg:s9], $0x5FFFF  }
0xae: {  	[dreg:$0x1] =	wrdreg $0xFFFFFFFF  }
0xaf: {  	[dreg:$0x0] =	wrdreg $0x60  }
0xb0: {  	[dreg:$0x2] =	wrdreg s24  }
0xb1: {  	[dreg:$0x3] =	wrdreg s2  }
0xb2: {  	[dreg:$0x4] =	wrdreg s18  }
0xb3: {  	[dreg:$0x5] =	wrdreg s4  }
0xb4: {  	[dreg:$0x6] =	wrdreg $0x9  }
0xb5: {  	_ =	task.clear_ibuf [dreg:s9], $0x7FFFF;
	_ =	strace $0x90000046  }
0xb6: {  	s29 =	simm.s32 $0x9;
	_ =	strace $0x80000048  }
0xb7: {  	_ =	swait.ge [sflag:s29], $0x1  }
0xb8: {  	[sflag:s29] =	ssyncadd.s32 $0xFFFFFFFF  }
0xb9: {  	_ =	strace $0x90000048  }
0xba: {  	_ =	sfence  }
0xbb: {  	s30 =	sld [smem:$0x0];
	_ =	sdelay $0x2  }
0xbc: {  	s31 =	sshll.u32 s1, $0xD;
	s1 =	sshrl.u32 s1, $0x2  }
0xbd: {  	s3 =	sand.u32 $0x4000, s31;
	s1 =	sadd.s32 s1, s30  }
0xbe: {  	s0 =	sor.u32 s3, s0;
	s1 =	sshll.u32 s1, $0x11  }
0xbf: {  	s0 =	sor.u32 s1, s0  }
0xc0: {  	s0 =	sadd.s32 $0x8F2B, s0  }
0xc1: {  	[sflag:s0] =	ssyncadd.remote.s32 $0x1  }
0xc2: {  	_ =	sfence.sel $0xFFFF  }
0xc3: {  	[dreg:$0x0] =	wrdreg $0xFFFFFFFF;
	(pc) =	sbr.abs _section_cstart, $3  }
0xc4: {  	[dreg:$0x1] =	wrdreg $0xFFFFFFFF  }
0xc5: {  	_ =	task.clear_ibuf [dreg:s9], $0x2FFFF;
	_ =	strace $0x9FFFFFFF  }
0xc6: {  	(tm) =	ssettm $0x7FFFFFFF  }
0xc7: {  	_ =	shalt  }
tec
execute0_lowered:
.L_overlay_start_1:
0x0: {  	(tag) =	ssettag $0x1  }
0x1: {  	s0 =	rddreg [dreg:$0x0]  }
0x2: {  	s4 =	simm.s32 $0x0;
	s1 =	srdreg.scid;
	s7 =	stileid.u32  }
0x3: {  	s14 =	simm.s32 $0x80;
	s15 =	simm.s32 $0x300;
	s16 =	simm.s32 $0x380;
	v0 =	vlaneseq.u32  }
0x4: {  	s19 =	simm.s32 $0x200;
	s20 =	simm.s32 $0x280;
	s21 =	simm.s32 $0x1;
	v8 =	vand.u32 $0x7, v0  }
0x5: {  	s22 =	simm.s32 $0x1780;
	s23 =	simm.s32 $0x2780;
	[smem:$0x7FF] =	sst s4;
	v5 =	vmul.u32 $0x20, v0;
	v0 =	vor.u32 $0xFFFFFFF8, v8  }
0x6: {  	s24 =	simm.s32 $0xA00;
	s28 =	simm.s32 $0x1B780;
	_ =	strace $0x80000047;
	v61 =	vor.u32 $0x80, v8;
	[tilespmem:$0x1FF80] =	vst v0  }
0x7: {  	s29 =	simm.s32 $0x1B800;
	s30 =	simm.s32 $0x1B880;
	s31 =	simm.s32 $0x1B900;
	v62 =	vor.u32 $0x100, v8;
	[tilespmem:$0x1FFD0] =	vst v61  }
0x8: {  	s5 =	sadd.s32 $0x1313800, s0;
	s6 =	sadd.s32 $0xF42E00, s0;
	s1 =	sand.u32 $0x1, s1;
	v63 =	vor.u32 $0x180, v8;
	[tilespmem:$0x1FFE0] =	vst v62  }
0x9: {  	s8 =	sadd.s32 $0x187400, s0;
	s9 =	sadd.s32 $0xA00, s0;
	s2 =	ssub.s32 $0x2, s1;
	v57 =	vor.u32 $0x4000, v5;
	[tilespmem:$0x1FFF0] =	vst v63  }
0xa: {  	s10 =	sadd.s32 $0xAA00, s0;
	s25 =	sshll.u32 s7, $0xA;
	s3 =	sshrl.u32 s2, $0x1;
	v58 =	vor.u32 $0x3000, v5;
	[tilespmem:$0x1FF90] =	vst v57  }
0xb: {  	s11 =	sadd.s32 $0xCA00, s0;
	s1 =	sshll.u32 s1, $0x9;
	v59 =	vor.u32 $0x2000, v5;
	s2 =	ssub.s32 s2, s3;
	[tilespmem:$0x1FFA0] =	vst v58  }
0xc: {  	s12 =	sor.u32 s1, s25;
	s25 =	simm.s32 $0xD80;
	v60 =	vor.u32 $0x1000, v5;
	[tilespmem:$0x1FFB0] =	vst v59;
	s26 =	smax.u32 s2, $0x1  }
0xd: {  	s1 =	simm.s32 $0x0;
	[tilespmem:$0x1FFC0] =	vst v60;
	[dreg:$0x5] =	wrdreg s26;
	s26 =	simm.s32 $0x7780  }
.LBB2_1:
0xe: {  	[dreg:$0x6] =	wrdreg s1;
	s7 =	simm.s32 $0x0  }
.LBB2_2:
0xf: {  	s0 =	sshll.u32 s7, $0x7  }
0x10: {  	s0 =	sadd.s32 s12, s0  }
0x11: {  	s1 =	rddreg [dreg:$0x1];
	s13 =	sshrl.u32 s0, $0x3  }
0x12: {  	s3 =	simm.s32 $0x0;
	s17 =	rddreg [dreg:$0x2];
	s1 =	sadd.s32 s1, s13  }
0x13: {  	[tilespmem:s3], [sflag:$0x1] =	stream.linear.gather [hbm4b:s1+s3], $0x80, $0x38;
	[tilespmem:$0x1B980] =	vst v63  }
0x14: {  	s18 =	rddreg [dreg:$0x3];
	s0 =	smul.u32 $0x14, s0;
	s1 =	sadd.s32 s17, s13  }
0x15: {  	[tilespmem:s14], [sflag:$0x1] =	stream.linear.gather [hbm4b:s1+s3], $0x80, $0x38;
	[tilespmem:$0x1B980] =	vst v63  }
0x16: {  	s0 =	sshrl.u32 s0, $0x3;
	s1 =	sadd.s32 s18, s13  }
0x17: {  	[tilespmem:s15], [sflag:$0x1] =	stream.linear.gather [hbm4b:s1+s3], $0x80, $0x38;
	[tilespmem:$0x1B980] =	vst v63  }
0x18: {  	s0 =	sadd.s32 s9, s0  }
0x19: {  	[tilespmem:s16], [sflag:$0x1] =	stream.linear.gather [hbm4b:s0+s3], $0xA00, $0x38;
	[tilespmem:$0x1B980] =	vst v63  }
0x1a: {  	s2 =	simm.s32 $0x100;
	s1 =	sadd.s32 s10, s13;
	s0 =	sor.u32 $0x800, s13  }
0x1b: {  	[tilespmem:s2], [sflag:$0x1] =	stream.linear.gather [hbm4b:s1+s3], $0x80, $0x38;
	[tilespmem:$0x1B980] =	vst v63  }
0x1c: {  	s17 =	sadd.s32 s10, s0;
	s2 =	simm.s32 $0x180;
	s1 =	sor.u32 $0x1000, s13  }
0x1d: {  	[tilespmem:s2], [sflag:$0x1] =	stream.linear.gather [hbm4b:s17+s3], $0x80, $0x38;
	[tilespmem:$0x1B980] =	vst v63  }
0x1e: {  	s18 =	sadd.s32 s10, s1;
	s2 =	sor.u32 $0x1800, s13  }
0x1f: {  	[tilespmem:s19], [sflag:$0x1] =	stream.linear.gather [hbm4b:s18+s3], $0x80, $0x38;
	[tilespmem:$0x1B980] =	vst v63  }
0x20: {  	s17 =	sadd.s32 s10, s2  }
0x21: {  	[tilespmem:s20], [sflag:$0x1] =	stream.linear.gather [hbm4b:s17+s3], $0x80, $0x38;
	[tilespmem:$0x1B980] =	vst v63  }
0x22: {  	_ =	swait.ge [sflag:s21], $0x80  }
0x23: {  	[sflag:s21] =	ssyncset.done $0x0  }
0x24: {  	[sflag:s21] =	ssyncadd.s32 $0xFFFFFF80  }
0x25: {  	_ =	swait.ge [sflag:s21], $0x80  }
0x26: {  	[sflag:s21] =	ssyncset.done $0x0  }
0x27: {  	[sflag:s21] =	ssyncadd.s32 $0xFFFFFF80  }
0x28: {  	_ =	swait.ge [sflag:s21], $0x80  }
0x29: {  	[sflag:s21] =	ssyncset.done $0x0  }
0x2a: {  	[sflag:s21] =	ssyncadd.s32 $0xFFFFFF80  }
0x2b: {  	_ =	swait.ge [sflag:s21], $0xA00  }
0x2c: {  	[sflag:s21] =	ssyncset.done $0x0  }
0x2d: {  	[sflag:s21] =	ssyncadd.s32 $0xFFFFF600  }
0x2e: {  	_ =	swait.ge [sflag:s21], $0x80  }
0x2f: {  	[sflag:s21] =	ssyncset.done $0x0  }
0x30: {  	[sflag:s21] =	ssyncadd.s32 $0xFFFFFF80  }
0x31: {  	_ =	swait.ge [sflag:s21], $0x80  }
0x32: {  	[sflag:s21] =	ssyncset.done $0x0  }
0x33: {  	[sflag:s21] =	ssyncadd.s32 $0xFFFFFF80  }
0x34: {  	_ =	swait.ge [sflag:s21], $0x80  }
0x35: {  	[sflag:s21] =	ssyncset.done $0x0  }
0x36: {  	[sflag:s21] =	ssyncadd.s32 $0xFFFFFF80  }
0x37: {  	_ =	swait.ge [sflag:s21], $0x80  }
0x38: {  	[sflag:s21] =	ssyncset.done $0x0  }
0x39: {  	s3 =	simm.s32 $0x0;
	[sflag:s21] =	ssyncadd.s32 $0xFFFFFF80  }
0x3a: {  	v9 =	vld [tilespmem:s3+$0x380]  }
0x3b: {  	s17 =	simm.s32 $0x40  }
.LBB2_3:
0x3c: {  	p0 =	sne.s32 s17, $0x27C0  }
.Ltmp0:
0x3d: {  	_ = 	snop;
	(pc) =	sbr.rel @p0 .LBB2_3-.Ltmp0, $4  }
0x3e: {  	_ = 	snop  }
0x3f: {  	s18 =	sshra.s32 s17, $0x2;
	s17 =	sadd.s32 $0x40, s17;
	vm0 =	vlt.s32 v9, $0x186A0  }
0x40: {  	v10 =	vnsel vm0, $0x0, v9;
	v9 =	vld [tilespmem:s18+$0x380]  }
0x41: {  	[tilespmem:s3+$0xD80] =	vst v10;
	s3 =	smov.u32 s18  }
0x42: {  	_ =	sdelay $0x2  }
0x43: {  	vm0 =	vlt.s32 v9, $0x186A0  }
0x44: {  	v9 =	vnsel vm0, $0x0, v9  }
0x45: {  	[tilespmem:s3+$0xD80] =	vst v9;
	s3 =	simm.s32 $0x0  }
0x46: {  	[tilespmem:s22], [sflag:$0x1] =	stream.indirect.gather [hbm4b:s5+s14], $0x20, s3, s14, $0xb8;
	[tilespmem:$0x1B980] =	vst v63  }
0x47: {  	_ = 	snop  }
0x48: {  	[tilespmem:s23], [sflag:$0x1] =	stream.indirect.gather [hbm4b:s6+s20], $0x20, s14, s20, $0xb8;
	[tilespmem:$0x1B980] =	vst v63  }
0x49: {  	_ = 	snop  }
0x4a: {  	[tilespmem:s26], [sflag:$0x1] =	stream.indirect.gather [hbm4b:s8+s24], $0x20, s25, s24, $0xb8;
	[tilespmem:$0x1B980] =	vst v63  }
0x4b: {  	_ =	swait.ge [sflag:s21], $0x1000  }
0x4c: {  	[sflag:s21] =	ssyncset.done $0x0  }
0x4d: {  	[sflag:s21] =	ssyncadd.s32 $0xFFFFF000  }
0x4e: {  	_ =	swait.ge [sflag:s21], $0x5000  }
0x4f: {  	[sflag:s21] =	ssyncset.done $0x0  }
0x50: {  	[sflag:s21] =	ssyncadd.s32 $0xFFFFB000  }
0x51: {  	_ =	swait.ge [sflag:s21], $0x14000  }
0x52: {  	[sflag:s21] =	ssyncset.done $0x0  }
0x53: {  	s17 =	simm.s32 $0x0;
	[sflag:s21] =	ssyncadd.s32 $0xFFFEC000  }
.LBB2_5:
0x54: {  	s18 =	sshll.u32 s17, $0x4;
	v0 =	vlaneseq.u32  }
0x55: {  	v0 =	vor.u32 s18, v0  }
0x56: {  	v1 =	vmul.u32 $0x14, v0;
	_ =	sdelay $0x1  }
0x57: {  	v10 =	vadd.s32 s3, v1  }
0x58: {  	v16 =	vshll.u32 v10, $0x5  }
0x59: {  	v11 =	vor.u32 $0x1F, v16  }
0x5a: {  	v12 =	vor.u32 $0x1, v16  }
0x5b: {  	v13 =	vor.u32 $0x2, v16  }
0x5c: {  	v14 =	vor.u32 $0x3, v16  }
0x5d: {  	v15 =	vor.u32 $0x4, v16;
	v17 =	vld.idx.msk [tilespmem:v10+s16+$0x0], $0xffff  }
0x5e: {  	v18 =	vor.u32 $0x5, v16;
	v11 =	vld.idx.msk [tilespmem:v11+s26+$0x0], $0xffff  }
0x5f: {  	v19 =	vor.u32 $0x6, v16;
	v20 =	vld.idx.msk [tilespmem:v12+s26+$0x0], $0xffff  }
0x60: {  	v21 =	vor.u32 $0x7, v16;
	v13 =	vld.idx.msk [tilespmem:v13+s26+$0x0], $0xffff  }
0x61: {  	v58 =	vmov s18;
	v49 =	vor.u32 $0x16, v16;
	v14 =	vld.idx.msk [tilespmem:v14+s26+$0x0], $0xffff  }
0x62: {  	v22 =	vor.u32 $0x8, v16;
	v23 =	vor.u32 $0x9, v16;
	v24 =	vor.u32 $0xA, v16;
	v15 =	vld.idx.msk [tilespmem:v15+s26+$0x0], $0xffff  }
0x63: {  	v25 =	vor.u32 $0xB, v16;
	v26 =	vor.u32 $0xC, v16;
	v27 =	vor.u32 $0xD, v16;
	v18 =	vld.idx.msk [tilespmem:v18+s26+$0x0], $0xffff  }
0x64: {  	v28 =	vor.u32 $0xE, v16;
	v29 =	vor.u32 $0xF, v16;
	v30 =	vor.u32 $0x10, v16;
	v19 =	vld.idx.msk [tilespmem:v19+s26+$0x0], $0xffff  }
0x65: {  	v35 =	vor.u32 $0x11, v16;
	v42 =	vor.u32 $0x12, v16;
	v43 =	vor.u32 $0x13, v16;
	v21 =	vld.idx.msk [tilespmem:v21+s26+$0x0], $0xffff  }
0x66: {  	v44 =	vor.u32 $0x14, v16;
	v46 =	vor.u32 $0x15, v16;
	v50 =	vor.u32 $0x17, v16;
	v54 =	vld.idx.msk [tilespmem:v49+s26+$0x0], $0xffff  }
0x67: {  	v53 =	vor.u32 $0x18, v16;
	v55 =	vor.u32 $0x19, v16;
	vm0 =	vlt.s32 v17, $0x186A0;
	v17 =	vld.idx.msk [tilespmem:v24+s26+$0x0], $0xffff  }
0x68: {  	v56 =	vor.u32 $0x1A, v16;
	v48 =	vor.u32 $0x1B, v16;
	v47 =	vor.u32 $0x1C, v16;
	v24 =	vld.idx.msk [tilespmem:v25+s26+$0x0], $0xffff  }
0x69: {  	s18 =	simm.s32 $0x1;
	v41 =	vor.u32 $0x1D, v16;
	v45 =	vor.u32 $0x1E, v16;
	v10 =	vimm.f32 $0.0e+00;
	v25 =	vld.idx.msk [tilespmem:v26+s26+$0x0], $0xffff  }
0x6a: {  	v49 =	vadd.s32 s18, v1;
	v26 =	vld.idx.msk [tilespmem:v27+s26+$0x0], $0xffff;
	v27 =	vimm.f32 $0.0e+00;
	v11 =	vnsel vm0, $0x0, v11  }
0x6b: {  	v23 =	vld.idx.msk [tilespmem:v23+s26+$0x0], $0xffff;
	v20 =	vnsel vm0, $0x0, v20;
	v39 =	vadd.f32 v11, v10;
	v11 =	vnsel vm0, $0x0, v13  }
0x6c: {  	v22 =	vld.idx.msk [tilespmem:v22+s26+$0x0], $0xffff;
	v13 =	vnsel vm0, $0x0, v14;
	v14 =	vnsel vm0, $0x0, v15;
	v40 =	vadd.f32 v20, v10  }
0x6d: {  	v20 =	vld.idx.msk [tilespmem:v30+s26+$0x0], $0xffff;
	v38 =	vadd.f32 v11, v10;
	v11 =	vnsel vm0, $0x0, v18;
	v37 =	vadd.f32 v13, v10  }
0x6e: {  	v36 =	vadd.f32 v14, v10;
	v13 =	vnsel vm0, $0x0, v19;
	v19 =	vld.idx.msk [tilespmem:v29+s26+$0x0], $0xffff;
	v29 =	vimm.f32 $0.0e+00  }
0x6f: {  	v18 =	vld.idx.msk [tilespmem:v28+s26+$0x0], $0xffff;
	v28 =	vimm.f32 $0.0e+00;
	v34 =	vadd.f32 v11, v10;
	v33 =	vadd.f32 v13, v10  }
0x70: {  	v11 =	vnsel vm0, $0x0, v21;
	v13 =	vnsel vm0, $0x0, v23;
	v21 =	vnsel vm0, $0x0, v26;
	v26 =	vld.idx.msk [tilespmem:v44+s26+$0x0], $0xffff  }
0x71: {  	v14 =	vnsel vm0, $0x0, v25;
	v31 =	vadd.f32 v11, v10;
	v11 =	vnsel vm0, $0x0, v22;
	v22 =	vld.idx.msk [tilespmem:v35+s26+$0x0], $0xffff  }
0x72: {  	v44 =	vimm.f32 $0.0e+00;
	v30 =	vadd.f32 v11, v10;
	v11 =	vnsel vm0, $0x0, v17;
	v17 =	vld.idx.msk [tilespmem:v42+s26+$0x0], $0xffff  }
0x73: {  	v25 =	vld.idx.msk [tilespmem:v43+s26+$0x0], $0xffff;
	v43 =	vimm.f32 $0.0e+00;
	v15 =	vadd.f32 v13, v10;
	v13 =	vnsel vm0, $0x0, v24  }
0x74: {  	[tilespmem:$0x1FF00] =	vst v0;
	v14 =	vadd.f32 v14, v10;
	v18 =	vnsel vm0, $0x0, v18;
	v19 =	vnsel vm0, $0x0, v19  }
0x75: {  	[tilespmem:$0x1FF10] =	vst v58;
	v23 =	vadd.f32 v18, v10;
	v59 =	vadd.f32 v19, v10;
	v18 =	vnsel vm0, $0x0, v20  }
0x76: {  	[tilespmem:$0x1FF60] =	vst v1;
	v24 =	vadd.f32 v21, v10;
	v60 =	vadd.f32 v18, v10;
	v18 =	vnsel vm0, $0x0, v22  }
0x77: {  	v52 =	vld.idx.msk [tilespmem:v50+s26+$0x0], $0xffff;
	v35 =	vimm.f32 $0.0e+00;
	[tilespmem:$0x1FF20] =	vst v59;
	v17 =	vnsel vm0, $0x0, v17;
	v61 =	vadd.f32 v18, v10  }
0x78: {  	v53 =	vld.idx.msk [tilespmem:v53+s26+$0x0], $0xffff;
	v21 =	vimm.f32 $0.0e+00;
	[tilespmem:$0x1FF30] =	vst v60;
	v62 =	vadd.f32 v17, v10;
	v17 =	vnsel vm0, $0x0, v25  }
0x79: {  	v55 =	vld.idx.msk [tilespmem:v55+s26+$0x0], $0xffff;
	v13 =	vadd.f32 v13, v10;
	v42 =	vimm.f32 $0.0e+00;
	[tilespmem:$0x1FF40] =	vst v61;
	v63 =	vadd.f32 v17, v10  }
0x7a: {  	v11 =	vadd.f32 v11, v10;
	v60 =	vld.idx.msk [tilespmem:v46+s26+$0x0], $0xffff;
	vm0 =	vmmov vm0;
	v46 =	vimm.f32 $0.0e+00;
	[tilespmem:$0x1FF50] =	vst v62  }
0x7b: {  	s18 =	simm.s32 $0x2;
	v50 =	vld.idx.msk [tilespmem:v56+s26+$0x0], $0xffff;
	v25 =	vimm.f32 $0.0e+00;
	v51 =	vnsel vm0, $0x0, v26;
	v26 =	vimm.f32 $0.0e+00;
	[tilespmem:$0x1FF70] =	vst v63  }
.LBB2_6:
0x7c: {  	_ = 	snop  }
0x7d: {  	v56 =	vshll.u32 v49, $0x5;
	v57 =	vld.idx.msk [tilespmem:v48+s26+$0x0], $0xffff  }
0x7e: {  	v63 =	vld.idx.msk [tilespmem:v41+s26+$0x0], $0xffff;
	v59 =	vor.u32 $0x1F, v56  }
0x7f: {  	v3 =	vld.idx.msk [tilespmem:v45+s26+$0x0], $0xffff;
	v48 =	vor.u32 $0x1, v56  }
0x80: {  	v7 =	vld.idx.msk [tilespmem:v16+s26+$0x0], $0xffff;
	v58 =	vor.u32 $0x2, v56  }
0x81: {  	v45 =	vld.idx.msk [tilespmem:v49+s16+$0x0], $0xffff;
	v61 =	vor.u32 $0x4, v56  }
0x82: {  	v62 =	vor.u32 $0x5, v56;
	v0 =	vnsel vm0, $0x0, v60;
	v60 =	vld.idx.msk [tilespmem:v47+s26+$0x0], $0xffff  }
0x83: {  	v1 =	vor.u32 $0x7, v56;
	v59 =	vld.idx.msk [tilespmem:v59+s26+$0x0], $0xffff  }
0x84: {  	v2 =	vor.u32 $0x8, v56;
	v17 =	vld.idx.msk [tilespmem:v48+s26+$0x0], $0xffff  }
0x85: {  	v4 =	vor.u32 $0x9, v56;
	v58 =	vld.idx.msk [tilespmem:v58+s26+$0x0], $0xffff  }
0x86: {  	v5 =	vor.u32 $0xA, v56;
	v61 =	vld.idx.msk [tilespmem:v61+s26+$0x0], $0xffff  }
0x87: {  	v6 =	vor.u32 $0xB, v56;
	v62 =	vld.idx.msk [tilespmem:v62+s26+$0x0], $0xffff  }
0x88: {  	v47 =	vor.u32 $0x3, v56;
	v1 =	vld.idx.msk [tilespmem:v1+s26+$0x0], $0xffff  }
0x89: {  	v16 =	vmov v56;
	[tilespmem:$0x1FEA0] =	vst v0;
	v0 =	vor.u32 $0x6, v56;
	v2 =	vld.idx.msk [tilespmem:v2+s26+$0x0], $0xffff  }
0x8a: {  	v56 =	vor.u32 $0xD, v16;
	v4 =	vld.idx.msk [tilespmem:v4+s26+$0x0], $0xffff  }
0x8b: {  	v8 =	vor.u32 $0xE, v16;
	v22 =	vor.u32 $0x16, v16;
	v5 =	vld.idx.msk [tilespmem:v5+s26+$0x0], $0xffff  }
0x8c: {  	[tilespmem:$0x1FEB0] =	vst v22;
	v22 =	vor.u32 $0x17, v16;
	v6 =	vld.idx.msk [tilespmem:v6+s26+$0x0], $0xffff  }
0x8d: {  	v12 =	vor.u32 $0x10, v16;
	[tilespmem:$0x1FEC0] =	vst v22;
	vm1 =	vlt.s32 v45, $0x186A0;
	v22 =	vld.idx.msk [tilespmem:v47+s26+$0x0], $0xffff  }
0x8e: {  	v9 =	vor.u32 $0xF, v16;
	v0 =	vld.idx.msk [tilespmem:v0+s26+$0x0], $0xffff;
	v17 =	vnsel vm1, $0x0, v17  }
0x8f: {  	v40 =	vadd.f32 v17, v40;
	v17 =	vnsel vm1, $0x0, v62;
	v62 =	vnsel vm1, $0x0, v1;
	v1 =	vld.idx.msk [tilespmem:v56+s26+$0x0], $0xffff  }
0x90: {  	v49 =	vor.u32 $0xC, v16;
	v59 =	vnsel vm1, $0x0, v59;
	v56 =	vld.idx.msk [tilespmem:v8+s26+$0x0], $0xffff  }
0x91: {  	v32 =	vor.u32 $0x11, v16;
	v58 =	vnsel vm1, $0x0, v58;
	v39 =	vadd.f32 v59, v39;
	v8 =	vld [tilespmem:$0x1FEA0]  }
0x92: {  	v59 =	vnsel vm0, $0x0, v60;
	v60 =	vnsel vm1, $0x0, v61;
	v61 =	vnsel vm1, $0x0, v5;
	v5 =	vld.idx.msk [tilespmem:v12+s26+$0x0], $0xffff  }
0x93: {  	v38 =	vadd.f32 v58, v38;
	v58 =	vnsel vm1, $0x0, v4;
	v36 =	vadd.f32 v60, v36;
	v60 =	vld.idx.msk [tilespmem:v9+s26+$0x0], $0xffff  }
0x94: {  	v20 =	vor.u32 $0x14, v16;
	v15 =	vadd.f32 v58, v15;
	v58 =	vld [tilespmem:$0x1FF20]  }
0x95: {  	v11 =	vadd.f32 v61, v11;
	v61 =	vld [tilespmem:$0x1FEB0];
	v22 =	vnsel vm1, $0x0, v22  }
0x96: {  	v18 =	vor.u32 $0x12, v16;
	v37 =	vadd.f32 v22, v37;
	v22 =	vld.idx.msk [tilespmem:v49+s26+$0x0], $0xffff;
	v49 =	vnsel vm1, $0x0, v2  }
0x97: {  	v31 =	vadd.f32 v62, v31;
	v62 =	vnsel vm1, $0x0, v6;
	v30 =	vadd.f32 v49, v30;
	v49 =	vld.idx.msk [tilespmem:v32+s26+$0x0], $0xffff  }
0x98: {  	v19 =	vor.u32 $0x13, v16;
	v13 =	vadd.f32 v62, v13;
	v62 =	vld [tilespmem:$0x1FF30]  }
0x99: {  	v10 =	vadd.f32 v51, v10;
	v55 =	vnsel vm0, $0x0, v55;
	v57 =	vnsel vm0, $0x0, v57;
	v2 =	vld.idx.msk [tilespmem:v20+s26+$0x0], $0xffff  }
0x9a: {  	v63 =	vnsel vm0, $0x0, v63;
	v35 =	vadd.f32 v55, v35;
	v28 =	vadd.f32 v57, v28;
	v32 =	vld [tilespmem:$0x1FEC0]  }
0x9b: {  	v48 =	vor.u32 $0x18, v16;
	v26 =	vadd.f32 v63, v26;
	v46 =	vadd.f32 v8, v46;
	v8 =	vld.idx.msk [tilespmem:v18+s26+$0x0], $0xffff  }
0x9c: {  	v47 =	vor.u32 $0x19, v16;
	v57 =	vnsel vm1, $0x0, v60;
	v63 =	vnsel vm1, $0x0, v49;
	v49 =	vld [tilespmem:$0x1FF40]  }
0x9d: {  	[tilespmem:$0x1FED0] =	vst v48;
	v55 =	vnsel vm1, $0x0, v1;
	v1 =	vld.idx.msk [tilespmem:v19+s26+$0x0], $0xffff;
	v56 =	vnsel vm1, $0x0, v56;
	v4 =	vadd.f32 v57, v58  }
0x9e: {  	[tilespmem:$0x1FEE0] =	vst v47;
	v27 =	vadd.f32 v59, v27;
	v59 =	vnsel vm1, $0x0, v5;
	v23 =	vadd.f32 v56, v23;
	v56 =	vld [tilespmem:$0x1FED0]  }
0x9f: {  	v54 =	vnsel vm0, $0x0, v54;
	v48 =	vor.u32 $0x1A, v16;
	[tilespmem:$0x1FF20] =	vst v4;
	v4 =	vadd.f32 v59, v62;
	v59 =	vld [tilespmem:$0x1FEE0]  }
0xa0: {  	v44 =	vadd.f32 v54, v44;
	v51 =	vor.u32 $0x15, v16;
	v3 =	vnsel vm0, $0x0, v3;
	[tilespmem:$0x1FEF0] =	vst v48;
	v62 =	vld [tilespmem:$0x1FF70]  }
0xa1: {  	v41 =	vor.u32 $0x1D, v16;
	v25 =	vadd.f32 v3, v25;
	v3 =	vadd.f32 v63, v49;
	v63 =	vld [tilespmem:$0x1FEF0]  }
0xa2: {  	v52 =	vnsel vm0, $0x0, v52;
	v53 =	vnsel vm0, $0x0, v53;
	v57 =	vld [tilespmem:$0x1FF50];
	v54 =	vnsel vm1, $0x0, v22  }
0xa3: {  	v50 =	vnsel vm0, $0x0, v50;
	v45 =	vor.u32 $0x1E, v16;
	v14 =	vadd.f32 v54, v14;
	v54 =	vld.idx.msk [tilespmem:v61+s26+$0x0], $0xffff  }
0xa4: {  	p0 =	sne.s32 s18, $0x13;
	v7 =	vnsel vm0, $0x0, v7;
	v43 =	vadd.f32 v52, v43;
	v42 =	vadd.f32 v53, v42;
	v61 =	vld [tilespmem:$0x1FF60]  }
.Ltmp1:
0xa5: {  	v29 =	vadd.f32 v50, v29;
	v21 =	vadd.f32 v7, v21;
	v60 =	vld.idx.msk [tilespmem:v51+s26+$0x0], $0xffff;
	v58 =	vnsel vm1, $0x0, v1;
	(pc) =	sbr.rel @p0 .LBB2_6-.Ltmp1, $4  }
0xa6: {  	v48 =	vor.u32 $0x1B, v16;
	v50 =	vnsel vm1, $0x0, v8;
	[tilespmem:$0x1FF30] =	vst v4;
	v52 =	vld.idx.msk [tilespmem:v32+s26+$0x0], $0xffff;
	v1 =	vadd.f32 v58, v62  }
0xa7: {  	v47 =	vor.u32 $0x1C, v16;
	vm0 =	vmmov vm1;
	v53 =	vld.idx.msk [tilespmem:v56+s26+$0x0], $0xffff;
	[tilespmem:$0x1FF40] =	vst v3;
	v3 =	vadd.f32 v50, v57  }
0xa8: {  	v34 =	vadd.f32 v17, v34;
	v0 =	vnsel vm1, $0x0, v0;
	v24 =	vadd.f32 v55, v24;
	[tilespmem:$0x1FF70] =	vst v1;
	v55 =	vld.idx.msk [tilespmem:v59+s26+$0x0], $0xffff  }
0xa9: {  	v33 =	vadd.f32 v0, v33;
	v51 =	vnsel vm0, $0x0, v2;
	v49 =	vadd.s32 s18, v61;
	s18 =	sadd.s32 $0x1, s18;
	[tilespmem:$0x1FF50] =	vst v3;
	v50 =	vld.idx.msk [tilespmem:v63+s26+$0x0], $0xffff  }
0xaa: {  	_ =	sdelay $0x3  }
0xab: {  	v0 =	vshll.u32 v49, $0x5;
	v3 =	vld.idx.msk [tilespmem:v48+s26+$0x0], $0xffff  }
0xac: {  	v32 =	vld.idx.msk [tilespmem:v47+s26+$0x0], $0xffff;
	v2 =	vor.u32 $0x1F, v0  }
0xad: {  	v48 =	vld.idx.msk [tilespmem:v41+s26+$0x0], $0xffff;
	v4 =	vor.u32 $0x1, v0  }
0xae: {  	v58 =	vld.idx.msk [tilespmem:v45+s26+$0x0], $0xffff;
	v5 =	vor.u32 $0x2, v0  }
0xaf: {  	v57 =	vld.idx.msk [tilespmem:v16+s26+$0x0], $0xffff;
	v6 =	vor.u32 $0x3, v0  }
0xb0: {  	v8 =	vld.idx.msk [tilespmem:v49+s16+$0x0], $0xffff;
	v7 =	vor.u32 $0x4, v0  }
0xb1: {  	v9 =	vor.u32 $0x5, v0;
	v2 =	vld.idx.msk [tilespmem:v2+s26+$0x0], $0xffff  }
0xb2: {  	v12 =	vor.u32 $0x6, v0;
	v4 =	vld.idx.msk [tilespmem:v4+s26+$0x0], $0xffff  }
0xb3: {  	v47 =	vor.u32 $0x7, v0;
	v5 =	vld.idx.msk [tilespmem:v5+s26+$0x0], $0xffff  }
0xb4: {  	v17 =	vor.u32 $0x8, v0;
	v6 =	vld.idx.msk [tilespmem:v6+s26+$0x0], $0xffff  }
0xb5: {  	v18 =	vor.u32 $0x9, v0;
	v7 =	vld.idx.msk [tilespmem:v7+s26+$0x0], $0xffff  }
0xb6: {  	v19 =	vor.u32 $0xA, v0;
	v9 =	vld.idx.msk [tilespmem:v9+s26+$0x0], $0xffff  }
0xb7: {  	v20 =	vor.u32 $0xB, v0;
	v12 =	vld.idx.msk [tilespmem:v12+s26+$0x0], $0xffff  }
0xb8: {  	v22 =	vor.u32 $0xC, v0;
	v16 =	vld.idx.msk [tilespmem:v47+s26+$0x0], $0xffff  }
0xb9: {  	v41 =	vor.u32 $0xD, v0;
	v17 =	vld.idx.msk [tilespmem:v17+s26+$0x0], $0xffff  }
0xba: {  	v49 =	vor.u32 $0xE, v0;
	v18 =	vld.idx.msk [tilespmem:v18+s26+$0x0], $0xffff  }
0xbb: {  	v61 =	vor.u32 $0x11, v0;
	v19 =	vld.idx.msk [tilespmem:v19+s26+$0x0], $0xffff  }
0xbc: {  	v59 =	vadd.f32 v51, v10;
	vm1 =	vlt.s32 v8, $0x186A0;
	v47 =	vor.u32 $0xF, v0;
	v20 =	vld.idx.msk [tilespmem:v20+s26+$0x0], $0xffff  }
0xbd: {  	v22 =	vld.idx.msk [tilespmem:v22+s26+$0x0], $0xffff;
	v2 =	vnsel vm1, $0x0, v2;
	v4 =	vnsel vm1, $0x0, v4;
	v5 =	vnsel vm1, $0x0, v5  }
0xbe: {  	v62 =	vld.idx.msk [tilespmem:v41+s26+$0x0], $0xffff;
	v6 =	vnsel vm1, $0x0, v6;
	v1 =	vadd.f32 v2, v39;
	v2 =	vor.u32 $0x12, v0  }
0xbf: {  	v63 =	vld.idx.msk [tilespmem:v49+s26+$0x0], $0xffff;
	v7 =	vnsel vm1, $0x0, v7;
	v56 =	vadd.f32 v4, v40;
	v40 =	vor.u32 $0x13, v0  }
0xc0: {  	v61 =	vld.idx.msk [tilespmem:v61+s26+$0x0], $0xffff;
	v12 =	vnsel vm1, $0x0, v12;
	v49 =	vadd.f32 v6, v37;
	v37 =	vor.u32 $0x17, v0  }
0xc1: {  	v51 =	vadd.f32 v5, v38;
	v38 =	vld.idx.msk [tilespmem:v47+s26+$0x0], $0xffff;
	v45 =	vadd.f32 v12, v33;
	v33 =	vor.u32 $0x19, v0  }
0xc2: {  	v9 =	vnsel vm1, $0x0, v9;
	v10 =	vadd.f32 v7, v36;
	v36 =	vnsel vm0, $0x0, v54;
	v54 =	vld [tilespmem:$0x1FF80]  }
0xc3: {  	v47 =	vadd.f32 v9, v34;
	[tilespmem:$0x1FE80] =	vst v1;
	v1 =	vnsel vm0, $0x0, v60;
	v60 =	vor.u32 $0x1B, v0;
	v34 =	vld.idx.msk [tilespmem:v2+s26+$0x0], $0xffff  }
0xc4: {  	v17 =	vnsel vm1, $0x0, v17;
	v18 =	vnsel vm1, $0x0, v18;
	v2 =	vor.u32 $0x18, v0;
	v4 =	vld.idx.msk [tilespmem:v40+s26+$0x0], $0xffff  }
0xc5: {  	v40 =	vadd.f32 v17, v30;
	v30 =	vor.u32 $0x1C, v0;
	v9 =	vld.idx.msk [tilespmem:v37+s26+$0x0], $0xffff;
	v37 =	vnsel vm0, $0x0, v52  }
0xc6: {  	v39 =	vadd.f32 v18, v15;
	v18 =	vadd.f32 v37, v43;
	v43 =	vnsel vm1, $0x0, v19;
	v19 =	vld.idx.msk [tilespmem:v33+s26+$0x0], $0xffff  }
0xc7: {  	v53 =	vnsel vm0, $0x0, v53;
	v33 =	vnsel vm0, $0x0, v55;
	v55 =	vld [tilespmem:$0x1FF00]  }
0xc8: {  	v42 =	vadd.f32 v53, v42;
	v53 =	vld.idx.msk [tilespmem:v60+s26+$0x0], $0xffff  }
0xc9: {  	v8 =	vor.u32 $0x10, v0;
	v52 =	vld.idx.msk [tilespmem:v2+s26+$0x0], $0xffff  }
0xca: {  	v41 =	vnsel vm1, $0x0, v16;
	v16 =	vor.u32 $0x1A, v0;
	v60 =	vnsel vm1, $0x0, v20;
	v20 =	vld.idx.msk [tilespmem:v30+s26+$0x0], $0xffff  }
0xcb: {  	v15 =	vor.u32 $0x1D, v0;
	v30 =	vld [tilespmem:$0x1FF10]  }
0xcc: {  	v2 =	vand.u32 v54, v55;
	v54 =	vadd.f32 v33, v35;
	v35 =	vld [tilespmem:$0x1FFC0]  }
0xcd: {  	v33 =	vld [tilespmem:$0x1FFB0]  }
0xce: {  	v8 =	vld.idx.msk [tilespmem:v8+s26+$0x0], $0xffff;
	v5 =	vor.u32 $0x14, v0  }
0xcf: {  	v6 =	vor.u32 $0x15, v0;
	v11 =	vadd.f32 v43, v11;
	v43 =	vld.idx.msk [tilespmem:v16+s26+$0x0], $0xffff  }
0xd0: {  	v7 =	vor.u32 $0x16, v0;
	v16 =	vshll.u32 v55, $0x5;
	v55 =	vld.idx.msk [tilespmem:v15+s26+$0x0], $0xffff;
	v17 =	vshll.u32 v30, $0x5  }
0xd1: {  	v41 =	vadd.f32 v41, v31;
	v31 =	vor.u32 $0x1E, v0;
	v15 =	vor.u32 v35, v17;
	v35 =	vld [tilespmem:$0x1FFA0]  }
0xd2: {  	v37 =	vadd.f32 v60, v13;
	v13 =	vor.u32 v33, v17;
	v33 =	vnsel vm0, $0x0, v50;
	v50 =	vld [tilespmem:$0x1FF90]  }
0xd3: {  	v5 =	vld.idx.msk [tilespmem:v5+s26+$0x0], $0xffff  }
0xd4: {  	v3 =	vnsel vm0, $0x0, v3;
	v6 =	vld.idx.msk [tilespmem:v6+s26+$0x0], $0xffff;
	v30 =	vor.u32 $0x1, v16  }
0xd5: {  	v44 =	vadd.f32 v36, v44;
	v36 =	vnsel vm1, $0x0, v22;
	v7 =	vld.idx.msk [tilespmem:v7+s26+$0x0], $0xffff;
	v22 =	vor.u32 $0x1, v15  }
0xd6: {  	v28 =	vadd.f32 v3, v28;
	v36 =	vadd.f32 v36, v14;
	v60 =	vld.idx.msk [tilespmem:v31+s26+$0x0], $0xffff  }
0xd7: {  	[tilespmem:$0x1FE90] =	vst v2;
	v14 =	vor.u32 v35, v17;
	v12 =	vor.u32 v50, v17;
	v17 =	vld.idx.msk [tilespmem:v2+s15+$0x0], $0xffff;
	v2 =	vnsel vm1, $0x0, v63  }
0xd8: {  	v3 =	vnsel vm0, $0x0, v32;
	v31 =	vld.idx.msk [tilespmem:v0+s26+$0x0], $0xffff;
	v0 =	vor.u32 $0x1, v13;
	v32 =	vadd.f32 v2, v23  }
0xd9: {  	v29 =	vadd.f32 v33, v29;
	v33 =	vnsel vm1, $0x0, v62;
	v62 =	vld.idx.msk [tilespmem:v30+s22+$0x0], $0xffff;
	v50 =	vor.u32 $0x1, v14  }
0xda: {  	v63 =	vld.idx.msk [tilespmem:v22+s23+$0x0], $0xffff;
	[tilespmem:$0x1FE30] =	vst v32;
	v32 =	vnsel vm0, $0x0, v48  }
0xdb: {  	v22 =	vadd.f32 v3, v27;
	v3 =	vor.u32 $0x2, v15;
	v26 =	vadd.f32 v32, v26;
	v32 =	vld [tilespmem:$0x1FF30]  }
0xdc: {  	v35 =	vadd.f32 v33, v24;
	v24 =	vld.idx.msk [tilespmem:v30+s23+$0x0], $0xffff;
	v27 =	vor.u32 $0x2, v13  }
0xdd: {  	v46 =	vadd.f32 v1, v46;
	v23 =	vld.idx.msk [tilespmem:v0+s23+$0x0], $0xffff  }
0xde: {  	v8 =	vnsel vm1, $0x0, v8;
	v33 =	vnsel vm1, $0x0, v38;
	vm2 =	vgt.s32 v17, $0x1;
	v38 =	vld.idx.msk [tilespmem:v50+s23+$0x0], $0xffff  }
0xdf: {  	v1 =	vor.u32 $0x1, v12;
	v2 =	vor.u32 $0x2, v14;
	v50 =	vld [tilespmem:$0x1FF20];
	v17 =	vnsel vm2, $0x1, v17  }
0xe0: {  	v17 =	vmin.u32 v17, $0x14;
	v32 =	vadd.f32 v8, v32;
	v8 =	vnsel vm0, $0x0, v58;
	v58 =	vld.idx.msk [tilespmem:v3+s23+$0x0], $0xffff  }
0xe1: {  	v17 =	vcvt.s32.f32 v17;
	v3 =	vnsel vm1, $0x0, v61;
	v61 =	vld.idx.msk [tilespmem:v27+s23+$0x0], $0xffff  }
0xe2: {  	v30 =	vor.u32 $0x2, v16;
	v27 =	vnsel vm0, $0x0, v57;
	v57 =	vld [tilespmem:$0x1FF50]  }
0xe3: {  	(erf) = vrcp.f32 v17;
	v17 =	vld [tilespmem:$0x1FF40]  }
0xe4: {  	v25 =	vadd.f32 v8, v25;
	v8 =	vld.idx.msk [tilespmem:v2+s23+$0x0], $0xffff;
	v21 =	vadd.f32 v27, v21;
	v27 =	vor.u32 $0x3, v13  }
0xe5: {  	v33 =	vadd.f32 v33, v50;
	v50 =	vld.idx.msk [tilespmem:v1+s23+$0x0], $0xffff;
	v1 =	vor.u32 $0x2, v12  }
0xe6: {  	vm15 =	vmmov vm1;
	v0 =	vor.u32 $0x3, v16;
	v2 =	vld [tilespmem:$0x1FF70]  }
0xe7: {  	v6 =	vnsel vm15, $0x0, v6;
	v48 =	vld.idx.msk [tilespmem:v30+s22+$0x0], $0xffff  }
0xe8: {  	v34 =	vnsel vm1, $0x0, v34;
	v7 =	vnsel vm15, $0x0, v7;
	v46 =	vadd.f32 v6, v46;
	v30 =	vld.idx.msk [tilespmem:v30+s23+$0x0], $0xffff  }
0xe9: {  	v9 =	vnsel vm15, $0x0, v9;
	v44 =	vadd.f32 v7, v44;
	v34 =	vadd.f32 v34, v57;
	v27 =	vld.idx.msk [tilespmem:v27+s23+$0x0], $0xffff  }
0xea: {  	v3 =	vadd.f32 v3, v17;
	v17 =	vor.u32 $0x3, v15;
	v57 =	vld.idx.msk [tilespmem:v1+s23+$0x0], $0xffff;
	v1 =	vnsel vm1, $0x0, v4  }
0xeb: {  	v9 =	vadd.f32 v9, v18;
	v18 =	vor.u32 $0x3, v14;
	v4 =	vld.idx.msk [tilespmem:v0+s22+$0x0], $0xffff;
	v1 =	vadd.f32 v1, v2  }
0xec: {  	[tilespmem:$0x1FE40] =	vst v3;
	v3 =	vnsel vm15, $0x0, v52;
	v52 =	vld.idx.msk [tilespmem:v16+s23+$0x0], $0xffff;
	v2 =	vnsel vm15, $0x0, v43;
	v43 =	vor.u32 $0x3, v12  }
0xed: {  	v42 =	vadd.f32 v3, v42;
	v3 =	vnsel vm15, $0x0, v53;
	v29 =	vadd.f32 v2, v29;
	v53 =	vld.idx.msk [tilespmem:v12+s23+$0x0], $0xffff  }
0xee: {  	v2 =	vnsel vm15, $0x0, v55;
	[tilespmem:$0x1FE50] =	vst v1;
	v1 =	vnsel vm15, $0x0, v5;
	v5 =	vld.idx.msk [tilespmem:v0+s23+$0x0], $0xffff;
	v0 =	vnsel vm15, $0x0, v31  }
0xef: {  	v59 =	vadd.f32 v1, v59;
	v31 =	vld.idx.msk [tilespmem:v17+s23+$0x0], $0xffff;
	v1 =	vnsel vm15, $0x0, v19;
	v6 =	vadd.f32 v0, v21  }
0xf0: {  	v21 =	vadd.f32 v3, v28;
	v3 =	vnsel vm15, $0x0, v60;
	v60 =	vld.idx.msk [tilespmem:v18+s23+$0x0], $0xffff;
	v18 =	vor.u32 $0x4, v13  }
0xf1: {  	v17 =	vpop (erf);
	v19 =	vadd.f32 v2, v26;
	v2 =	vor.u32 $0x5, v12;
	v7 =	vadd.f32 v1, v54;
	[tilespmem:$0x1FE60] =	vst v59;
	v59 =	vld.idx.msk [tilespmem:v16+s22+$0x0], $0xffff  }
0xf2: {  	[tilespmem:$0x1FE70] =	vst v42;
	v42 =	vld.idx.msk [tilespmem:v15+s23+$0x0], $0xffff;
	v1 =	vnsel vm15, $0x0, v20;
	v25 =	vadd.f32 v3, v25;
	v51 =	vmul.f32 v17, v51  }
0xf3: {  	v28 =	vld.idx.msk [tilespmem:v14+s23+$0x0], $0xffff;
	v49 =	vmul.f32 v17, v49;
	v20 =	vadd.f32 v1, v22;
	v1 =	vor.u32 $0x4, v12  }
0xf4: {  	v54 =	vld.idx.msk [tilespmem:v13+s23+$0x0], $0xffff;
	v0 =	vmul.f32 v17, v6;
	v6 =	vor.u32 $0x4, v16;
	v48 =	vadd.f32 v48, v51  }
0xf5: {  	v55 =	vmul.f32 v17, v56;
	v10 =	vmul.f32 v17, v10;
	v26 =	vld.idx.msk [tilespmem:v43+s23+$0x0], $0xffff;
	v43 =	vor.u32 $0x4, v14  }
0xf6: {  	v4 =	vadd.f32 v4, v49;
	v18 =	vld.idx.msk [tilespmem:v18+s23+$0x0], $0xffff;
	v30 =	vmul.f32 v30, v48;
	v22 =	vadd.f32 v0, v59  }
0xf7: {  	v2 =	vld.idx.msk [tilespmem:v2+s23+$0x0], $0xffff;
	v49 =	vmul.f32 v61, v48;
	v61 =	vor.u32 $0x7, v16;
	v59 =	vor.u32 $0x4, v15  }
0xf8: {  	v8 =	vmul.f32 v8, v48;
	v3 =	vld.idx.msk [tilespmem:v1+s23+$0x0], $0xffff;
	v1 =	vor.u32 $0x5, v14;
	v52 =	vmul.f32 v22, v52  }
0xf9: {  	v56 =	vld.idx.msk [tilespmem:v6+s22+$0x0], $0xffff;
	v0 =	vor.u32 $0x5, v16;
	v42 =	vmul.f32 v22, v42;
	v54 =	vmul.f32 v22, v54  }
0xfa: {  	v6 =	vld.idx.msk [tilespmem:v6+s23+$0x0], $0xffff;
	v28 =	vmul.f32 v22, v28;
	v22 =	vmul.f32 v53, v22;
	v53 =	vadd.f32 v62, v55  }
0xfb: {  	v43 =	vld.idx.msk [tilespmem:v43+s23+$0x0], $0xffff;
	v62 =	vor.u32 $0x5, v13;
	v52 =	vadd.f32 $0.0e+00, v52;
	v54 =	vadd.f32 $0.0e+00, v54  }
0xfc: {  	v24 =	vmul.f32 v24, v53;
	v23 =	vmul.f32 v23, v53;
	v28 =	vadd.f32 $0.0e+00, v28;
	v55 =	vld.idx.msk [tilespmem:v59+s23+$0x0], $0xffff  }
0xfd: {  	v38 =	vmul.f32 v38, v53;
	v50 =	vmul.f32 v50, v53;
	v22 =	vadd.f32 $0.0e+00, v22;
	v1 =	vld.idx.msk [tilespmem:v1+s23+$0x0], $0xffff  }
0xfe: {  	v59 =	vor.u32 $0x5, v15;
	v10 =	vadd.f32 v56, v10;
	v56 =	vmul.f32 v60, v4;
	v60 =	vld.idx.msk [tilespmem:v61+s23+$0x0], $0xffff  }
0xff: {  	v24 =	vadd.f32 v24, v52;
	v52 =	vld.idx.msk [tilespmem:v0+s22+$0x0], $0xffff;
	v23 =	vadd.f32 v23, v54;
	v54 =	vor.u32 $0x6, v16  }
0x100: {  	v57 =	vmul.f32 v57, v48;
	v5 =	vmul.f32 v5, v4;
	v0 =	vld.idx.msk [tilespmem:v0+s23+$0x0], $0xffff;
	v22 =	vadd.f32 v50, v22  }
0x101: {  	v63 =	vmul.f32 v63, v53;
	v28 =	vadd.f32 v38, v28;
	v38 =	vor.u32 $0x6, v13;
	v53 =	vld.idx.msk [tilespmem:v62+s23+$0x0], $0xffff  }
0x102: {  	v31 =	vmul.f32 v31, v4;
	v50 =	vor.u32 $0x6, v14;
	v22 =	vadd.f32 v57, v22;
	v57 =	vld.idx.msk [tilespmem:v61+s22+$0x0], $0xffff  }
0x103: {  	v42 =	vadd.f32 $0.0e+00, v42;
	v62 =	vor.u32 $0x6, v12;
	v24 =	vadd.f32 v30, v24;
	v51 =	vld.idx.msk [tilespmem:v59+s23+$0x0], $0xffff  }
0x104: {  	v30 =	vmul.f32 v58, v48;
	v23 =	vadd.f32 v49, v23;
	v49 =	vor.u32 $0x7, v15;
	v58 =	vld.idx.msk [tilespmem:v54+s22+$0x0], $0xffff  }
0x105: {  	v27 =	vmul.f32 v27, v4;
	v42 =	vadd.f32 v63, v42;
	v61 =	vor.u32 $0x8, v16;
	v54 =	vld.idx.msk [tilespmem:v54+s23+$0x0], $0xffff  }
0x106: {  	v4 =	vmul.f32 v26, v4;
	v6 =	vmul.f32 v6, v10;
	v8 =	vadd.f32 v8, v28;
	v38 =	vld.idx.msk [tilespmem:v38+s23+$0x0], $0xffff  }
0x107: {  	v59 =	vor.u32 $0x6, v15;
	v30 =	vadd.f32 v30, v42;
	v42 =	vor.u32 $0x7, v13;
	v28 =	vld.idx.msk [tilespmem:v50+s23+$0x0], $0xffff  }
0x108: {  	v5 =	vadd.f32 v5, v24;
	v4 =	vadd.f32 v4, v22;
	v24 =	vld.idx.msk [tilespmem:v62+s23+$0x0], $0xffff;
	v62 =	vmul.f32 v17, v47  }
0x109: {  	v63 =	vmul.f32 v55, v10;
	v50 =	vor.u32 $0x7, v14;
	v30 =	vadd.f32 v31, v30;
	v26 =	vld.idx.msk [tilespmem:v49+s23+$0x0], $0xffff  }
0x10a: {  	v31 =	vor.u32 $0x8, v15;
	v47 =	vor.u32 $0x8, v13;
	v22 =	vadd.f32 v52, v62;
	v52 =	vld.idx.msk [tilespmem:v61+s22+$0x0], $0xffff  }
0x10b: {  	v5 =	vadd.f32 v6, v5;
	v6 =	vadd.f32 v63, v30;
	v63 =	vmul.f32 v43, v10;
	v43 =	vld.idx.msk [tilespmem:v61+s23+$0x0], $0xffff  }
0x10c: {  	v62 =	vor.u32 $0x8, v12;
	v48 =	vld.idx.msk [tilespmem:v59+s23+$0x0], $0xffff  }
0x10d: {  	v23 =	vadd.f32 v27, v23;
	v8 =	vadd.f32 v56, v8;
	v56 =	vor.u32 $0x9, v16;
	v27 =	vld.idx.msk [tilespmem:v42+s23+$0x0], $0xffff  }
0x10e: {  	v61 =	vor.u32 $0x9, v14;
	v42 =	vld.idx.msk [tilespmem:v50+s23+$0x0], $0xffff  }
0x10f: {  	v18 =	vmul.f32 v18, v10;
	v3 =	vmul.f32 v3, v10;
	v59 =	vor.u32 $0x7, v12;
	v10 =	vld.idx.msk [tilespmem:v31+s23+$0x0], $0xffff  }
0x110: {  	v45 =	vmul.f32 v17, v45;
	v41 =	vmul.f32 v17, v41;
	v55 =	vor.u32 $0xC, v15;
	v30 =	vld.idx.msk [tilespmem:v47+s23+$0x0], $0xffff  }
0x111: {  	v18 =	vadd.f32 v18, v23;
	v8 =	vadd.f32 v63, v8;
	v1 =	vmul.f32 v1, v22;
	v47 =	vld.idx.msk [tilespmem:v62+s23+$0x0], $0xffff  }
0x112: {  	v50 =	vor.u32 $0x8, v14;
	v23 =	vadd.f32 v58, v45;
	v62 =	vmul.f32 v53, v22;
	v53 =	vld.idx.msk [tilespmem:v56+s22+$0x0], $0xffff  }
0x113: {  	v41 =	vadd.f32 v57, v41;
	v45 =	vor.u32 $0xA, v16;
	v1 =	vadd.f32 v1, v8;
	v8 =	vld.idx.msk [tilespmem:v61+s23+$0x0], $0xffff  }
0x114: {  	v0 =	vmul.f32 v0, v22;
	v31 =	vor.u32 $0x9, v15;
	v28 =	vmul.f32 v28, v23;
	v49 =	vld.idx.msk [tilespmem:v59+s23+$0x0], $0xffff  }
0x115: {  	v63 =	vor.u32 $0x9, v12;
	v2 =	vmul.f32 v2, v22;
	v59 =	vmul.f32 v51, v22;
	v22 =	vld.idx.msk [tilespmem:v56+s23+$0x0], $0xffff  }
0x116: {  	v0 =	vadd.f32 v0, v5;
	v54 =	vmul.f32 v54, v23;
	v1 =	vadd.f32 v28, v1;
	v28 =	vld.idx.msk [tilespmem:v55+s23+$0x0], $0xffff  }
0x117: {  	v39 =	vmul.f32 v17, v39;
	v3 =	vadd.f32 v3, v4;
	v5 =	vor.u32 $0x9, v13;
	v4 =	vld.idx.msk [tilespmem:v50+s23+$0x0], $0xffff  }
0x118: {  	v57 =	vmul.f32 v60, v41;
	v58 =	vor.u32 $0xA, v13;
	v0 =	vadd.f32 v54, v0;
	v54 =	vld.idx.msk [tilespmem:v45+s22+$0x0], $0xffff  }
0x119: {  	v2 =	vadd.f32 v2, v3;
	v56 =	vmul.f32 v48, v23;
	v48 =	vor.u32 $0xA, v15;
	v31 =	vld.idx.msk [tilespmem:v31+s23+$0x0], $0xffff  }
0x11a: {  	v61 =	vor.u32 $0xA, v14;
	v6 =	vadd.f32 v59, v6;
	v59 =	vmul.f32 v38, v23;
	v38 =	vld.idx.msk [tilespmem:v63+s23+$0x0], $0xffff  }
0x11b: {  	v18 =	vadd.f32 v62, v18;
	v62 =	vor.u32 $0xA, v12;
	v63 =	vmul.f32 v24, v23;
	v23 =	vld.idx.msk [tilespmem:v45+s23+$0x0], $0xffff  }
0x11c: {  	v26 =	vmul.f32 v26, v41;
	v55 =	vor.u32 $0xD, v15;
	v0 =	vadd.f32 v57, v0;
	v5 =	vld.idx.msk [tilespmem:v5+s23+$0x0], $0xffff  }
0x11d: {  	v57 =	vor.u32 $0xC, v13;
	v3 =	vadd.f32 v56, v6;
	v6 =	vadd.f32 v59, v18;
	v18 =	vld.idx.msk [tilespmem:v58+s23+$0x0], $0xffff  }
0x11e: {  	v40 =	vmul.f32 v17, v40;
	v56 =	vor.u32 $0xB, v16;
	v45 =	vld.idx.msk [tilespmem:v48+s23+$0x0], $0xffff  }
0x11f: {  	v39 =	vadd.f32 v53, v39;
	v3 =	vadd.f32 v26, v3;
	v26 =	vld.idx.msk [tilespmem:v61+s23+$0x0], $0xffff  }
0x120: {  	v40 =	vadd.f32 v52, v40;
	v58 =	vor.u32 $0xB, v15;
	v50 =	vld.idx.msk [tilespmem:v62+s23+$0x0], $0xffff  }
0x121: {  	v27 =	vmul.f32 v27, v41;
	v59 =	vor.u32 $0xB, v13;
	v52 =	vmul.f32 v31, v39;
	v31 =	vld.idx.msk [tilespmem:v55+s23+$0x0], $0xffff  }
0x122: {  	v60 =	vor.u32 $0xB, v14;
	v42 =	vmul.f32 v42, v41;
	v53 =	vmul.f32 v5, v39;
	v5 =	vld.idx.msk [tilespmem:v57+s23+$0x0], $0xffff  }
0x123: {  	v2 =	vadd.f32 v63, v2;
	v63 =	vor.u32 $0xC, v16;
	v41 =	vmul.f32 v49, v41;
	v49 =	vld.idx.msk [tilespmem:v56+s22+$0x0], $0xffff  }
0x124: {  	v61 =	vor.u32 $0xB, v12;
	v62 =	vmul.f32 v43, v40;
	v24 =	vld.idx.msk [tilespmem:v56+s23+$0x0], $0xffff  }
0x125: {  	v2 =	vadd.f32 v41, v2;
	v41 =	vld.idx.msk [tilespmem:v58+s23+$0x0], $0xffff  }
0x126: {  	v6 =	vadd.f32 v27, v6;
	v0 =	vadd.f32 v62, v0;
	v62 =	vor.u32 $0xD, v16;
	v27 =	vld.idx.msk [tilespmem:v59+s23+$0x0], $0xffff  }
0x127: {  	v10 =	vmul.f32 v10, v40;
	v1 =	vadd.f32 v42, v1;
	v56 =	vmul.f32 v30, v40;
	v30 =	vld.idx.msk [tilespmem:v60+s23+$0x0], $0xffff  }
0x128: {  	v4 =	vmul.f32 v4, v40;
	v58 =	vor.u32 $0xC, v14;
	v59 =	vmul.f32 v47, v40;
	v40 =	vld.idx.msk [tilespmem:v63+s22+$0x0], $0xffff  }
0x129: {  	v38 =	vmul.f32 v38, v39;
	v55 =	vor.u32 $0xE, v14;
	v60 =	vor.u32 $0xC, v12;
	v48 =	vld.idx.msk [tilespmem:v61+s23+$0x0], $0xffff  }
0x12a: {  	v3 =	vadd.f32 v10, v3;
	v57 =	vmul.f32 v8, v39;
	v61 =	vmul.f32 v22, v39;
	v22 =	vld.idx.msk [tilespmem:v63+s23+$0x0], $0xffff  }
0x12b: {  	v6 =	vadd.f32 v56, v6;
	v63 =	vmul.f32 v17, v11;
	v56 =	vor.u32 $0xD, v13;
	v39 =	vld.idx.msk [tilespmem:v62+s22+$0x0], $0xffff  }
0x12c: {  	v1 =	vadd.f32 v4, v1;
	v2 =	vadd.f32 v59, v2;
	v59 =	vor.u32 $0xD, v12;
	v43 =	vld.idx.msk [tilespmem:v62+s23+$0x0], $0xffff  }
0x12d: {  	v3 =	vadd.f32 v52, v3;
	v52 =	vor.u32 $0xE, v15;
	v10 =	vadd.f32 v54, v63;
	v11 =	vld.idx.msk [tilespmem:v58+s23+$0x0], $0xffff  }
0x12e: {  	v1 =	vadd.f32 v57, v1;
	v0 =	vadd.f32 v61, v0;
	v61 =	vor.u32 $0xE, v16;
	v8 =	vld.idx.msk [tilespmem:v60+s23+$0x0], $0xffff  }
0x12f: {  	v62 =	vmul.f32 v17, v37;
	v58 =	vor.u32 $0xD, v14;
	v60 =	vmul.f32 v45, v10;
	v45 =	vld [tilespmem:$0x1FE40]  }
0x130: {  	v4 =	vadd.f32 v53, v6;
	v23 =	vmul.f32 v23, v10;
	v63 =	vmul.f32 v18, v10;
	v18 =	vld.idx.msk [tilespmem:v56+s23+$0x0], $0xffff  }
0x131: {  	v53 =	vor.u32 $0xE, v13;
	v26 =	vmul.f32 v26, v10;
	v54 =	vmul.f32 v50, v10;
	v10 =	vld.idx.msk [tilespmem:v59+s23+$0x0], $0xffff  }
0x132: {  	v2 =	vadd.f32 v38, v2;
	v59 =	vmul.f32 v17, v36;
	v36 =	vld.idx.msk [tilespmem:v52+s23+$0x0], $0xffff;
	v0 =	vadd.f32 v23, v0  }
0x133: {  	v56 =	vor.u32 $0xE, v12;
	v23 =	vadd.f32 v49, v62;
	v1 =	vadd.f32 v26, v1;
	v26 =	vld.idx.msk [tilespmem:v61+s22+$0x0], $0xffff  }
0x134: {  	v52 =	vor.u32 $0xF, v14;
	v3 =	vadd.f32 v60, v3;
	v4 =	vadd.f32 v63, v4;
	v38 =	vld.idx.msk [tilespmem:v58+s23+$0x0], $0xffff  }
0x135: {  	v62 =	vor.u32 $0xF, v13;
	v57 =	vmul.f32 v41, v23;
	v41 =	vld.idx.msk [tilespmem:v61+s23+$0x0], $0xffff;
	v27 =	vmul.f32 v27, v23  }
0x136: {  	v2 =	vadd.f32 v54, v2;
	v24 =	vmul.f32 v24, v23;
	v60 =	vmul.f32 v30, v23;
	v30 =	vld.idx.msk [tilespmem:v53+s23+$0x0], $0xffff  }
0x137: {  	v58 =	vor.u32 $0xF, v16;
	v63 =	vmul.f32 v48, v23;
	v4 =	vadd.f32 v27, v4;
	v27 =	vld.idx.msk [tilespmem:v55+s23+$0x0], $0xffff  }
0x138: {  	v35 =	vmul.f32 v17, v35;
	v0 =	vadd.f32 v24, v0;
	v23 =	vld.idx.msk [tilespmem:v56+s23+$0x0], $0xffff  }
0x139: {  	v53 =	vor.u32 $0xF, v12;
	v24 =	vadd.f32 v40, v59;
	v2 =	vadd.f32 v63, v2;
	v63 =	vld [tilespmem:$0x1FE30]  }
0x13a: {  	v48 =	vor.u32 $0x11, v16;
	v55 =	vadd.f32 v39, v35;
	v35 =	vld.idx.msk [tilespmem:v62+s23+$0x0], $0xffff  }
0x13b: {  	v61 =	vor.u32 $0xF, v15;
	v3 =	vadd.f32 v57, v3;
	v57 =	vmul.f32 v8, v24;
	v8 =	vld.idx.msk [tilespmem:v52+s23+$0x0], $0xffff  }
0x13c: {  	v54 =	vor.u32 $0x10, v16;
	v47 =	vld.idx.msk [tilespmem:v58+s22+$0x0], $0xffff  }
0x13d: {  	v51 =	vor.u32 $0x11, v15;
	v6 =	vld.idx.msk [tilespmem:v58+s23+$0x0], $0xffff  }
0x13e: {  	v49 =	vmul.f32 v17, v33;
	v56 =	vor.u32 $0x10, v15;
	v22 =	vmul.f32 v22, v24;
	v39 =	vld.idx.msk [tilespmem:v53+s23+$0x0], $0xffff  }
0x13f: {  	v1 =	vadd.f32 v60, v1;
	v60 =	vor.u32 $0x10, v14;
	v28 =	vmul.f32 v28, v24;
	v37 =	vld.idx.msk [tilespmem:v48+s23+$0x0], $0xffff  }
0x140: {  	v5 =	vmul.f32 v5, v24;
	v11 =	vmul.f32 v11, v24;
	v0 =	vadd.f32 v22, v0;
	v22 =	vld.idx.msk [tilespmem:v61+s23+$0x0], $0xffff  }
0x141: {  	v62 =	vor.u32 $0x10, v12;
	v59 =	vmul.f32 v43, v55;
	v61 =	vmul.f32 v31, v55;
	v31 =	vld.idx.msk [tilespmem:v54+s22+$0x0], $0xffff  }
0x142: {  	v18 =	vmul.f32 v18, v55;
	v10 =	vmul.f32 v10, v55;
	v1 =	vadd.f32 v11, v1;
	v11 =	vld.idx.msk [tilespmem:v54+s23+$0x0], $0xffff  }
0x143: {  	v52 =	vor.u32 $0x11, v13;
	v58 =	vor.u32 $0x10, v13;
	v4 =	vadd.f32 v5, v4;
	v33 =	vld.idx.msk [tilespmem:v56+s23+$0x0], $0xffff  }
0x144: {  	v50 =	vmul.f32 v38, v55;
	v3 =	vadd.f32 v28, v3;
	v43 =	vmul.f32 v17, v63;
	v56 =	vld.idx.msk [tilespmem:v48+s22+$0x0], $0xffff  }
0x145: {  	v2 =	vadd.f32 v57, v2;
	v54 =	vor.u32 $0x11, v14;
	v4 =	vadd.f32 v18, v4;
	v18 =	vld.idx.msk [tilespmem:v60+s23+$0x0], $0xffff  }
0x146: {  	v57 =	vor.u32 $0x11, v12;
	v0 =	vadd.f32 v59, v0;
	v40 =	vld.idx.msk [tilespmem:v62+s23+$0x0], $0xffff;
	v26 =	vadd.f32 v26, v43  }
0x147: {  	v3 =	vadd.f32 v61, v3;
	v59 =	vmul.f32 v17, v32;
	v32 =	vld.idx.msk [tilespmem:v51+s23+$0x0], $0xffff;
	v60 =	vor.u32 $0x12, v15  }
0x148: {  	v1 =	vadd.f32 v50, v1;
	v61 =	vor.u32 $0x12, v13;
	v28 =	vld.idx.msk [tilespmem:v52+s23+$0x0], $0xffff;
	v53 =	vmul.f32 v41, v26  }
0x149: {  	v62 =	vor.u32 $0x12, v14;
	v24 =	vld.idx.msk [tilespmem:v58+s23+$0x0], $0xffff;
	v55 =	vmul.f32 v36, v26;
	v27 =	vmul.f32 v27, v26  }
0x14a: {  	v50 =	vor.u32 $0x13, v15;
	v30 =	vmul.f32 v30, v26;
	v23 =	vmul.f32 v23, v26;
	v26 =	vld.idx.msk [tilespmem:v54+s23+$0x0], $0xffff  }
0x14b: {  	v5 =	vadd.f32 v47, v49;
	v1 =	vadd.f32 v27, v1;
	v27 =	vld.idx.msk [tilespmem:v57+s23+$0x0], $0xffff  }
0x14c: {  	v63 =	vor.u32 $0x12, v12;
	v58 =	vor.u32 $0x12, v16;
	v4 =	vadd.f32 v30, v4;
	v30 =	vld.idx.msk [tilespmem:v60+s23+$0x0], $0xffff  }
0x14d: {  	v2 =	vadd.f32 v10, v2;
	v10 =	vadd.f32 v31, v59;
	v49 =	vmul.f32 v35, v5;
	v35 =	vld.idx.msk [tilespmem:v61+s23+$0x0], $0xffff  }
0x14e: {  	v48 =	vmul.f32 v17, v34;
	v51 =	vor.u32 $0x13, v13;
	v47 =	vor.u32 $0x13, v16;
	v34 =	vld.idx.msk [tilespmem:v62+s23+$0x0], $0xffff  }
0x14f: {  	v6 =	vmul.f32 v6, v5;
	v0 =	vadd.f32 v53, v0;
	v57 =	vmul.f32 v18, v10;
	v18 =	vld.idx.msk [tilespmem:v50+s23+$0x0], $0xffff  }
0x150: {  	v22 =	vmul.f32 v22, v5;
	v8 =	vmul.f32 v8, v5;
	v3 =	vadd.f32 v55, v3;
	v50 =	vld [tilespmem:$0x1FE50]  }
0x151: {  	v5 =	vmul.f32 v39, v5;
	v2 =	vadd.f32 v23, v2;
	v0 =	vadd.f32 v6, v0;
	v6 =	vld.idx.msk [tilespmem:v58+s22+$0x0], $0xffff  }
0x152: {  	v42 =	vmul.f32 v17, v45;
	v52 =	vor.u32 $0x13, v14;
	v3 =	vadd.f32 v22, v3;
	v22 =	vld.idx.msk [tilespmem:v58+s23+$0x0], $0xffff  }
0x153: {  	v59 =	vor.u32 $0x14, v15;
	v2 =	vadd.f32 v5, v2;
	v5 =	vld.idx.msk [tilespmem:v63+s23+$0x0], $0xffff  }
0x154: {  	v36 =	vadd.f32 v56, v42;
	v56 =	vor.u32 $0x14, v16;
	v54 =	vld.idx.msk [tilespmem:v47+s22+$0x0], $0xffff  }
0x155: {  	v43 =	vor.u32 $0x15, v16;
	v41 =	vld.idx.msk [tilespmem:v47+s23+$0x0], $0xffff  }
0x156: {  	v42 =	vor.u32 $0x17, v16;
	v11 =	vmul.f32 v11, v10;
	v58 =	vmul.f32 v37, v36;
	v37 =	vld.idx.msk [tilespmem:v51+s23+$0x0], $0xffff  }
0x157: {  	v53 =	vmul.f32 v33, v10;
	v55 =	vor.u32 $0x13, v12;
	v1 =	vadd.f32 v8, v1;
	v8 =	vld.idx.msk [tilespmem:v52+s23+$0x0], $0xffff  }
0x158: {  	v60 =	vor.u32 $0x14, v13;
	v62 =	vor.u32 $0x14, v14;
	v61 =	vmul.f32 v32, v36;
	v47 =	vld.idx.msk [tilespmem:v59+s23+$0x0], $0xffff  }
0x159: {  	v28 =	vmul.f32 v28, v36;
	v4 =	vadd.f32 v49, v4;
	v24 =	vmul.f32 v24, v10;
	v33 =	vld.idx.msk [tilespmem:v56+s22+$0x0], $0xffff  }
0x15a: {  	v10 =	vmul.f32 v40, v10;
	v63 =	vor.u32 $0x14, v12;
	v0 =	vadd.f32 v11, v0;
	v11 =	vld.idx.msk [tilespmem:v56+s23+$0x0], $0xffff  }
0x15b: {  	v49 =	vor.u32 $0x15, v15;
	v51 =	vor.u32 $0x15, v13;
	v3 =	vadd.f32 v53, v3;
	v53 =	vld.idx.msk [tilespmem:v43+s22+$0x0], $0xffff  }
0x15c: {  	v52 =	vor.u32 $0x15, v14;
	v26 =	vmul.f32 v26, v36;
	v1 =	vadd.f32 v57, v1;
	v57 =	vld [tilespmem:$0x1FE60]  }
0x15d: {  	v4 =	vadd.f32 v24, v4;
	v24 =	vld.idx.msk [tilespmem:v55+s23+$0x0], $0xffff;
	v45 =	vmul.f32 v27, v36;
	v36 =	vmul.f32 v17, v50  }
0x15e: {  	v2 =	vadd.f32 v10, v2;
	v56 =	vor.u32 $0x16, v16;
	v10 =	vld.idx.msk [tilespmem:v60+s23+$0x0], $0xffff;
	v6 =	vadd.f32 v6, v48  }
0x15f: {  	v55 =	vld.idx.msk [tilespmem:v43+s23+$0x0], $0xffff;
	v60 =	vor.u32 $0x16, v13;
	v0 =	vadd.f32 v58, v0;
	v23 =	vadd.f32 v54, v36  }
0x160: {  	v3 =	vadd.f32 v61, v3;
	v1 =	vadd.f32 v26, v1;
	v26 =	vld.idx.msk [tilespmem:v62+s23+$0x0], $0xffff;
	v22 =	vmul.f32 v22, v6  }
0x161: {  	v4 =	vadd.f32 v28, v4;
	v32 =	vld.idx.msk [tilespmem:v51+s23+$0x0], $0xffff;
	v48 =	vmul.f32 v30, v6;
	v58 =	vmul.f32 v41, v23  }
0x162: {  	v54 =	vor.u32 $0x15, v12;
	v30 =	vld.idx.msk [tilespmem:v49+s23+$0x0], $0xffff;
	v18 =	vmul.f32 v18, v23;
	v61 =	vmul.f32 v37, v23  }
0x163: {  	v62 =	vor.u32 $0x16, v14;
	v8 =	vmul.f32 v8, v23;
	v41 =	vmul.f32 v24, v23;
	v23 =	vld.idx.msk [tilespmem:v56+s23+$0x0], $0xffff  }
0x164: {  	v2 =	vadd.f32 v45, v2;
	v35 =	vmul.f32 v35, v6;
	v5 =	vmul.f32 v5, v6;
	v49 =	vld.idx.msk [tilespmem:v60+s23+$0x0], $0xffff  }
0x165: {  	v50 =	vor.u32 $0x17, v15;
	v34 =	vmul.f32 v34, v6;
	v0 =	vadd.f32 v22, v0;
	v22 =	vld.idx.msk [tilespmem:v63+s23+$0x0], $0xffff  }
0x166: {  	v4 =	vadd.f32 v35, v4;
	v35 =	vmul.f32 v17, v57;
	v2 =	vadd.f32 v5, v2;
	v5 =	vld.idx.msk [tilespmem:v52+s23+$0x0], $0xffff  }
0x167: {  	v59 =	vor.u32 $0x16, v15;
	v1 =	vadd.f32 v34, v1;
	v37 =	vld.idx.msk [tilespmem:v54+s23+$0x0], $0xffff  }
0x168: {  	v3 =	vadd.f32 v48, v3;
	v48 =	vmul.f32 v17, v46;
	v33 =	vadd.f32 v33, v35;
	v35 =	vld.idx.msk [tilespmem:v56+s22+$0x0], $0xffff  }
0x169: {  	v60 =	vor.u32 $0x18, v15;
	v1 =	vadd.f32 v8, v1;
	v8 =	vld.idx.msk [tilespmem:v62+s23+$0x0], $0xffff  }
0x16a: {  	v63 =	vor.u32 $0x16, v12;
	v31 =	vadd.f32 v53, v48;
	v53 =	vld.idx.msk [tilespmem:v42+s22+$0x0], $0xffff  }
0x16b: {  	v52 =	vor.u32 $0x17, v14;
	v0 =	vadd.f32 v58, v0;
	v58 =	vld.idx.msk [tilespmem:v50+s23+$0x0], $0xffff  }
0x16c: {  	v54 =	vor.u32 $0x17, v12;
	v45 =	vmul.f32 v47, v33;
	v47 =	vld.idx.msk [tilespmem:v59+s23+$0x0], $0xffff  }
0x16d: {  	v56 =	vor.u32 $0x18, v16;
	v6 =	vmul.f32 v55, v31;
	v55 =	vld.idx.msk [tilespmem:v42+s23+$0x0], $0xffff  }
0x16e: {  	v43 =	vmul.f32 v11, v33;
	v11 =	vld.idx.msk [tilespmem:v60+s23+$0x0], $0xffff  }
0x16f: {  	v62 =	vor.u32 $0x18, v13;
	v59 =	vmul.f32 v17, v44;
	v34 =	vld.idx.msk [tilespmem:v63+s23+$0x0], $0xffff  }
0x170: {  	v57 =	vmul.f32 v30, v31;
	v30 =	vld.idx.msk [tilespmem:v52+s23+$0x0], $0xffff  }
0x171: {  	v51 =	vor.u32 $0x17, v13;
	v28 =	vadd.f32 v35, v59;
	v35 =	vld.idx.msk [tilespmem:v54+s23+$0x0], $0xffff  }
0x172: {  	v3 =	vadd.f32 v18, v3;
	v2 =	vadd.f32 v41, v2;
	v42 =	vor.u32 $0x18, v12;
	v41 =	vld.idx.msk [tilespmem:v56+s22+$0x0], $0xffff  }
0x173: {  	v9 =	vmul.f32 v17, v9;
	v63 =	vor.u32 $0x18, v14;
	v44 =	vld.idx.msk [tilespmem:v56+s23+$0x0], $0xffff  }
0x174: {  	v0 =	vadd.f32 v43, v0;
	v3 =	vadd.f32 v45, v3;
	v45 =	vor.u32 $0x19, v16;
	v48 =	vld.idx.msk [tilespmem:v62+s23+$0x0], $0xffff  }
0x175: {  	v7 =	vmul.f32 v17, v7;
	v36 =	vor.u32 $0x1C, v13;
	v4 =	vadd.f32 v61, v4;
	v59 =	vld [tilespmem:$0x1FE70]  }
0x176: {  	v10 =	vmul.f32 v10, v33;
	v54 =	vor.u32 $0x19, v14;
	v0 =	vadd.f32 v6, v0;
	v6 =	vld.idx.msk [tilespmem:v51+s23+$0x0], $0xffff  }
0x177: {  	v26 =	vmul.f32 v26, v33;
	v9 =	vadd.f32 v53, v9;
	v56 =	vor.u32 $0x19, v12;
	v53 =	vld.idx.msk [tilespmem:v42+s23+$0x0], $0xffff  }
0x178: {  	v61 =	vmul.f32 v32, v31;
	v22 =	vmul.f32 v22, v33;
	v62 =	vor.u32 $0x1A, v15;
	v50 =	vld.idx.msk [tilespmem:v63+s23+$0x0], $0xffff  }
0x179: {  	v4 =	vadd.f32 v10, v4;
	v51 =	vor.u32 $0x19, v13;
	v10 =	vmul.f32 v55, v9;
	v55 =	vld.idx.msk [tilespmem:v45+s22+$0x0], $0xffff  }
0x17a: {  	v40 =	vmul.f32 v37, v31;
	v3 =	vadd.f32 v57, v3;
	v43 =	vmul.f32 v23, v28;
	v24 =	vld.idx.msk [tilespmem:v45+s23+$0x0], $0xffff  }
0x17b: {  	v46 =	vmul.f32 v47, v28;
	v47 =	vmul.f32 v49, v28;
	v49 =	vor.u32 $0x19, v15;
	v63 =	vld.idx.msk [tilespmem:v54+s23+$0x0], $0xffff  }
0x17c: {  	v2 =	vadd.f32 v22, v2;
	v57 =	vmul.f32 v58, v9;
	v58 =	vor.u32 $0x1A, v16;
	v39 =	vld.idx.msk [tilespmem:v56+s23+$0x0], $0xffff  }
0x17d: {  	v0 =	vadd.f32 v43, v0;
	v3 =	vadd.f32 v46, v3;
	v45 =	vor.u32 $0x1B, v16;
	v46 =	vld.idx.msk [tilespmem:v62+s23+$0x0], $0xffff  }
0x17e: {  	v4 =	vadd.f32 v61, v4;
	v30 =	vmul.f32 v30, v9;
	v38 =	vmul.f32 v35, v9;
	v61 =	vld.idx.msk [tilespmem:v51+s23+$0x0], $0xffff  }
0x17f: {  	v0 =	vadd.f32 v10, v0;
	v10 =	vmul.f32 v17, v59;
	v60 =	vmul.f32 v6, v9;
	v9 =	vld.idx.msk [tilespmem:v36+s23+$0x0], $0xffff  }
0x180: {  	v5 =	vmul.f32 v5, v31;
	v1 =	vadd.f32 v26, v1;
	v37 =	vor.u32 $0x1A, v13;
	v27 =	vld.idx.msk [tilespmem:v49+s23+$0x0], $0xffff  }
0x181: {  	v2 =	vadd.f32 v40, v2;
	v40 =	vor.u32 $0x1A, v14;
	v10 =	vadd.f32 v41, v10;
	v41 =	vld.idx.msk [tilespmem:v58+s22+$0x0], $0xffff  }
0x182: {  	v1 =	vadd.f32 v5, v1;
	v42 =	vor.u32 $0x1A, v12;
	v7 =	vadd.f32 v55, v7;
	v55 =	vld.idx.msk [tilespmem:v45+s22+$0x0], $0xffff  }
0x183: {  	v52 =	vmul.f32 v8, v28;
	v54 =	vor.u32 $0x1B, v14;
	v3 =	vadd.f32 v57, v3;
	v57 =	vld.idx.msk [tilespmem:v45+s23+$0x0], $0xffff  }
0x184: {  	v28 =	vmul.f32 v34, v28;
	v56 =	vor.u32 $0x1B, v12;
	v23 =	vmul.f32 v44, v10;
	v44 =	vld.idx.msk [tilespmem:v58+s23+$0x0], $0xffff  }
0x185: {  	v4 =	vadd.f32 v47, v4;
	v51 =	vor.u32 $0x1B, v13;
	v18 =	vmul.f32 v48, v10;
	v48 =	vld.idx.msk [tilespmem:v37+s23+$0x0], $0xffff  }
0x186: {  	v1 =	vadd.f32 v52, v1;
	v49 =	vor.u32 $0x1B, v15;
	v47 =	vmul.f32 v50, v10;
	v50 =	vld.idx.msk [tilespmem:v40+s23+$0x0], $0xffff  }
0x187: {  	v2 =	vadd.f32 v28, v2;
	v52 =	vmul.f32 v53, v10;
	v53 =	vld.idx.msk [tilespmem:v42+s23+$0x0], $0xffff;
	v58 =	vor.u32 $0x1C, v16  }
0x188: {  	v29 =	vmul.f32 v17, v29;
	v21 =	vmul.f32 v17, v21;
	v34 =	vor.u32 $0x1E, v14;
	v35 =	vld.idx.msk [tilespmem:v54+s23+$0x0], $0xffff  }
0x189: {  	v2 =	vadd.f32 v38, v2;
	v4 =	vadd.f32 v60, v4;
	v38 =	vld.idx.msk [tilespmem:v56+s23+$0x0], $0xffff;
	v42 =	vor.u32 $0x1C, v12  }
0x18a: {  	v43 =	vmul.f32 v11, v10;
	v60 =	vmul.f32 v63, v7;
	v62 =	vld.idx.msk [tilespmem:v51+s23+$0x0], $0xffff;
	v63 =	vor.u32 $0x1C, v15  }
0x18b: {  	v6 =	vmul.f32 v61, v7;
	v32 =	vmul.f32 v39, v7;
	v39 =	vor.u32 $0x1C, v14;
	v59 =	vld.idx.msk [tilespmem:v49+s23+$0x0], $0xffff  }
0x18c: {  	v2 =	vadd.f32 v52, v2;
	v52 =	vor.u32 $0x1D, v14;
	v61 =	vadd.f32 v41, v29;
	v41 =	vld.idx.msk [tilespmem:v58+s22+$0x0], $0xffff  }
0x18d: {  	v1 =	vadd.f32 v30, v1;
	v3 =	vadd.f32 v43, v3;
	v14 =	vor.u32 $0x1F, v14;
	v43 =	vld.idx.msk [tilespmem:v58+s23+$0x0], $0xffff  }
0x18e: {  	v21 =	vadd.f32 v55, v21;
	v55 =	vor.u32 $0x1D, v12;
	v51 =	vld.idx.msk [tilespmem:v42+s23+$0x0], $0xffff  }
0x18f: {  	v1 =	vadd.f32 v47, v1;
	v2 =	vadd.f32 v32, v2;
	v32 =	vor.u32 $0x1E, v13;
	v47 =	vld.idx.msk [tilespmem:v63+s23+$0x0], $0xffff  }
0x190: {  	v24 =	vmul.f32 v24, v7;
	v0 =	vadd.f32 v23, v0;
	v4 =	vadd.f32 v18, v4;
	v49 =	vld.idx.msk [tilespmem:v39+s23+$0x0], $0xffff  }
0x191: {  	v37 =	vmul.f32 v44, v61;
	v44 =	vor.u32 $0x1D, v16;
	v8 =	vmul.f32 v53, v61;
	v63 =	vld.idx.msk [tilespmem:v52+s23+$0x0], $0xffff  }
0x192: {  	v40 =	vmul.f32 v46, v61;
	v46 =	vmul.f32 v48, v61;
	v48 =	vor.u32 $0x1D, v15;
	v14 =	vld.idx.msk [tilespmem:v14+s23+$0x0], $0xffff  }
0x193: {  	v2 =	vadd.f32 v8, v2;
	v53 =	vmul.f32 v59, v21;
	v59 =	vmul.f32 v38, v21;
	v33 =	vld.idx.msk [tilespmem:v55+s23+$0x0], $0xffff  }
0x194: {  	v27 =	vmul.f32 v27, v7;
	v18 =	vmul.f32 v50, v61;
	v50 =	vor.u32 $0x1D, v13;
	v42 =	vld.idx.msk [tilespmem:v32+s23+$0x0], $0xffff  }
0x195: {  	v19 =	vmul.f32 v17, v19;
	v61 =	vor.u32 $0x1E, v15;
	v2 =	vadd.f32 v59, v2;
	v59 =	vld [tilespmem:$0x1FFD0]  }
0x196: {  	v45 =	vmul.f32 v17, v20;
	v0 =	vadd.f32 v24, v0;
	v3 =	vadd.f32 v27, v3;
	v54 =	vld.idx.msk [tilespmem:v44+s22+$0x0], $0xffff  }
0x197: {  	v4 =	vadd.f32 v6, v4;
	v5 =	vmul.f32 v57, v21;
	v57 =	vor.u32 $0x1E, v16;
	v26 =	vld.idx.msk [tilespmem:v44+s23+$0x0], $0xffff  }
0x198: {  	v1 =	vadd.f32 v60, v1;
	v15 =	vor.u32 $0x1F, v15;
	v56 =	vmul.f32 v62, v21;
	v58 =	vld.idx.msk [tilespmem:v48+s23+$0x0], $0xffff  }
0x199: {  	v16 =	vor.u32 $0x1F, v16;
	v0 =	vadd.f32 v37, v0;
	v3 =	vadd.f32 v40, v3;
	v60 =	vld.idx.msk [tilespmem:v50+s23+$0x0], $0xffff  }
0x19a: {  	v7 =	vmul.f32 v35, v21;
	v4 =	vadd.f32 v46, v4;
	v1 =	vadd.f32 v18, v1;
	v40 =	vld.idx.msk [tilespmem:v61+s23+$0x0], $0xffff  }
0x19b: {  	v38 =	vor.u32 $0x1E, v12;
	v0 =	vadd.f32 v5, v0;
	v6 =	vadd.f32 v41, v45;
	v48 =	vld [tilespmem:$0x1FE80]  }
0x19c: {  	v12 =	vor.u32 $0x1F, v12;
	v3 =	vadd.f32 v53, v3;
	v4 =	vadd.f32 v56, v4;
	v36 =	vld.idx.msk [tilespmem:v57+s22+$0x0], $0xffff  }
0x19d: {  	v1 =	vadd.f32 v7, v1;
	v45 =	vmul.f32 v17, v25;
	v37 =	vld.idx.msk [tilespmem:v57+s23+$0x0], $0xffff;
	v62 =	vmul.f32 v43, v6  }
0x19e: {  	v44 =	vor.u32 $0x1F, v13;
	v46 =	vld.idx.msk [tilespmem:v16+s22+$0x0], $0xffff;
	v35 =	vmul.f32 v47, v6;
	v9 =	vmul.f32 v9, v6  }
0x19f: {  	v57 =	vld [tilespmem:$0x1FF00];
	v39 =	vmul.f32 v49, v6;
	v0 =	vadd.f32 v62, v0;
	v19 =	vadd.f32 v54, v19  }
0x1a0: {  	v6 =	vmul.f32 v51, v6;
	v43 =	vld.idx.msk [tilespmem:v34+s23+$0x0], $0xffff;
	v3 =	vadd.f32 v35, v3;
	v4 =	vadd.f32 v9, v4  }
0x1a1: {  	v47 =	vld.idx.msk [tilespmem:v38+s23+$0x0], $0xffff;
	v1 =	vadd.f32 v39, v1;
	v17 =	vmul.f32 v17, v48;
	v41 =	vmul.f32 v26, v19  }
0x1a2: {  	v16 =	vld.idx.msk [tilespmem:v16+s23+$0x0], $0xffff;
	v13 =	vadd.f32 v36, v45;
	v8 =	vmul.f32 v58, v19;
	v11 =	vmul.f32 v60, v19  }
0x1a3: {  	v49 =	vld.idx.msk [tilespmem:v15+s23+$0x0], $0xffff;
	v2 =	vadd.f32 v6, v2;
	v10 =	vmul.f32 v63, v19;
	v5 =	vmul.f32 v33, v19  }
0x1a4: {  	v61 =	vld [tilespmem:$0x1FFE0];
	v6 =	vand.u32 $0x78, v57;
	v50 =	vmul.f32 v37, v13;
	v51 =	vmul.f32 v40, v13  }
0x1a5: {  	v7 =	vld.idx.msk [tilespmem:v44+s23+$0x0], $0xffff;
	v9 =	vadd.f32 v46, v17;
	v52 =	vmul.f32 v42, v13;
	v53 =	vmul.f32 v43, v13  }
0x1a6: {  	v12 =	vld.idx.msk [tilespmem:v12+s23+$0x0], $0xffff;
	v54 =	vmul.f32 v47, v13;
	v0 =	vadd.f32 v41, v0;
	v3 =	vadd.f32 v8, v3  }
0x1a7: {  	v63 =	vld [tilespmem:$0x1FE90];
	v4 =	vadd.f32 v11, v4;
	v1 =	vadd.f32 v10, v1;
	v55 =	vmul.f32 v16, v9  }
0x1a8: {  	v62 =	vld [tilespmem:$0x1FFF0];
	v2 =	vadd.f32 v5, v2;
	v56 =	vmul.f32 v49, v9;
	v58 =	vmul.f32 v14, v9  }
0x1a9: {  	v8 =	vor.u32 v59, v6;
	v0 =	vadd.f32 v50, v0;
	v3 =	vadd.f32 v51, v3  }
0x1aa: {  	v7 =	vmul.f32 v7, v9;
	v4 =	vadd.f32 v52, v4;
	v1 =	vadd.f32 v53, v1  }
0x1ab: {  	v60 =	vmul.f32 v12, v9;
	v0 =	vadd.f32 v55, v0;
	v3 =	vadd.f32 v56, v3  }
0x1ac: {  	s17 =	sadd.s32 $0x1, s17;
	v9 =	vor.u32 v61, v6;
	v2 =	vadd.f32 v54, v2;
	v4 =	vadd.f32 v7, v4  }
0x1ad: {  	p0 =	sne.s32 s17, $0x8;
	v5 =	vor.u32 v62, v6;
	v1 =	vadd.f32 v58, v1;
	v3 =	vsub.f32 v0, v3  }
.Ltmp2:
0x1ae: {  	v2 =	vadd.f32 v60, v2;
	v4 =	vsub.f32 v0, v4;
	(pc) =	sbr.rel @p0 .LBB2_5-.Ltmp2, $4  }
0x1af: {  	v1 =	vsub.f32 v0, v1;
	[tilespmem:v63+s28+$0x0] =	vst.idx.msk $0xffff, v3  }
0x1b0: {  	v0 =	vsub.f32 v0, v2;
	[tilespmem:v8+s28+$0x0] =	vst.idx.msk $0xffff, v4  }
0x1b1: {  	[tilespmem:v9+s28+$0x0] =	vst.idx.msk $0xffff, v1  }
0x1b2: {  	[tilespmem:v5+s28+$0x0] =	vst.idx.msk $0xffff, v0  }
0x1b3: {  	s3 =	sadd.s32 s11, s13  }
0x1b4: {  	[hbm4b:s3+s4] =	stream.linear.scatter [tilespmem:s28], [sflag:$0x1], $0x80, $0x38;
	[tilespmem:$0x1B980] =	vst v63  }
0x1b5: {  	s0 =	sadd.s32 s11, s0  }
0x1b6: {  	[hbm4b:s0+s4] =	stream.linear.scatter [tilespmem:s29], [sflag:$0x1], $0x80, $0x38;
	[tilespmem:$0x1B980] =	vst v63  }
0x1b7: {  	s17 =	sadd.s32 s11, s1  }
0x1b8: {  	[hbm4b:s17+s4] =	stream.linear.scatter [tilespmem:s30], [sflag:$0x1], $0x80, $0x38;
	[tilespmem:$0x1B980] =	vst v63  }
0x1b9: {  	s18 =	sadd.s32 s11, s2  }
0x1ba: {  	[hbm4b:s18+s4] =	stream.linear.scatter [tilespmem:s31], [sflag:$0x1], $0x80, $0x38;
	[tilespmem:$0x1B980] =	vst v63  }
0x1bb: {  	_ =	swait.ge [sflag:s21], $0x80  }
0x1bc: {  	[sflag:s21] =	ssyncset.done $0x0  }
0x1bd: {  	[sflag:s21] =	ssyncadd.s32 $0xFFFFFF80  }
0x1be: {  	_ =	swait.ge [sflag:s21], $0x80  }
0x1bf: {  	[sflag:s21] =	ssyncset.done $0x0  }
0x1c0: {  	s7 =	sadd.s32 $0x1, s7;
	[sflag:s21] =	ssyncadd.s32 $0xFFFFFF80  }
0x1c1: {  	p0 =	sne.s32 s7, $0x4;
	_ =	swait.ge [sflag:s21], $0x80  }
.Ltmp3:
0x1c2: {  	[sflag:s21] =	ssyncset.done $0x0;
	(pc) =	sbr.rel @p0 .LBB2_2-.Ltmp3, $4  }
0x1c3: {  	[sflag:s21] =	ssyncadd.s32 $0xFFFFFF80  }
0x1c4: {  	_ =	swait.ge [sflag:s21], $0x80  }
0x1c5: {  	[sflag:s21] =	ssyncset.done $0x0  }
0x1c6: {  	[sflag:s21] =	ssyncadd.s32 $0xFFFFFF80  }
0x1c7: {  	s1 =	rddreg [dreg:$0x6]  }
0x1c8: {  	s0 =	rddreg [dreg:$0x5];
	s1 =	sadd.s32 $0x1, s1  }
0x1c9: {  	p0 =	sne.s32 s1, s0  }
.Ltmp4:
0x1ca: {  	_ = 	snop;
	(pc) =	sbr.rel @p0 .LBB2_1-.Ltmp4, $1  }
0x1cb: {  	_ =	sdelay $0x3  }
0x1cc: {  	_ =	sfence.sel $0x180000  }
0x1cd: {  	[bflag:$0x0] =	sbarrier.arrive $0xFFFF  }
0x1ce: {  	_ =	strace $0x90000047  }
0x1cf: {  	s0 =	stileid.u32;
	[bflag:$0x2] =	sbarrier.arrive $0xFFFF  }
0x1d0: {  	p0 =	sne.s32 s0, $0x0;
	s0 =	rddreg [dreg:$0x4]  }
0x1d1: {  	s0 =	sadd.s32 @!p0 $0x100000, s0  }
0x1d2: {  	[sflag:s0] =	ssyncadd.tile.s32 @!p0 $0x1;
	_ =	shalt  }
.Lfunc_end2:
_tile_overlayer_lowered:
.L_overlay_start_2:
0x1d3: {  	(tag) =	ssettag $0x2  }
0x1d4: {  	s0 =	rddreg [dreg:$0x0];
	s2 =	stileid.u32  }
0x1d5: {  	s1 =	rddreg [dreg:$0x1];
	p0 =	sne.s32 s2, $0x0  }
0x1d6: {  	s3 =	rddreg [dreg:$0x2];
	[bflag:$0x3] =	sbarrier.arrive $0xFFFF;
	s2 =	simm.s32 @!p0 $0x1C02  }
0x1d7: {  	[timem:s3], [sflag:s2] =	dma.local @!p0 [hbm:s0], s1  }
0x1d8: {  	s0 =	simm.s32 @!p0 $0x2  }
0x1d9: {  	_ =	swait.ge @!p0 [sflag:s0], s1  }
0x1da: {  	s1 =	ssub.s32 @!p0 $0x0, s1;
	[sflag:s0] =	ssyncset.done @!p0 $0x0  }
0x1db: {  	[sflag:s0] =	ssyncadd.s32 @!p0 s1  }
0x1dc: {  	[bflag:$0x3] =	sbarrier.arrive $0xFFFF  }
0x1dd: {  	_ =	shalt  }

</sc_bundles>
